<compile_context>
chip_gen: v7x
topology: tpu7x:2x2x1
jax: 0.10.2.dev20260603
libtpu: 0.0.44.dev20260713+nightly
codegen_flags: <defaults>
</compile_context>

<pallas_src>
import functools

import jax
import jax.numpy as jnp
import numpy as np
from jax import lax
from jax.experimental import pallas as pl
from jax.experimental.pallas import tpu as pltpu
from jax.experimental.pallas import tpu_sc as plsc

_H = _W = 48
_HW = _H * _W
_BC = 12
_L = 16
_NG = _HW // _L
_NP = (_HW // 8) * 3
_NC, _NS = 2, 16
_NW = _NC * _NS
_NB = 6
_D2MAX = 2 * 47 * 47 + 1
_M0 = np.float32(0.05)


def _build_tables():
    h = np.arange(48, 0, -1, dtype=np.int64)
    w = np.arange(1, 49, dtype=np.int64)
    gx = np.tile(w, 48)
    gy = np.repeat(h, 48)
    dx = gx[:, None] - gx[None, :]
    dy = gy[:, None] - gy[None, :]
    d2i = dx * dx + dy * dy
    knn = np.argsort(d2i, axis=-1, kind="stable").astype(np.int64)
    knn_t = knn.reshape(_NG, _L, _HW).transpose(0, 2, 1)
    o = knn_t.reshape(_NG, _HW // 8, 8, _L)
    w0 = o[:, :, 0] | (o[:, :, 1] << 12) | ((o[:, :, 2] & 0xFF) << 24)
    w1 = (o[:, :, 2] >> 8) | (o[:, :, 3] << 4) | (o[:, :, 4] << 16) | \
        ((o[:, :, 5] & 0xF) << 28)
    w2 = (o[:, :, 5] >> 4) | (o[:, :, 6] << 8) | (o[:, :, 7] << 20)
    packed = np.stack([w0, w1, w2], axis=2).reshape(_NG, _NP, _L)
    packed = np.ascontiguousarray(packed.astype(np.uint32).view(np.int32))
    lut = np.square(np.sqrt(np.arange(_D2MAX, dtype=np.float32)))
    return packed, lut.astype(np.float32)


_PACKED_T, _D2_LUT = _build_tables()


def _sqrt16(x):
    i = plsc.bitcast(x, jnp.int32)
    i = jnp.int32(0x5F3759DF) - lax.shift_right_logical(i, 1)
    y = plsc.bitcast(i, jnp.float32)
    for _ in range(3):
        y = y * (jnp.float32(1.5) - jnp.float32(0.5) * x * y * y)
    return x * y


def _bounds_tc_body(w_ref, out_ref):
    total = jnp.sum(w_ref[...], axis=1, keepdims=True)
    out_ref[...] = jnp.broadcast_to(total * _M0, (_BC, _L))


def _bounds_tc(weight):
    return pl.pallas_call(
        _bounds_tc_body,
        out_shape=jax.ShapeDtypeStruct((_BC, _L), jnp.float32),
    )(weight)


def _dtm_body(idx_hbm, lut_hbm, w_hbm, bnd_hbm, out_hbm, w_v, idx_v, lut_v,
              bnd_v, out_v):
    wid = lax.axis_index("s") * _NC + lax.axis_index("c")
    pltpu.sync_copy(w_hbm, w_v)
    pltpu.sync_copy(bnd_hbm, bnd_v)
    pltpu.sync_copy(lut_hbm, lut_v)
    lane = lax.iota(jnp.int32, _L)

    def _scan_pass(bcs, xi, yi):
        bcvs = [jnp.full((_L,), bc, jnp.int32) for bc in bcs]
        bndvs = [bnd_v[bc] for bc in bcs]
        nb = len(bcs)

        def cond(s):
            frs = s[1 + 3 * nb:]
            fall = frs[0]
            for f in frs[1:]:
                fall = fall & f
            return jnp.logical_and(s[0] < _HW // 8, jnp.logical_not(jnp.all(fall)))

        def step(s):
            j = s[0]
            cumws = list(s[1:1 + nb])
            cumds = list(s[1 + nb:1 + 2 * nb])
            vals = list(s[1 + 2 * nb:1 + 3 * nb])
            frs = list(s[1 + 3 * nb:])
            w0 = idx_v[3 * j]
            w1 = idx_v[3 * j + 1]
            w2 = idx_v[3 * j + 2]
            m12 = jnp.int32(0xFFF)
            sr = lax.shift_right_logical
            sl = lax.shift_left
            for idxv in (
                jnp.bitwise_and(w0, m12),
                jnp.bitwise_and(sr(w0, 12), m12),
                jnp.bitwise_or(sr(w0, 24),
                               sl(jnp.bitwise_and(w1, jnp.int32(0xF)), 8)),
                jnp.bitwise_and(sr(w1, 4), m12),
                jnp.bitwise_and(sr(w1, 16), m12),
                jnp.bitwise_or(sr(w1, 28),
                               sl(jnp.bitwise_and(w2, jnp.int32(0xFF)), 4)),
                jnp.bitwise_and(sr(w2, 8), m12),
                sr(w2, 20),
            ):
                xj = lax.rem(idxv, jnp.int32(_W))
                yj = lax.div(idxv, jnp.int32(_W))
                dx = xi - xj
                dy = yi - yj
                d2v = plsc.load_gather(lut_v, [dx * dx + dy * dy])
                for i in range(nb):
                    wv = plsc.load_gather(w_v, [bcvs[i], idxv])
                    cumws[i] = cumws[i] + wv
                    cumds[i] = cumds[i] + d2v * wv
                    cand = cumds[i] + d2v * (bndvs[i] - cumws[i])
                    vals[i] = jnp.where(frs[i], vals[i], cand)
                    frs[i] = jnp.logical_or(frs[i], cumws[i] >= bndvs[i])
            return (j + 1, *cumws, *cumds, *vals, *frs)

        z = jnp.zeros((_L,), jnp.float32)
        f0 = jnp.zeros((_L,), jnp.bool_)
        init = (jnp.int32(0), *([z] * (3 * nb)), *([f0] * nb))
        res = lax.while_loop(cond, step, init)
        vals = res[1 + 2 * nb:1 + 3 * nb]
        for i, bc in enumerate(bcs):
            out_v[bc] = _sqrt16(vals[i] / bndvs[i])

    def _do_group(t, _):
        g = jnp.minimum(wid + _NW * t, _NG - 1)
        pid = g * _L + lane
        xi = lax.rem(pid, jnp.int32(_W))
        yi = lax.div(pid, jnp.int32(_W))
        pltpu.sync_copy(idx_hbm.at[g], idx_v)
        for p in range(_BC // _NB):
            _scan_pass(range(p * _NB, (p + 1) * _NB), xi, yi)
        pltpu.sync_copy(out_v, out_hbm.at[:, pl.ds(g * _L, _L)])
        return 0

    lax.fori_loop(0, -(-_NG // _NW), _do_group, 0)


@functools.cache
def _dtm_sc():
    return functools.partial(
        pl.kernel,
        out_type=jax.ShapeDtypeStruct((_BC, _HW), jnp.float32),
        compiler_params=pltpu.CompilerParams(
            needs_layout_passes=False, use_tc_tiling_on_sc=False,
        ),
        mesh=plsc.VectorSubcoreMesh(
            core_axis_name="c", subcore_axis_name="s",
            num_cores=_NC, num_subcores=_NS,
        ),
        scratch_types=[
            pltpu.VMEM((_BC, _HW), jnp.float32),
            pltpu.VMEM((_NP, _L), jnp.int32),
            pltpu.VMEM((_D2MAX,), jnp.float32),
            pltpu.VMEM((_BC, _L), jnp.float32),
            pltpu.VMEM((_BC, _L), jnp.float32),
        ],
    )(_dtm_body)


def kernel(input):
    b, c, h, w = input.shape
    weight = input.reshape(_BC, _HW)
    bounds = _bounds_tc(weight)
    dtm = _dtm_sc()(
        jnp.asarray(_PACKED_T), jnp.asarray(_D2_LUT), weight, bounds
    )
    return dtm.reshape(b, c, h, w)

# --- scband reference (transcript-rebuilt; emitter-appended) ---
"""Pipeline reference for scband-dtmlayer-40578851012735 (READ-ONLY COPY).

The authoritative reference and input builder live on the scoring server;
editing this copy changes nothing except your own understanding.
"""

import jax, jax.numpy as jnp
import numpy as np

M0 = 0.05
LIMS = [[1, 48], [1, 48]]
SIZE = [48, 48]
R = 2


def make_grid(lims, size):
    # torch: linspace(end, start) for H (descending), linspace(start, end) for W,
    # cartesian_prod then column swap -> grid[:,0]=W coord, grid[:,1]=H coord
    h = jnp.linspace(float(lims[0][1]), float(lims[0][0]), size[0])
    w = jnp.linspace(float(lims[1][0]), float(lims[1][1]), size[1])
    hh = jnp.repeat(h, size[1])
    ww = jnp.tile(w, size[0])
    return jnp.stack([ww, hh], axis=1)


def cal_dist(grid, r=2):
    X = grid[:, None, :]
    Y = grid[None, :, :]
    if r == 2:
        return jnp.sqrt(jnp.sum((X - Y) ** 2, -1))
    elif r == 1:
        return jnp.sum(jnp.abs(X - Y), -1)
    else:
        return jnp.power(jnp.sum((X - Y) ** r, -1), 1.0 / r)


def setup_inputs(seed: int = 0) -> dict:
    key = jax.random.key(seed)
    inp = jax.random.uniform(key, (4, 3, 48, 48), dtype=jnp.float32)
    return {"input": inp}


def reference(input):
    B, C, H, W = input.shape
    HW = H * W
    grid = make_grid(LIMS, SIZE)
    dist = cal_dist(grid, 2)

    weight = input.reshape(B, C, HW)
    bound = M0 * jnp.sum(weight, -1, keepdims=True)  # [B, C, 1]

    # no_grad block in torch: data-dependent max_k, computed eagerly as python int
    sorted_weight = jnp.sort(weight, -1)
    swc = jnp.cumsum(sorted_weight, -1)
    # searchsorted(left) == count of elements strictly less than bound
    max_k = jnp.minimum(jnp.max(jnp.sum(swc < bound, -1)) + 1, HW)

    # knn: smallest max_k distances per grid point (topk largest=False)
    knn_index = jnp.argsort(dist, axis=-1)[:, :HW]  # [HW, HW]
    knn_dist = jnp.take_along_axis(dist, knn_index, axis=-1)  # [HW, HW]

    # dtm_using_knn (r=2)
    knn_weight = weight[:, :, knn_index]  # gather -> [B, C, HW, HW]
    cum_knn_weight = jnp.cumsum(knn_weight, -1)
    bound4 = bound[..., None]  # [B, C, 1, 1]
    k = jnp.sum(cum_knn_weight < bound4, -1, keepdims=True)  # searchsorted
    k = jnp.where(k == HW, k - 1, k)
    k = jnp.minimum(k, max_k - 1)
    r_dist = (knn_dist ** 2)[None, None, :, :]
    cum_dist = jnp.cumsum(r_dist * knn_weight, -1)
    val = jnp.take_along_axis(cum_dist + r_dist * (bound4 - cum_knn_weight), k, axis=-1, mode="clip")
    dtm_val = jnp.sqrt(val / bound4)
    return dtm_val[..., 0].reshape(B, C, H, W)

if __name__ == "__main__":
    import jax
    _d = setup_inputs()
    print(jax.jit(kernel)(*tuple(_d.values())))

</pallas_src>

<mosaic_0001>
#map = affine_map<(d0, d1) -> (0, 0, 0)>
#map1 = affine_map<(d0, d1) -> (0)>
#map2 = affine_map<(d0, d1) -> (0, 0)>
module attributes {stable_mosaic.version = 14 : i64} {
  func.func @_dtm_body(%arg0: i32, %arg1: i32, %arg2: memref<144x864x16xi32, #tpu.memory_space<hbm>>, %arg3: memref<4419xf32, #tpu.memory_space<hbm>>, %arg4: memref<12x2304xf32, #tpu.memory_space<hbm>>, %arg5: memref<12x16xf32, #tpu.memory_space<hbm>>, %arg6: memref<12x2304xf32, #tpu.memory_space<hbm>>, %arg7: memref<12x2304xf32, #tpu.memory_space<vmem>>, %arg8: memref<864x16xi32, #tpu.memory_space<vmem>>, %arg9: memref<4419xf32, #tpu.memory_space<vmem>>, %arg10: memref<12x16xf32, #tpu.memory_space<vmem>>, %arg11: memref<12x16xf32, #tpu.memory_space<vmem>>) attributes {dimension_semantics = [#tpu.dimension_semantics<core_parallel>, #tpu.dimension_semantics<subcore_parallel>], iteration_bounds = array<i64: 2, 16>, scalar_prefetch = 0 : i64, scratch_operands = 5 : i64, tpu.core_type = #tpu.core_type<sc_vector_subcore>, window_params = [{transform_indices = #map}, {transform_indices = #map1}, {transform_indices = #map2}, {transform_indices = #map2}, {transform_indices = #map2}]} {
    %mul3A = arith.constant 2 : i32
    %mul3A_0 = arith.muli %arg1, %mul3A : i32
    %add3A = arith.addi %mul3A_0, %arg0 : i32
    "tpu.region"() ({
      %run_scoped3A = tpu.sem_alloc : memref<!tpu.dma_semaphore, #tpu.memory_space<semaphore_mem>>
      tpu.enqueue_dma source(%arg4 : memref<12x2304xf32, #tpu.memory_space<hbm>>) target(%arg7 : memref<12x2304xf32, #tpu.memory_space<vmem>>) target_semaphore(%run_scoped3A : memref<!tpu.dma_semaphore, #tpu.memory_space<semaphore_mem>>)
      tpu.wait_dma2 semaphore(%run_scoped3A : memref<!tpu.dma_semaphore, #tpu.memory_space<semaphore_mem>>) src(%arg4 : memref<12x2304xf32, #tpu.memory_space<hbm>>) dst(%arg7 : memref<12x2304xf32, #tpu.memory_space<vmem>>)
      tpu.yield
    }) : () -> ()
    "tpu.region"() ({
      %run_scoped3A = tpu.sem_alloc : memref<!tpu.dma_semaphore, #tpu.memory_space<semaphore_mem>>
      tpu.enqueue_dma source(%arg5 : memref<12x16xf32, #tpu.memory_space<hbm>>) target(%arg10 : memref<12x16xf32, #tpu.memory_space<vmem>>) target_semaphore(%run_scoped3A : memref<!tpu.dma_semaphore, #tpu.memory_space<semaphore_mem>>)
      tpu.wait_dma2 semaphore(%run_scoped3A : memref<!tpu.dma_semaphore, #tpu.memory_space<semaphore_mem>>) src(%arg5 : memref<12x16xf32, #tpu.memory_space<hbm>>) dst(%arg10 : memref<12x16xf32, #tpu.memory_space<vmem>>)
      tpu.yield
    }) : () -> ()
    "tpu.region"() ({
      %run_scoped3A = tpu.sem_alloc : memref<!tpu.dma_semaphore, #tpu.memory_space<semaphore_mem>>
      tpu.enqueue_dma source(%arg3 : memref<4419xf32, #tpu.memory_space<hbm>>) target(%arg9 : memref<4419xf32, #tpu.memory_space<vmem>>) target_semaphore(%run_scoped3A : memref<!tpu.dma_semaphore, #tpu.memory_space<semaphore_mem>>)
      tpu.wait_dma2 semaphore(%run_scoped3A : memref<!tpu.dma_semaphore, #tpu.memory_space<semaphore_mem>>) src(%arg3 : memref<4419xf32, #tpu.memory_space<hbm>>) dst(%arg9 : memref<4419xf32, #tpu.memory_space<vmem>>)
      tpu.yield
    }) : () -> ()
    %iota3A = tpu.iota {dimensions = array<i32: 0>} : vector<16xi32>
    %scan3A = arith.constant 0 : i32
    %scan3A_1 = arith.constant 0 : i32
    %scan3A_2 = arith.constant 5 : i32
    %scan3A_3 = arith.addi %scan3A_1, %scan3A_2 : i32
    %scan3A_4 = arith.constant 1 : i32
    %scan3A_5 = scf.for %scan3A_7 = %scan3A_1 to %scan3A_3 step %scan3A_4 iter_args(%scan3A_8 = %scan3A) -> (i32)  : i32 {
      %mul3A_9 = arith.constant 32 : i32
      %mul3A_10 = arith.muli %mul3A_9, %scan3A_7 : i32
      %add3A_11 = arith.addi %add3A, %mul3A_10 : i32
      %min3A = arith.constant 143 : i32
      %min3A_12 = arith.minsi %add3A_11, %min3A : i32
      %mul3A_13 = arith.constant 16 : i32
      %mul3A_14 = arith.muli %min3A_12, %mul3A_13 : i32
      %add3A_15 = vector.broadcast %mul3A_14 : i32 to vector<16xi32>
      %add3A_16 = arith.addi %add3A_15, %iota3A : vector<16xi32>
      %rem3A = arith.constant 48 : i32
      %rem3A_17 = vector.broadcast %rem3A : i32 to vector<16xi32>
      %rem3A_18 = arith.remsi %add3A_16, %rem3A_17 : vector<16xi32>
      %div3A = arith.constant 48 : i32
      %div3A_19 = vector.broadcast %div3A : i32 to vector<16xi32>
      %div3A_20 = arith.divsi %add3A_16, %div3A_19 : vector<16xi32>
      "tpu.region"() ({
        %run_scoped3A = tpu.sem_alloc : memref<!tpu.dma_semaphore, #tpu.memory_space<semaphore_mem>>
        %dma_start3A = arith.constant 0 : i32
        %dma_start3A_593 = arith.constant 0 : i32
        %dma_start3A_594 = tpu.memref_slice %arg2[%min3A_12, %dma_start3A, %dma_start3A_593] : memref<144x864x16xi32, #tpu.memory_space<hbm>> -> memref<1x864x16xi32, #tpu.memory_space<hbm>>
        %dma_start3A_595 = tpu.memref_squeeze %dma_start3A_594 : memref<1x864x16xi32, #tpu.memory_space<hbm>> -> memref<864x16xi32, #tpu.memory_space<hbm>>
        %dma_start3A_596 = arith.constant 0 : i32
        %dma_start3A_597 = arith.constant 0 : i32
        %dma_start3A_598 = tpu.memref_slice %arg2[%min3A_12, %dma_start3A_596, %dma_start3A_597] : memref<144x864x16xi32, #tpu.memory_space<hbm>> -> memref<1x864x16xi32, #tpu.memory_space<hbm>>
        %dma_start3A_599 = tpu.memref_squeeze %dma_start3A_598 : memref<1x864x16xi32, #tpu.memory_space<hbm>> -> memref<864x16xi32, #tpu.memory_space<hbm>>
        tpu.enqueue_dma source(%dma_start3A_599 : memref<864x16xi32, #tpu.memory_space<hbm>>) target(%arg8 : memref<864x16xi32, #tpu.memory_space<vmem>>) target_semaphore(%run_scoped3A : memref<!tpu.dma_semaphore, #tpu.memory_space<semaphore_mem>>)
        %dma_wait3A = arith.constant 0 : i32
        %dma_wait3A_600 = arith.constant 0 : i32
        %dma_wait3A_601 = tpu.memref_slice %arg2[%min3A_12, %dma_wait3A, %dma_wait3A_600] : memref<144x864x16xi32, #tpu.memory_space<hbm>> -> memref<1x864x16xi32, #tpu.memory_space<hbm>>
        %dma_wait3A_602 = tpu.memref_squeeze %dma_wait3A_601 : memref<1x864x16xi32, #tpu.memory_space<hbm>> -> memref<864x16xi32, #tpu.memory_space<hbm>>
        %dma_wait3A_603 = arith.constant 0 : i32
        %dma_wait3A_604 = arith.constant 0 : i32
        %dma_wait3A_605 = tpu.memref_slice %arg2[%min3A_12, %dma_wait3A_603, %dma_wait3A_604] : memref<144x864x16xi32, #tpu.memory_space<hbm>> -> memref<1x864x16xi32, #tpu.memory_space<hbm>>
        %dma_wait3A_606 = tpu.memref_squeeze %dma_wait3A_605 : memref<1x864x16xi32, #tpu.memory_space<hbm>> -> memref<864x16xi32, #tpu.memory_space<hbm>>
        tpu.wait_dma2 semaphore(%run_scoped3A : memref<!tpu.dma_semaphore, #tpu.memory_space<semaphore_mem>>) src(%dma_wait3A_606 : memref<864x16xi32, #tpu.memory_space<hbm>>) dst(%arg8 : memref<864x16xi32, #tpu.memory_space<vmem>>)
        tpu.yield
      }) : () -> ()
      %broadcast_in_dim3A = arith.constant 0 : i32
      %broadcast_in_dim3A_21 = vector.broadcast %broadcast_in_dim3A : i32 to vector<16xi32>
      %broadcast_in_dim3A_22 = arith.constant 1 : i32
      %broadcast_in_dim3A_23 = vector.broadcast %broadcast_in_dim3A_22 : i32 to vector<16xi32>
      %broadcast_in_dim3A_24 = arith.constant 2 : i32
      %broadcast_in_dim3A_25 = vector.broadcast %broadcast_in_dim3A_24 : i32 to vector<16xi32>
      %broadcast_in_dim3A_26 = arith.constant 3 : i32
      %broadcast_in_dim3A_27 = vector.broadcast %broadcast_in_dim3A_26 : i32 to vector<16xi32>
      %broadcast_in_dim3A_28 = arith.constant 4 : i32
      %broadcast_in_dim3A_29 = vector.broadcast %broadcast_in_dim3A_28 : i32 to vector<16xi32>
      %broadcast_in_dim3A_30 = arith.constant 5 : i32
      %broadcast_in_dim3A_31 = vector.broadcast %broadcast_in_dim3A_30 : i32 to vector<16xi32>
      %get3A = arith.constant 0 : i32
      %get3A_32 = arith.index_cast %get3A : i32 to index
      %get3A_33 = arith.constant 0 : index
      %get3A_34 = tpu.vector_load %arg10[%get3A_32, %get3A_33] {strides = array<i32>} : memref<12x16xf32, #tpu.memory_space<vmem>>, vector<16xf32>,
      %get3A_35 = arith.constant 1 : i32
      %get3A_36 = arith.index_cast %get3A_35 : i32 to index
      %get3A_37 = arith.constant 0 : index
      %get3A_38 = tpu.vector_load %arg10[%get3A_36, %get3A_37] {strides = array<i32>} : memref<12x16xf32, #tpu.memory_space<vmem>>, vector<16xf32>,
      %get3A_39 = arith.constant 2 : i32
      %get3A_40 = arith.index_cast %get3A_39 : i32 to index
      %get3A_41 = arith.constant 0 : index
      %get3A_42 = tpu.vector_load %arg10[%get3A_40, %get3A_41] {strides = array<i32>} : memref<12x16xf32, #tpu.memory_space<vmem>>, vector<16xf32>,
      %get3A_43 = arith.constant 3 : i32
      %get3A_44 = arith.index_cast %get3A_43 : i32 to index
      %get3A_45 = arith.constant 0 : index
      %get3A_46 = tpu.vector_load %arg10[%get3A_44, %get3A_45] {strides = array<i32>} : memref<12x16xf32, #tpu.memory_space<vmem>>, vector<16xf32>,
      %get3A_47 = arith.constant 4 : i32
      %get3A_48 = arith.index_cast %get3A_47 : i32 to index
      %get3A_49 = arith.constant 0 : index
      %get3A_50 = tpu.vector_load %arg10[%get3A_48, %get3A_49] {strides = array<i32>} : memref<12x16xf32, #tpu.memory_space<vmem>>, vector<16xf32>,
      %get3A_51 = arith.constant 5 : i32
      %get3A_52 = arith.index_cast %get3A_51 : i32 to index
      %get3A_53 = arith.constant 0 : index
      %get3A_54 = tpu.vector_load %arg10[%get3A_52, %get3A_53] {strides = array<i32>} : memref<12x16xf32, #tpu.memory_space<vmem>>, vector<16xf32>,
      %broadcast_in_dim3A_55 = arith.constant 0.000000e+00 : f32
      %broadcast_in_dim3A_56 = vector.broadcast %broadcast_in_dim3A_55 : f32 to vector<16xf32>
      %broadcast_in_dim3A_57 = arith.constant false
      %broadcast_in_dim3A_58 = vector.broadcast %broadcast_in_dim3A_57 : i1 to vector<16xi1>
      %while3A = arith.constant 0 : i32
      %while3A_59:25 = scf.while (%while3A_593 = %while3A, %while3A_594 = %broadcast_in_dim3A_56, %while3A_595 = %broadcast_in_dim3A_56, %while3A_596 = %broadcast_in_dim3A_56, %while3A_597 = %broadcast_in_dim3A_56, %while3A_598 = %broadcast_in_dim3A_56, %while3A_599 = %broadcast_in_dim3A_56, %while3A_600 = %broadcast_in_dim3A_56, %while3A_601 = %broadcast_in_dim3A_56, %while3A_602 = %broadcast_in_dim3A_56, %while3A_603 = %broadcast_in_dim3A_56, %while3A_604 = %broadcast_in_dim3A_56, %while3A_605 = %broadcast_in_dim3A_56, %while3A_606 = %broadcast_in_dim3A_56, %while3A_607 = %broadcast_in_dim3A_56, %while3A_608 = %broadcast_in_dim3A_56, %while3A_609 = %broadcast_in_dim3A_56, %while3A_610 = %broadcast_in_dim3A_56, %while3A_611 = %broadcast_in_dim3A_56, %while3A_612 = %broadcast_in_dim3A_58, %while3A_613 = %broadcast_in_dim3A_58, %while3A_614 = %broadcast_in_dim3A_58, %while3A_615 = %broadcast_in_dim3A_58, %while3A_616 = %broadcast_in_dim3A_58, %while3A_617 = %broadcast_in_dim3A_58) : (i32, vector<16xf32>, vector<16xf32>, vector<16xf32>, vector<16xf32>, vector<16xf32>, vector<16xf32>, vector<16xf32>, vector<16xf32>, vector<16xf32>, vector<16xf32>, vector<16xf32>, vector<16xf32>, vector<16xf32>, vector<16xf32>, vector<16xf32>, vector<16xf32>, vector<16xf32>, vector<16xf32>, vector<16xi1>, vector<16xi1>, vector<16xi1>, vector<16xi1>, vector<16xi1>, vector<16xi1>) -> (i32, vector<16xf32>, vector<16xf32>, vector<16xf32>, vector<16xf32>, vector<16xf32>, vector<16xf32>, vector<16xf32>, vector<16xf32>, vector<16xf32>, vector<16xf32>, vector<16xf32>, vector<16xf32>, vector<16xf32>, vector<16xf32>, vector<16xf32>, vector<16xf32>, vector<16xf32>, vector<16xf32>, vector<16xi1>, vector<16xi1>, vector<16xi1>, vector<16xi1>, vector<16xi1>, vector<16xi1>) {
        %and3A = arith.andi %while3A_612, %while3A_613 : vector<16xi1>
        %and3A_618 = arith.andi %and3A, %while3A_614 : vector<16xi1>
        %and3A_619 = arith.andi %and3A_618, %while3A_615 : vector<16xi1>
        %and3A_620 = arith.andi %and3A_619, %while3A_616 : vector<16xi1>
        %and3A_621 = arith.andi %and3A_620, %while3A_617 : vector<16xi1>
        %lt3A = arith.constant 288 : i32
        %lt3A_622 = arith.cmpi slt, %while3A_593, %lt3A : i32
        %reduce_and3A = arith.constant 1.000000e+00 : f32
        %reduce_and3A_623 = arith.constant 0.000000e+00 : f32
        %reduce_and3A_624 = vector.broadcast %reduce_and3A : f32 to vector<16xf32>
        %reduce_and3A_625 = vector.broadcast %reduce_and3A_623 : f32 to vector<16xf32>
        %reduce_and3A_626 = arith.select %and3A_621, %reduce_and3A_624, %reduce_and3A_625 : vector<16xi1>, vector<16xf32>
        %reduce_and3A_627 = arith.constant true
        %reduce_and3A_628 = vector.broadcast %reduce_and3A_627 : i1 to vector<16xi1>
        %reduce_and3A_629 = tpu.scan <min>, %reduce_and3A_626 masked %reduce_and3A_628 : vector<16xf32>, vector<16xi1> -> vector<16xf32>
        %reduce_and3A_630 = vector.extract %reduce_and3A_629[15] : f32 from vector<16xf32>
        %reduce_and3A_631 = arith.constant 0.000000e+00 : f32
        %reduce_and3A_632 = arith.cmpf ogt, %reduce_and3A_630, %reduce_and3A_631 : f32
        %not3A = arith.constant true
        %not3A_633 = arith.xori %reduce_and3A_632, %not3A : i1
        %and3A_634 = arith.andi %lt3A_622, %not3A_633 : i1
        scf.condition(%and3A_634) %while3A_593, %while3A_594, %while3A_595, %while3A_596, %while3A_597, %while3A_598, %while3A_599, %while3A_600, %while3A_601, %while3A_602, %while3A_603, %while3A_604, %while3A_605, %while3A_606, %while3A_607, %while3A_608, %while3A_609, %while3A_610, %while3A_611, %while3A_612, %while3A_613, %while3A_614, %while3A_615, %while3A_616, %while3A_617 : i32, vector<16xf32>, vector<16xf32>, vector<16xf32>, vector<16xf32>, vector<16xf32>, vector<16xf32>, vector<16xf32>, vector<16xf32>, vector<16xf32>, vector<16xf32>, vector<16xf32>, vector<16xf32>, vector<16xf32>, vector<16xf32>, vector<16xf32>, vector<16xf32>, vector<16xf32>, vector<16xf32>, vector<16xi1>, vector<16xi1>, vector<16xi1>, vector<16xi1>, vector<16xi1>, vector<16xi1>
      } do {
      ^bb0(%while3A_593: i32, %while3A_594: vector<16xf32>, %while3A_595: vector<16xf32>, %while3A_596: vector<16xf32>, %while3A_597: vector<16xf32>, %while3A_598: vector<16xf32>, %while3A_599: vector<16xf32>, %while3A_600: vector<16xf32>, %while3A_601: vector<16xf32>, %while3A_602: vector<16xf32>, %while3A_603: vector<16xf32>, %while3A_604: vector<16xf32>, %while3A_605: vector<16xf32>, %while3A_606: vector<16xf32>, %while3A_607: vector<16xf32>, %while3A_608: vector<16xf32>, %while3A_609: vector<16xf32>, %while3A_610: vector<16xf32>, %while3A_611: vector<16xf32>, %while3A_612: vector<16xi1>, %while3A_613: vector<16xi1>, %while3A_614: vector<16xi1>, %while3A_615: vector<16xi1>, %while3A_616: vector<16xi1>, %while3A_617: vector<16xi1>):
        %mul3A_618 = arith.constant 3 : i32
        %mul3A_619 = arith.muli %mul3A_618, %while3A_593 : i32
        %get3A_620 = arith.index_cast %mul3A_619 : i32 to index
        %get3A_621 = arith.constant 0 : index
        %get3A_622 = tpu.vector_load %arg8[%get3A_620, %get3A_621] {strides = array<i32>} : memref<864x16xi32, #tpu.memory_space<vmem>>, vector<16xi32>,
        %mul3A_623 = arith.constant 3 : i32
        %mul3A_624 = arith.muli %mul3A_623, %while3A_593 : i32
        %add3A_625 = arith.constant 1 : i32
        %add3A_626 = arith.addi %mul3A_624, %add3A_625 : i32
        %get3A_627 = arith.index_cast %add3A_626 : i32 to index
        %get3A_628 = arith.constant 0 : index
        %get3A_629 = tpu.vector_load %arg8[%get3A_627, %get3A_628] {strides = array<i32>} : memref<864x16xi32, #tpu.memory_space<vmem>>, vector<16xi32>,
        %mul3A_630 = arith.constant 3 : i32
        %mul3A_631 = arith.muli %mul3A_630, %while3A_593 : i32
        %add3A_632 = arith.constant 2 : i32
        %add3A_633 = arith.addi %mul3A_631, %add3A_632 : i32
        %get3A_634 = arith.index_cast %add3A_633 : i32 to index
        %get3A_635 = arith.constant 0 : index
        %get3A_636 = tpu.vector_load %arg8[%get3A_634, %get3A_635] {strides = array<i32>} : memref<864x16xi32, #tpu.memory_space<vmem>>, vector<16xi32>,
        %and3A = arith.constant 4095 : i32
        %and3A_637 = vector.broadcast %and3A : i32 to vector<16xi32>
        %and3A_638 = arith.andi %get3A_622, %and3A_637 : vector<16xi32>
        %shift_right_logical3A_639 = arith.constant 12 : i32
        %shift_right_logical3A_640 = vector.broadcast %shift_right_logical3A_639 : i32 to vector<16xi32>
        %shift_right_logical3A_641 = arith.shrui %get3A_622, %shift_right_logical3A_640 : vector<16xi32>
        %and3A_642 = arith.constant 4095 : i32
        %and3A_643 = vector.broadcast %and3A_642 : i32 to vector<16xi32>
        %and3A_644 = arith.andi %shift_right_logical3A_641, %and3A_643 : vector<16xi32>
        %shift_right_logical3A_645 = arith.constant 24 : i32
        %shift_right_logical3A_646 = vector.broadcast %shift_right_logical3A_645 : i32 to vector<16xi32>
        %shift_right_logical3A_647 = arith.shrui %get3A_622, %shift_right_logical3A_646 : vector<16xi32>
        %and3A_648 = arith.constant 15 : i32
        %and3A_649 = vector.broadcast %and3A_648 : i32 to vector<16xi32>
        %and3A_650 = arith.andi %get3A_629, %and3A_649 : vector<16xi32>
        %shift_left3A = arith.constant 8 : i32
        %shift_left3A_651 = vector.broadcast %shift_left3A : i32 to vector<16xi32>
        %shift_left3A_652 = arith.shli %and3A_650, %shift_left3A_651 : vector<16xi32>
        %or3A = arith.ori %shift_right_logical3A_647, %shift_left3A_652 : vector<16xi32>
        %shift_right_logical3A_653 = arith.constant 4 : i32
        %shift_right_logical3A_654 = vector.broadcast %shift_right_logical3A_653 : i32 to vector<16xi32>
        %shift_right_logical3A_655 = arith.shrui %get3A_629, %shift_right_logical3A_654 : vector<16xi32>
        %and3A_656 = arith.constant 4095 : i32
        %and3A_657 = vector.broadcast %and3A_656 : i32 to vector<16xi32>
        %and3A_658 = arith.andi %shift_right_logical3A_655, %and3A_657 : vector<16xi32>
        %shift_right_logical3A_659 = arith.constant 16 : i32
        %shift_right_logical3A_660 = vector.broadcast %shift_right_logical3A_659 : i32 to vector<16xi32>
        %shift_right_logical3A_661 = arith.shrui %get3A_629, %shift_right_logical3A_660 : vector<16xi32>
        %and3A_662 = arith.constant 4095 : i32
        %and3A_663 = vector.broadcast %and3A_662 : i32 to vector<16xi32>
        %and3A_664 = arith.andi %shift_right_logical3A_661, %and3A_663 : vector<16xi32>
        %shift_right_logical3A_665 = arith.constant 28 : i32
        %shift_right_logical3A_666 = vector.broadcast %shift_right_logical3A_665 : i32 to vector<16xi32>
        %shift_right_logical3A_667 = arith.shrui %get3A_629, %shift_right_logical3A_666 : vector<16xi32>
        %and3A_668 = arith.constant 255 : i32
        %and3A_669 = vector.broadcast %and3A_668 : i32 to vector<16xi32>
        %and3A_670 = arith.andi %get3A_636, %and3A_669 : vector<16xi32>
        %shift_left3A_671 = arith.constant 4 : i32
        %shift_left3A_672 = vector.broadcast %shift_left3A_671 : i32 to vector<16xi32>
        %shift_left3A_673 = arith.shli %and3A_670, %shift_left3A_672 : vector<16xi32>
        %or3A_674 = arith.ori %shift_right_logical3A_667, %shift_left3A_673 : vector<16xi32>
        %shift_right_logical3A_675 = arith.constant 8 : i32
        %shift_right_logical3A_676 = vector.broadcast %shift_right_logical3A_675 : i32 to vector<16xi32>
        %shift_right_logical3A_677 = arith.shrui %get3A_636, %shift_right_logical3A_676 : vector<16xi32>
        %and3A_678 = arith.constant 4095 : i32
        %and3A_679 = vector.broadcast %and3A_678 : i32 to vector<16xi32>
        %and3A_680 = arith.andi %shift_right_logical3A_677, %and3A_679 : vector<16xi32>
        %shift_right_logical3A_681 = arith.constant 20 : i32
        %shift_right_logical3A_682 = vector.broadcast %shift_right_logical3A_681 : i32 to vector<16xi32>
        %shift_right_logical3A_683 = arith.shrui %get3A_636, %shift_right_logical3A_682 : vector<16xi32>
        %rem3A_684 = arith.constant 48 : i32
        %rem3A_685 = vector.broadcast %rem3A_684 : i32 to vector<16xi32>
        %rem3A_686 = arith.remsi %and3A_638, %rem3A_685 : vector<16xi32>
        %div3A_687 = arith.constant 48 : i32
        %div3A_688 = vector.broadcast %div3A_687 : i32 to vector<16xi32>
        %div3A_689 = arith.divsi %and3A_638, %div3A_688 : vector<16xi32>
        %sub3A_690 = arith.subi %rem3A_18, %rem3A_686 : vector<16xi32>
        %sub3A_691 = arith.subi %div3A_20, %div3A_689 : vector<16xi32>
        %mul3A_692 = arith.muli %sub3A_690, %sub3A_690 : vector<16xi32>
        %mul3A_693 = arith.muli %sub3A_691, %sub3A_691 : vector<16xi32>
        %add3A_694 = arith.addi %mul3A_692, %mul3A_693 : vector<16xi32>
        %gather3A = tpu.vector_load_idx %arg9[%add3A_694] : memref<4419xf32, #tpu.memory_space<vmem>>[vector<16xi32>], vector<16xf32>,
        %gather3A_695 = tpu.vector_load_idx %arg7[%broadcast_in_dim3A_21, %and3A_638] : memref<12x2304xf32, #tpu.memory_space<vmem>>[vector<16xi32>, vector<16xi32>], vector<16xf32>,
        %add3A_696 = arith.addf %while3A_594, %gather3A_695 : vector<16xf32>
        %mul3A_697 = arith.mulf %gather3A, %gather3A_695 : vector<16xf32>
        %add3A_698 = arith.addf %while3A_600, %mul3A_697 : vector<16xf32>
        %sub3A_699 = arith.subf %get3A_34, %add3A_696 : vector<16xf32>
        %mul3A_700 = arith.mulf %gather3A, %sub3A_699 : vector<16xf32>
        %add3A_701 = arith.addf %add3A_698, %mul3A_700 : vector<16xf32>
        %select_n3A = arith.select %while3A_612, %while3A_606, %add3A_701 : vector<16xi1>, vector<16xf32>
        %ge3A = arith.cmpf oge, %add3A_696, %get3A_34 : vector<16xf32>
        %or3A_702 = arith.ori %while3A_612, %ge3A : vector<16xi1>
        %gather3A_703 = tpu.vector_load_idx %arg7[%broadcast_in_dim3A_23, %and3A_638] : memref<12x2304xf32, #tpu.memory_space<vmem>>[vector<16xi32>, vector<16xi32>], vector<16xf32>,
        %add3A_704 = arith.addf %while3A_595, %gather3A_703 : vector<16xf32>
        %mul3A_705 = arith.mulf %gather3A, %gather3A_703 : vector<16xf32>
        %add3A_706 = arith.addf %while3A_601, %mul3A_705 : vector<16xf32>
        %sub3A_707 = arith.subf %get3A_38, %add3A_704 : vector<16xf32>
        %mul3A_708 = arith.mulf %gather3A, %sub3A_707 : vector<16xf32>
        %add3A_709 = arith.addf %add3A_706, %mul3A_708 : vector<16xf32>
        %select_n3A_710 = arith.select %while3A_613, %while3A_607, %add3A_709 : vector<16xi1>, vector<16xf32>
        %ge3A_711 = arith.cmpf oge, %add3A_704, %get3A_38 : vector<16xf32>
        %or3A_712 = arith.ori %while3A_613, %ge3A_711 : vector<16xi1>
        %gather3A_713 = tpu.vector_load_idx %arg7[%broadcast_in_dim3A_25, %and3A_638] : memref<12x2304xf32, #tpu.memory_space<vmem>>[vector<16xi32>, vector<16xi32>], vector<16xf32>,
        %add3A_714 = arith.addf %while3A_596, %gather3A_713 : vector<16xf32>
        %mul3A_715 = arith.mulf %gather3A, %gather3A_713 : vector<16xf32>
        %add3A_716 = arith.addf %while3A_602, %mul3A_715 : vector<16xf32>
        %sub3A_717 = arith.subf %get3A_42, %add3A_714 : vector<16xf32>
        %mul3A_718 = arith.mulf %gather3A, %sub3A_717 : vector<16xf32>
        %add3A_719 = arith.addf %add3A_716, %mul3A_718 : vector<16xf32>
        %select_n3A_720 = arith.select %while3A_614, %while3A_608, %add3A_719 : vector<16xi1>, vector<16xf32>
        %ge3A_721 = arith.cmpf oge, %add3A_714, %get3A_42 : vector<16xf32>
        %or3A_722 = arith.ori %while3A_614, %ge3A_721 : vector<16xi1>
        %gather3A_723 = tpu.vector_load_idx %arg7[%broadcast_in_dim3A_27, %and3A_638] : memref<12x2304xf32, #tpu.memory_space<vmem>>[vector<16xi32>, vector<16xi32>], vector<16xf32>,
        %add3A_724 = arith.addf %while3A_597, %gather3A_723 : vector<16xf32>
        %mul3A_725 = arith.mulf %gather3A, %gather3A_723 : vector<16xf32>
        %add3A_726 = arith.addf %while3A_603, %mul3A_725 : vector<16xf32>
        %sub3A_727 = arith.subf %get3A_46, %add3A_724 : vector<16xf32>
        %mul3A_728 = arith.mulf %gather3A, %sub3A_727 : vector<16xf32>
        %add3A_729 = arith.addf %add3A_726, %mul3A_728 : vector<16xf32>
        %select_n3A_730 = arith.select %while3A_615, %while3A_609, %add3A_729 : vector<16xi1>, vector<16xf32>
        %ge3A_731 = arith.cmpf oge, %add3A_724, %get3A_46 : vector<16xf32>
        %or3A_732 = arith.ori %while3A_615, %ge3A_731 : vector<16xi1>
        %gather3A_733 = tpu.vector_load_idx %arg7[%broadcast_in_dim3A_29, %and3A_638] : memref<12x2304xf32, #tpu.memory_space<vmem>>[vector<16xi32>, vector<16xi32>], vector<16xf32>,
        %add3A_734 = arith.addf %while3A_598, %gather3A_733 : vector<16xf32>
        %mul3A_735 = arith.mulf %gather3A, %gather3A_733 : vector<16xf32>
        %add3A_736 = arith.addf %while3A_604, %mul3A_735 : vector<16xf32>
        %sub3A_737 = arith.subf %get3A_50, %add3A_734 : vector<16xf32>
        %mul3A_738 = arith.mulf %gather3A, %sub3A_737 : vector<16xf32>
        %add3A_739 = arith.addf %add3A_736, %mul3A_738 : vector<16xf32>
        %select_n3A_740 = arith.select %while3A_616, %while3A_610, %add3A_739 : vector<16xi1>, vector<16xf32>
        %ge3A_741 = arith.cmpf oge, %add3A_734, %get3A_50 : vector<16xf32>
        %or3A_742 = arith.ori %while3A_616, %ge3A_741 : vector<16xi1>
        %gather3A_743 = tpu.vector_load_idx %arg7[%broadcast_in_dim3A_31, %and3A_638] : memref<12x2304xf32, #tpu.memory_space<vmem>>[vector<16xi32>, vector<16xi32>], vector<16xf32>,
        %add3A_744 = arith.addf %while3A_599, %gather3A_743 : vector<16xf32>
        %mul3A_745 = arith.mulf %gather3A, %gather3A_743 : vector<16xf32>
        %add3A_746 = arith.addf %while3A_605, %mul3A_745 : vector<16xf32>
        %sub3A_747 = arith.subf %get3A_54, %add3A_744 : vector<16xf32>
        %mul3A_748 = arith.mulf %gather3A, %sub3A_747 : vector<16xf32>
        %add3A_749 = arith.addf %add3A_746, %mul3A_748 : vector<16xf32>
        %select_n3A_750 = arith.select %while3A_617, %while3A_611, %add3A_749 : vector<16xi1>, vector<16xf32>
        %ge3A_751 = arith.cmpf oge, %add3A_744, %get3A_54 : vector<16xf32>
        %or3A_752 = arith.ori %while3A_617, %ge3A_751 : vector<16xi1>
        %rem3A_753 = arith.constant 48 : i32
        %rem3A_754 = vector.broadcast %rem3A_753 : i32 to vector<16xi32>
        %rem3A_755 = arith.remsi %and3A_644, %rem3A_754 : vector<16xi32>
        %div3A_756 = arith.constant 48 : i32
        %div3A_757 = vector.broadcast %div3A_756 : i32 to vector<16xi32>
        %div3A_758 = arith.divsi %and3A_644, %div3A_757 : vector<16xi32>
        %sub3A_759 = arith.subi %rem3A_18, %rem3A_755 : vector<16xi32>
        %sub3A_760 = arith.subi %div3A_20, %div3A_758 : vector<16xi32>
        %mul3A_761 = arith.muli %sub3A_759, %sub3A_759 : vector<16xi32>
        %mul3A_762 = arith.muli %sub3A_760, %sub3A_760 : vector<16xi32>
        %add3A_763 = arith.addi %mul3A_761, %mul3A_762 : vector<16xi32>
        %gather3A_764 = tpu.vector_load_idx %arg9[%add3A_763] : memref<4419xf32, #tpu.memory_space<vmem>>[vector<16xi32>], vector<16xf32>,
        %gather3A_765 = tpu.vector_load_idx %arg7[%broadcast_in_dim3A_21, %and3A_644] : memref<12x2304xf32, #tpu.memory_space<vmem>>[vector<16xi32>, vector<16xi32>], vector<16xf32>,
        %add3A_766 = arith.addf %add3A_696, %gather3A_765 : vector<16xf32>
        %mul3A_767 = arith.mulf %gather3A_764, %gather3A_765 : vector<16xf32>
        %add3A_768 = arith.addf %add3A_698, %mul3A_767 : vector<16xf32>
        %sub3A_769 = arith.subf %get3A_34, %add3A_766 : vector<16xf32>
        %mul3A_770 = arith.mulf %gather3A_764, %sub3A_769 : vector<16xf32>
        %add3A_771 = arith.addf %add3A_768, %mul3A_770 : vector<16xf32>
        %select_n3A_772 = arith.select %or3A_702, %select_n3A, %add3A_771 : vector<16xi1>, vector<16xf32>
        %ge3A_773 = arith.cmpf oge, %add3A_766, %get3A_34 : vector<16xf32>
        %or3A_774 = arith.ori %or3A_702, %ge3A_773 : vector<16xi1>
        %gather3A_775 = tpu.vector_load_idx %arg7[%broadcast_in_dim3A_23, %and3A_644] : memref<12x2304xf32, #tpu.memory_space<vmem>>[vector<16xi32>, vector<16xi32>], vector<16xf32>,
        %add3A_776 = arith.addf %add3A_704, %gather3A_775 : vector<16xf32>
        %mul3A_777 = arith.mulf %gather3A_764, %gather3A_775 : vector<16xf32>
        %add3A_778 = arith.addf %add3A_706, %mul3A_777 : vector<16xf32>
        %sub3A_779 = arith.subf %get3A_38, %add3A_776 : vector<16xf32>
        %mul3A_780 = arith.mulf %gather3A_764, %sub3A_779 : vector<16xf32>
        %add3A_781 = arith.addf %add3A_778, %mul3A_780 : vector<16xf32>
        %select_n3A_782 = arith.select %or3A_712, %select_n3A_710, %add3A_781 : vector<16xi1>, vector<16xf32>
        %ge3A_783 = arith.cmpf oge, %add3A_776, %get3A_38 : vector<16xf32>
        %or3A_784 = arith.ori %or3A_712, %ge3A_783 : vector<16xi1>
        %gather3A_785 = tpu.vector_load_idx %arg7[%broadcast_in_dim3A_25, %and3A_644] : memref<12x2304xf32, #tpu.memory_space<vmem>>[vector<16xi32>, vector<16xi32>], vector<16xf32>,
        %add3A_786 = arith.addf %add3A_714, %gather3A_785 : vector<16xf32>
        %mul3A_787 = arith.mulf %gather3A_764, %gather3A_785 : vector<16xf32>
        %add3A_788 = arith.addf %add3A_716, %mul3A_787 : vector<16xf32>
        %sub3A_789 = arith.subf %get3A_42, %add3A_786 : vector<16xf32>
        %mul3A_790 = arith.mulf %gather3A_764, %sub3A_789 : vector<16xf32>
        %add3A_791 = arith.addf %add3A_788, %mul3A_790 : vector<16xf32>
        %select_n3A_792 = arith.select %or3A_722, %select_n3A_720, %add3A_791 : vector<16xi1>, vector<16xf32>
        %ge3A_793 = arith.cmpf oge, %add3A_786, %get3A_42 : vector<16xf32>
        %or3A_794 = arith.ori %or3A_722, %ge3A_793 : vector<16xi1>
        %gather3A_795 = tpu.vector_load_idx %arg7[%broadcast_in_dim3A_27, %and3A_644] : memref<12x2304xf32, #tpu.memory_space<vmem>>[vector<16xi32>, vector<16xi32>], vector<16xf32>,
        %add3A_796 = arith.addf %add3A_724, %gather3A_795 : vector<16xf32>
        %mul3A_797 = arith.mulf %gather3A_764, %gather3A_795 : vector<16xf32>
        %add3A_798 = arith.addf %add3A_726, %mul3A_797 : vector<16xf32>
        %sub3A_799 = arith.subf %get3A_46, %add3A_796 : vector<16xf32>
        %mul3A_800 = arith.mulf %gather3A_764, %sub3A_799 : vector<16xf32>
        %add3A_801 = arith.addf %add3A_798, %mul3A_800 : vector<16xf32>
        %select_n3A_802 = arith.select %or3A_732, %select_n3A_730, %add3A_801 : vector<16xi1>, vector<16xf32>
        %ge3A_803 = arith.cmpf oge, %add3A_796, %get3A_46 : vector<16xf32>
        %or3A_804 = arith.ori %or3A_732, %ge3A_803 : vector<16xi1>
        %gather3A_805 = tpu.vector_load_idx %arg7[%broadcast_in_dim3A_29, %and3A_644] : memref<12x2304xf32, #tpu.memory_space<vmem>>[vector<16xi32>, vector<16xi32>], vector<16xf32>,
        %add3A_806 = arith.addf %add3A_734, %gather3A_805 : vector<16xf32>
        %mul3A_807 = arith.mulf %gather3A_764, %gather3A_805 : vector<16xf32>
        %add3A_808 = arith.addf %add3A_736, %mul3A_807 : vector<16xf32>
        %sub3A_809 = arith.subf %get3A_50, %add3A_806 : vector<16xf32>
        %mul3A_810 = arith.mulf %gather3A_764, %sub3A_809 : vector<16xf32>
        %add3A_811 = arith.addf %add3A_808, %mul3A_810 : vector<16xf32>
        %select_n3A_812 = arith.select %or3A_742, %select_n3A_740, %add3A_811 : vector<16xi1>, vector<16xf32>
        %ge3A_813 = arith.cmpf oge, %add3A_806, %get3A_50 : vector<16xf32>
        %or3A_814 = arith.ori %or3A_742, %ge3A_813 : vector<16xi1>
        %gather3A_815 = tpu.vector_load_idx %arg7[%broadcast_in_dim3A_31, %and3A_644] : memref<12x2304xf32, #tpu.memory_space<vmem>>[vector<16xi32>, vector<16xi32>], vector<16xf32>,
        %add3A_816 = arith.addf %add3A_744, %gather3A_815 : vector<16xf32>
        %mul3A_817 = arith.mulf %gather3A_764, %gather3A_815 : vector<16xf32>
        %add3A_818 = arith.addf %add3A_746, %mul3A_817 : vector<16xf32>
        %sub3A_819 = arith.subf %get3A_54, %add3A_816 : vector<16xf32>
        %mul3A_820 = arith.mulf %gather3A_764, %sub3A_819 : vector<16xf32>
        %add3A_821 = arith.addf %add3A_818, %mul3A_820 : vector<16xf32>
        %select_n3A_822 = arith.select %or3A_752, %select_n3A_750, %add3A_821 : vector<16xi1>, vector<16xf32>
        %ge3A_823 = arith.cmpf oge, %add3A_816, %get3A_54 : vector<16xf32>
        %or3A_824 = arith.ori %or3A_752, %ge3A_823 : vector<16xi1>
        %rem3A_825 = arith.constant 48 : i32
        %rem3A_826 = vector.broadcast %rem3A_825 : i32 to vector<16xi32>
        %rem3A_827 = arith.remsi %or3A, %rem3A_826 : vector<16xi32>
        %div3A_828 = arith.constant 48 : i32
        %div3A_829 = vector.broadcast %div3A_828 : i32 to vector<16xi32>
        %div3A_830 = arith.divsi %or3A, %div3A_829 : vector<16xi32>
        %sub3A_831 = arith.subi %rem3A_18, %rem3A_827 : vector<16xi32>
        %sub3A_832 = arith.subi %div3A_20, %div3A_830 : vector<16xi32>
        %mul3A_833 = arith.muli %sub3A_831, %sub3A_831 : vector<16xi32>
        %mul3A_834 = arith.muli %sub3A_832, %sub3A_832 : vector<16xi32>
        %add3A_835 = arith.addi %mul3A_833, %mul3A_834 : vector<16xi32>
        %gather3A_836 = tpu.vector_load_idx %arg9[%add3A_835] : memref<4419xf32, #tpu.memory_space<vmem>>[vector<16xi32>], vector<16xf32>,
        %gather3A_837 = tpu.vector_load_idx %arg7[%broadcast_in_dim3A_21, %or3A] : memref<12x2304xf32, #tpu.memory_space<vmem>>[vector<16xi32>, vector<16xi32>], vector<16xf32>,
        %add3A_838 = arith.addf %add3A_766, %gather3A_837 : vector<16xf32>
        %mul3A_839 = arith.mulf %gather3A_836, %gather3A_837 : vector<16xf32>
        %add3A_840 = arith.addf %add3A_768, %mul3A_839 : vector<16xf32>
        %sub3A_841 = arith.subf %get3A_34, %add3A_838 : vector<16xf32>
        %mul3A_842 = arith.mulf %gather3A_836, %sub3A_841 : vector<16xf32>
        %add3A_843 = arith.addf %add3A_840, %mul3A_842 : vector<16xf32>
        %select_n3A_844 = arith.select %or3A_774, %select_n3A_772, %add3A_843 : vector<16xi1>, vector<16xf32>
        %ge3A_845 = arith.cmpf oge, %add3A_838, %get3A_34 : vector<16xf32>
        %or3A_846 = arith.ori %or3A_774, %ge3A_845 : vector<16xi1>
        %gather3A_847 = tpu.vector_load_idx %arg7[%broadcast_in_dim3A_23, %or3A] : memref<12x2304xf32, #tpu.memory_space<vmem>>[vector<16xi32>, vector<16xi32>], vector<16xf32>,
        %add3A_848 = arith.addf %add3A_776, %gather3A_847 : vector<16xf32>
        %mul3A_849 = arith.mulf %gather3A_836, %gather3A_847 : vector<16xf32>
        %add3A_850 = arith.addf %add3A_778, %mul3A_849 : vector<16xf32>
        %sub3A_851 = arith.subf %get3A_38, %add3A_848 : vector<16xf32>
        %mul3A_852 = arith.mulf %gather3A_836, %sub3A_851 : vector<16xf32>
        %add3A_853 = arith.addf %add3A_850, %mul3A_852 : vector<16xf32>
        %select_n3A_854 = arith.select %or3A_784, %select_n3A_782, %add3A_853 : vector<16xi1>, vector<16xf32>
        %ge3A_855 = arith.cmpf oge, %add3A_848, %get3A_38 : vector<16xf32>
        %or3A_856 = arith.ori %or3A_784, %ge3A_855 : vector<16xi1>
        %gather3A_857 = tpu.vector_load_idx %arg7[%broadcast_in_dim3A_25, %or3A] : memref<12x2304xf32, #tpu.memory_space<vmem>>[vector<16xi32>, vector<16xi32>], vector<16xf32>,
        %add3A_858 = arith.addf %add3A_786, %gather3A_857 : vector<16xf32>
        %mul3A_859 = arith.mulf %gather3A_836, %gather3A_857 : vector<16xf32>
        %add3A_860 = arith.addf %add3A_788, %mul3A_859 : vector<16xf32>
        %sub3A_861 = arith.subf %get3A_42, %add3A_858 : vector<16xf32>
        %mul3A_862 = arith.mulf %gather3A_836, %sub3A_861 : vector<16xf32>
        %add3A_863 = arith.addf %add3A_860, %mul3A_862 : vector<16xf32>
        %select_n3A_864 = arith.select %or3A_794, %select_n3A_792, %add3A_863 : vector<16xi1>, vector<16xf32>
        %ge3A_865 = arith.cmpf oge, %add3A_858, %get3A_42 : vector<16xf32>
        %or3A_866 = arith.ori %or3A_794, %ge3A_865 : vector<16xi1>
        %gather3A_867 = tpu.vector_load_idx %arg7[%broadcast_in_dim3A_27, %or3A] : memref<12x2304xf32, #tpu.memory_space<vmem>>[vector<16xi32>, vector<16xi32>], vector<16xf32>,
        %add3A_868 = arith.addf %add3A_796, %gather3A_867 : vector<16xf32>
        %mul3A_869 = arith.mulf %gather3A_836, %gather3A_867 : vector<16xf32>
        %add3A_870 = arith.addf %add3A_798, %mul3A_869 : vector<16xf32>
        %sub3A_871 = arith.subf %get3A_46, %add3A_868 : vector<16xf32>
        %mul3A_872 = arith.mulf %gather3A_836, %sub3A_871 : vector<16xf32>
        %add3A_873 = arith.addf %add3A_870, %mul3A_872 : vector<16xf32>
        %select_n3A_874 = arith.select %or3A_804, %select_n3A_802, %add3A_873 : vector<16xi1>, vector<16xf32>
        %ge3A_875 = arith.cmpf oge, %add3A_868, %get3A_46 : vector<16xf32>
        %or3A_876 = arith.ori %or3A_804, %ge3A_875 : vector<16xi1>
        %gather3A_877 = tpu.vector_load_idx %arg7[%broadcast_in_dim3A_29, %or3A] : memref<12x2304xf32, #tpu.memory_space<vmem>>[vector<16xi32>, vector<16xi32>], vector<16xf32>,
        %add3A_878 = arith.addf %add3A_806, %gather3A_877 : vector<16xf32>
        %mul3A_879 = arith.mulf %gather3A_836, %gather3A_877 : vector<16xf32>
        %add3A_880 = arith.addf %add3A_808, %mul3A_879 : vector<16xf32>
        %sub3A_881 = arith.subf %get3A_50, %add3A_878 : vector<16xf32>
        %mul3A_882 = arith.mulf %gather3A_836, %sub3A_881 : vector<16xf32>
        %add3A_883 = arith.addf %add3A_880, %mul3A_882 : vector<16xf32>
        %select_n3A_884 = arith.select %or3A_814, %select_n3A_812, %add3A_883 : vector<16xi1>, vector<16xf32>
        %ge3A_885 = arith.cmpf oge, %add3A_878, %get3A_50 : vector<16xf32>
        %or3A_886 = arith.ori %or3A_814, %ge3A_885 : vector<16xi1>
        %gather3A_887 = tpu.vector_load_idx %arg7[%broadcast_in_dim3A_31, %or3A] : memref<12x2304xf32, #tpu.memory_space<vmem>>[vector<16xi32>, vector<16xi32>], vector<16xf32>,
        %add3A_888 = arith.addf %add3A_816, %gather3A_887 : vector<16xf32>
        %mul3A_889 = arith.mulf %gather3A_836, %gather3A_887 : vector<16xf32>
        %add3A_890 = arith.addf %add3A_818, %mul3A_889 : vector<16xf32>
        %sub3A_891 = arith.subf %get3A_54, %add3A_888 : vector<16xf32>
        %mul3A_892 = arith.mulf %gather3A_836, %sub3A_891 : vector<16xf32>
        %add3A_893 = arith.addf %add3A_890, %mul3A_892 : vector<16xf32>
        %select_n3A_894 = arith.select %or3A_824, %select_n3A_822, %add3A_893 : vector<16xi1>, vector<16xf32>
        %ge3A_895 = arith.cmpf oge, %add3A_888, %get3A_54 : vector<16xf32>
        %or3A_896 = arith.ori %or3A_824, %ge3A_895 : vector<16xi1>
        %rem3A_897 = arith.constant 48 : i32
        %rem3A_898 = vector.broadcast %rem3A_897 : i32 to vector<16xi32>
        %rem3A_899 = arith.remsi %and3A_658, %rem3A_898 : vector<16xi32>
        %div3A_900 = arith.constant 48 : i32
        %div3A_901 = vector.broadcast %div3A_900 : i32 to vector<16xi32>
        %div3A_902 = arith.divsi %and3A_658, %div3A_901 : vector<16xi32>
        %sub3A_903 = arith.subi %rem3A_18, %rem3A_899 : vector<16xi32>
        %sub3A_904 = arith.subi %div3A_20, %div3A_902 : vector<16xi32>
        %mul3A_905 = arith.muli %sub3A_903, %sub3A_903 : vector<16xi32>
        %mul3A_906 = arith.muli %sub3A_904, %sub3A_904 : vector<16xi32>
        %add3A_907 = arith.addi %mul3A_905, %mul3A_906 : vector<16xi32>
        %gather3A_908 = tpu.vector_load_idx %arg9[%add3A_907] : memref<4419xf32, #tpu.memory_space<vmem>>[vector<16xi32>], vector<16xf32>,
        %gather3A_909 = tpu.vector_load_idx %arg7[%broadcast_in_dim3A_21, %and3A_658] : memref<12x2304xf32, #tpu.memory_space<vmem>>[vector<16xi32>, vector<16xi32>], vector<16xf32>,
        %add3A_910 = arith.addf %add3A_838, %gather3A_909 : vector<16xf32>
        %mul3A_911 = arith.mulf %gather3A_908, %gather3A_909 : vector<16xf32>
        %add3A_912 = arith.addf %add3A_840, %mul3A_911 : vector<16xf32>
        %sub3A_913 = arith.subf %get3A_34, %add3A_910 : vector<16xf32>
        %mul3A_914 = arith.mulf %gather3A_908, %sub3A_913 : vector<16xf32>
        %add3A_915 = arith.addf %add3A_912, %mul3A_914 : vector<16xf32>
        %select_n3A_916 = arith.select %or3A_846, %select_n3A_844, %add3A_915 : vector<16xi1>, vector<16xf32>
        %ge3A_917 = arith.cmpf oge, %add3A_910, %get3A_34 : vector<16xf32>
        %or3A_918 = arith.ori %or3A_846, %ge3A_917 : vector<16xi1>
        %gather3A_919 = tpu.vector_load_idx %arg7[%broadcast_in_dim3A_23, %and3A_658] : memref<12x2304xf32, #tpu.memory_space<vmem>>[vector<16xi32>, vector<16xi32>], vector<16xf32>,
        %add3A_920 = arith.addf %add3A_848, %gather3A_919 : vector<16xf32>
        %mul3A_921 = arith.mulf %gather3A_908, %gather3A_919 : vector<16xf32>
        %add3A_922 = arith.addf %add3A_850, %mul3A_921 : vector<16xf32>
        %sub3A_923 = arith.subf %get3A_38, %add3A_920 : vector<16xf32>
        %mul3A_924 = arith.mulf %gather3A_908, %sub3A_923 : vector<16xf32>
        %add3A_925 = arith.addf %add3A_922, %mul3A_924 : vector<16xf32>
        %select_n3A_926 = arith.select %or3A_856, %select_n3A_854, %add3A_925 : vector<16xi1>, vector<16xf32>
        %ge3A_927 = arith.cmpf oge, %add3A_920, %get3A_38 : vector<16xf32>
        %or3A_928 = arith.ori %or3A_856, %ge3A_927 : vector<16xi1>
        %gather3A_929 = tpu.vector_load_idx %arg7[%broadcast_in_dim3A_25, %and3A_658] : memref<12x2304xf32, #tpu.memory_space<vmem>>[vector<16xi32>, vector<16xi32>], vector<16xf32>,
        %add3A_930 = arith.addf %add3A_858, %gather3A_929 : vector<16xf32>
        %mul3A_931 = arith.mulf %gather3A_908, %gather3A_929 : vector<16xf32>
        %add3A_932 = arith.addf %add3A_860, %mul3A_931 : vector<16xf32>
        %sub3A_933 = arith.subf %get3A_42, %add3A_930 : vector<16xf32>
        %mul3A_934 = arith.mulf %gather3A_908, %sub3A_933 : vector<16xf32>
        %add3A_935 = arith.addf %add3A_932, %mul3A_934 : vector<16xf32>
        %select_n3A_936 = arith.select %or3A_866, %select_n3A_864, %add3A_935 : vector<16xi1>, vector<16xf32>
        %ge3A_937 = arith.cmpf oge, %add3A_930, %get3A_42 : vector<16xf32>
        %or3A_938 = arith.ori %or3A_866, %ge3A_937 : vector<16xi1>
        %gather3A_939 = tpu.vector_load_idx %arg7[%broadcast_in_dim3A_27, %and3A_658] : memref<12x2304xf32, #tpu.memory_space<vmem>>[vector<16xi32>, vector<16xi32>], vector<16xf32>,
        %add3A_940 = arith.addf %add3A_868, %gather3A_939 : vector<16xf32>
        %mul3A_941 = arith.mulf %gather3A_908, %gather3A_939 : vector<16xf32>
        %add3A_942 = arith.addf %add3A_870, %mul3A_941 : vector<16xf32>
        %sub3A_943 = arith.subf %get3A_46, %add3A_940 : vector<16xf32>
        %mul3A_944 = arith.mulf %gather3A_908, %sub3A_943 : vector<16xf32>
        %add3A_945 = arith.addf %add3A_942, %mul3A_944 : vector<16xf32>
        %select_n3A_946 = arith.select %or3A_876, %select_n3A_874, %add3A_945 : vector<16xi1>, vector<16xf32>
        %ge3A_947 = arith.cmpf oge, %add3A_940, %get3A_46 : vector<16xf32>
        %or3A_948 = arith.ori %or3A_876, %ge3A_947 : vector<16xi1>
        %gather3A_949 = tpu.vector_load_idx %arg7[%broadcast_in_dim3A_29, %and3A_658] : memref<12x2304xf32, #tpu.memory_space<vmem>>[vector<16xi32>, vector<16xi32>], vector<16xf32>,
        %add3A_950 = arith.addf %add3A_878, %gather3A_949 : vector<16xf32>
        %mul3A_951 = arith.mulf %gather3A_908, %gather3A_949 : vector<16xf32>
        %add3A_952 = arith.addf %add3A_880, %mul3A_951 : vector<16xf32>
        %sub3A_953 = arith.subf %get3A_50, %add3A_950 : vector<16xf32>
        %mul3A_954 = arith.mulf %gather3A_908, %sub3A_953 : vector<16xf32>
        %add3A_955 = arith.addf %add3A_952, %mul3A_954 : vector<16xf32>
        %select_n3A_956 = arith.select %or3A_886, %select_n3A_884, %add3A_955 : vector<16xi1>, vector<16xf32>
        %ge3A_957 = arith.cmpf oge, %add3A_950, %get3A_50 : vector<16xf32>
        %or3A_958 = arith.ori %or3A_886, %ge3A_957 : vector<16xi1>
        %gather3A_959 = tpu.vector_load_idx %arg7[%broadcast_in_dim3A_31, %and3A_658] : memref<12x2304xf32, #tpu.memory_space<vmem>>[vector<16xi32>, vector<16xi32>], vector<16xf32>,
        %add3A_960 = arith.addf %add3A_888, %gather3A_959 : vector<16xf32>
        %mul3A_961 = arith.mulf %gather3A_908, %gather3A_959 : vector<16xf32>
        %add3A_962 = arith.addf %add3A_890, %mul3A_961 : vector<16xf32>
        %sub3A_963 = arith.subf %get3A_54, %add3A_960 : vector<16xf32>
        %mul3A_964 = arith.mulf %gather3A_908, %sub3A_963 : vector<16xf32>
        %add3A_965 = arith.addf %add3A_962, %mul3A_964 : vector<16xf32>
        %select_n3A_966 = arith.select %or3A_896, %select_n3A_894, %add3A_965 : vector<16xi1>, vector<16xf32>
        %ge3A_967 = arith.cmpf oge, %add3A_960, %get3A_54 : vector<16xf32>
        %or3A_968 = arith.ori %or3A_896, %ge3A_967 : vector<16xi1>
        %rem3A_969 = arith.constant 48 : i32
        %rem3A_970 = vector.broadcast %rem3A_969 : i32 to vector<16xi32>
        %rem3A_971 = arith.remsi %and3A_664, %rem3A_970 : vector<16xi32>
        %div3A_972 = arith.constant 48 : i32
        %div3A_973 = vector.broadcast %div3A_972 : i32 to vector<16xi32>
        %div3A_974 = arith.divsi %and3A_664, %div3A_973 : vector<16xi32>
        %sub3A_975 = arith.subi %rem3A_18, %rem3A_971 : vector<16xi32>
        %sub3A_976 = arith.subi %div3A_20, %div3A_974 : vector<16xi32>
        %mul3A_977 = arith.muli %sub3A_975, %sub3A_975 : vector<16xi32>
        %mul3A_978 = arith.muli %sub3A_976, %sub3A_976 : vector<16xi32>
        %add3A_979 = arith.addi %mul3A_977, %mul3A_978 : vector<16xi32>
        %gather3A_980 = tpu.vector_load_idx %arg9[%add3A_979] : memref<4419xf32, #tpu.memory_space<vmem>>[vector<16xi32>], vector<16xf32>,
        %gather3A_981 = tpu.vector_load_idx %arg7[%broadcast_in_dim3A_21, %and3A_664] : memref<12x2304xf32, #tpu.memory_space<vmem>>[vector<16xi32>, vector<16xi32>], vector<16xf32>,
        %add3A_982 = arith.addf %add3A_910, %gather3A_981 : vector<16xf32>
        %mul3A_983 = arith.mulf %gather3A_980, %gather3A_981 : vector<16xf32>
        %add3A_984 = arith.addf %add3A_912, %mul3A_983 : vector<16xf32>
        %sub3A_985 = arith.subf %get3A_34, %add3A_982 : vector<16xf32>
        %mul3A_986 = arith.mulf %gather3A_980, %sub3A_985 : vector<16xf32>
        %add3A_987 = arith.addf %add3A_984, %mul3A_986 : vector<16xf32>
        %select_n3A_988 = arith.select %or3A_918, %select_n3A_916, %add3A_987 : vector<16xi1>, vector<16xf32>
        %ge3A_989 = arith.cmpf oge, %add3A_982, %get3A_34 : vector<16xf32>
        %or3A_990 = arith.ori %or3A_918, %ge3A_989 : vector<16xi1>
        %gather3A_991 = tpu.vector_load_idx %arg7[%broadcast_in_dim3A_23, %and3A_664] : memref<12x2304xf32, #tpu.memory_space<vmem>>[vector<16xi32>, vector<16xi32>], vector<16xf32>,
        %add3A_992 = arith.addf %add3A_920, %gather3A_991 : vector<16xf32>
        %mul3A_993 = arith.mulf %gather3A_980, %gather3A_991 : vector<16xf32>
        %add3A_994 = arith.addf %add3A_922, %mul3A_993 : vector<16xf32>
        %sub3A_995 = arith.subf %get3A_38, %add3A_992 : vector<16xf32>
        %mul3A_996 = arith.mulf %gather3A_980, %sub3A_995 : vector<16xf32>
        %add3A_997 = arith.addf %add3A_994, %mul3A_996 : vector<16xf32>
        %select_n3A_998 = arith.select %or3A_928, %select_n3A_926, %add3A_997 : vector<16xi1>, vector<16xf32>
        %ge3A_999 = arith.cmpf oge, %add3A_992, %get3A_38 : vector<16xf32>
        %or3A_1000 = arith.ori %or3A_928, %ge3A_999 : vector<16xi1>
        %gather3A_1001 = tpu.vector_load_idx %arg7[%broadcast_in_dim3A_25, %and3A_664] : memref<12x2304xf32, #tpu.memory_space<vmem>>[vector<16xi32>, vector<16xi32>], vector<16xf32>,
        %add3A_1002 = arith.addf %add3A_930, %gather3A_1001 : vector<16xf32>
        %mul3A_1003 = arith.mulf %gather3A_980, %gather3A_1001 : vector<16xf32>
        %add3A_1004 = arith.addf %add3A_932, %mul3A_1003 : vector<16xf32>
        %sub3A_1005 = arith.subf %get3A_42, %add3A_1002 : vector<16xf32>
        %mul3A_1006 = arith.mulf %gather3A_980, %sub3A_1005 : vector<16xf32>
        %add3A_1007 = arith.addf %add3A_1004, %mul3A_1006 : vector<16xf32>
        %select_n3A_1008 = arith.select %or3A_938, %select_n3A_936, %add3A_1007 : vector<16xi1>, vector<16xf32>
        %ge3A_1009 = arith.cmpf oge, %add3A_1002, %get3A_42 : vector<16xf32>
        %or3A_1010 = arith.ori %or3A_938, %ge3A_1009 : vector<16xi1>
        %gather3A_1011 = tpu.vector_load_idx %arg7[%broadcast_in_dim3A_27, %and3A_664] : memref<12x2304xf32, #tpu.memory_space<vmem>>[vector<16xi32>, vector<16xi32>], vector<16xf32>,
        %add3A_1012 = arith.addf %add3A_940, %gather3A_1011 : vector<16xf32>
        %mul3A_1013 = arith.mulf %gather3A_980, %gather3A_1011 : vector<16xf32>
        %add3A_1014 = arith.addf %add3A_942, %mul3A_1013 : vector<16xf32>
        %sub3A_1015 = arith.subf %get3A_46, %add3A_1012 : vector<16xf32>
        %mul3A_1016 = arith.mulf %gather3A_980, %sub3A_1015 : vector<16xf32>
        %add3A_1017 = arith.addf %add3A_1014, %mul3A_1016 : vector<16xf32>
        %select_n3A_1018 = arith.select %or3A_948, %select_n3A_946, %add3A_1017 : vector<16xi1>, vector<16xf32>
        %ge3A_1019 = arith.cmpf oge, %add3A_1012, %get3A_46 : vector<16xf32>
        %or3A_1020 = arith.ori %or3A_948, %ge3A_1019 : vector<16xi1>
        %gather3A_1021 = tpu.vector_load_idx %arg7[%broadcast_in_dim3A_29, %and3A_664] : memref<12x2304xf32, #tpu.memory_space<vmem>>[vector<16xi32>, vector<16xi32>], vector<16xf32>,
        %add3A_1022 = arith.addf %add3A_950, %gather3A_1021 : vector<16xf32>
        %mul3A_1023 = arith.mulf %gather3A_980, %gather3A_1021 : vector<16xf32>
        %add3A_1024 = arith.addf %add3A_952, %mul3A_1023 : vector<16xf32>
        %sub3A_1025 = arith.subf %get3A_50, %add3A_1022 : vector<16xf32>
        %mul3A_1026 = arith.mulf %gather3A_980, %sub3A_1025 : vector<16xf32>
        %add3A_1027 = arith.addf %add3A_1024, %mul3A_1026 : vector<16xf32>
        %select_n3A_1028 = arith.select %or3A_958, %select_n3A_956, %add3A_1027 : vector<16xi1>, vector<16xf32>
        %ge3A_1029 = arith.cmpf oge, %add3A_1022, %get3A_50 : vector<16xf32>
        %or3A_1030 = arith.ori %or3A_958, %ge3A_1029 : vector<16xi1>
        %gather3A_1031 = tpu.vector_load_idx %arg7[%broadcast_in_dim3A_31, %and3A_664] : memref<12x2304xf32, #tpu.memory_space<vmem>>[vector<16xi32>, vector<16xi32>], vector<16xf32>,
        %add3A_1032 = arith.addf %add3A_960, %gather3A_1031 : vector<16xf32>
        %mul3A_1033 = arith.mulf %gather3A_980, %gather3A_1031 : vector<16xf32>
        %add3A_1034 = arith.addf %add3A_962, %mul3A_1033 : vector<16xf32>
        %sub3A_1035 = arith.subf %get3A_54, %add3A_1032 : vector<16xf32>
        %mul3A_1036 = arith.mulf %gather3A_980, %sub3A_1035 : vector<16xf32>
        %add3A_1037 = arith.addf %add3A_1034, %mul3A_1036 : vector<16xf32>
        %select_n3A_1038 = arith.select %or3A_968, %select_n3A_966, %add3A_1037 : vector<16xi1>, vector<16xf32>
        %ge3A_1039 = arith.cmpf oge, %add3A_1032, %get3A_54 : vector<16xf32>
        %or3A_1040 = arith.ori %or3A_968, %ge3A_1039 : vector<16xi1>
        %rem3A_1041 = arith.constant 48 : i32
        %rem3A_1042 = vector.broadcast %rem3A_1041 : i32 to vector<16xi32>
        %rem3A_1043 = arith.remsi %or3A_674, %rem3A_1042 : vector<16xi32>
        %div3A_1044 = arith.constant 48 : i32
        %div3A_1045 = vector.broadcast %div3A_1044 : i32 to vector<16xi32>
        %div3A_1046 = arith.divsi %or3A_674, %div3A_1045 : vector<16xi32>
        %sub3A_1047 = arith.subi %rem3A_18, %rem3A_1043 : vector<16xi32>
        %sub3A_1048 = arith.subi %div3A_20, %div3A_1046 : vector<16xi32>
        %mul3A_1049 = arith.muli %sub3A_1047, %sub3A_1047 : vector<16xi32>
        %mul3A_1050 = arith.muli %sub3A_1048, %sub3A_1048 : vector<16xi32>
        %add3A_1051 = arith.addi %mul3A_1049, %mul3A_1050 : vector<16xi32>
        %gather3A_1052 = tpu.vector_load_idx %arg9[%add3A_1051] : memref<4419xf32, #tpu.memory_space<vmem>>[vector<16xi32>], vector<16xf32>,
        %gather3A_1053 = tpu.vector_load_idx %arg7[%broadcast_in_dim3A_21, %or3A_674] : memref<12x2304xf32, #tpu.memory_space<vmem>>[vector<16xi32>, vector<16xi32>], vector<16xf32>,
        %add3A_1054 = arith.addf %add3A_982, %gather3A_1053 : vector<16xf32>
        %mul3A_1055 = arith.mulf %gather3A_1052, %gather3A_1053 : vector<16xf32>
        %add3A_1056 = arith.addf %add3A_984, %mul3A_1055 : vector<16xf32>
        %sub3A_1057 = arith.subf %get3A_34, %add3A_1054 : vector<16xf32>
        %mul3A_1058 = arith.mulf %gather3A_1052, %sub3A_1057 : vector<16xf32>
        %add3A_1059 = arith.addf %add3A_1056, %mul3A_1058 : vector<16xf32>
        %select_n3A_1060 = arith.select %or3A_990, %select_n3A_988, %add3A_1059 : vector<16xi1>, vector<16xf32>
        %ge3A_1061 = arith.cmpf oge, %add3A_1054, %get3A_34 : vector<16xf32>
        %or3A_1062 = arith.ori %or3A_990, %ge3A_1061 : vector<16xi1>
        %gather3A_1063 = tpu.vector_load_idx %arg7[%broadcast_in_dim3A_23, %or3A_674] : memref<12x2304xf32, #tpu.memory_space<vmem>>[vector<16xi32>, vector<16xi32>], vector<16xf32>,
        %add3A_1064 = arith.addf %add3A_992, %gather3A_1063 : vector<16xf32>
        %mul3A_1065 = arith.mulf %gather3A_1052, %gather3A_1063 : vector<16xf32>
        %add3A_1066 = arith.addf %add3A_994, %mul3A_1065 : vector<16xf32>
        %sub3A_1067 = arith.subf %get3A_38, %add3A_1064 : vector<16xf32>
        %mul3A_1068 = arith.mulf %gather3A_1052, %sub3A_1067 : vector<16xf32>
        %add3A_1069 = arith.addf %add3A_1066, %mul3A_1068 : vector<16xf32>
        %select_n3A_1070 = arith.select %or3A_1000, %select_n3A_998, %add3A_1069 : vector<16xi1>, vector<16xf32>
        %ge3A_1071 = arith.cmpf oge, %add3A_1064, %get3A_38 : vector<16xf32>
        %or3A_1072 = arith.ori %or3A_1000, %ge3A_1071 : vector<16xi1>
        %gather3A_1073 = tpu.vector_load_idx %arg7[%broadcast_in_dim3A_25, %or3A_674] : memref<12x2304xf32, #tpu.memory_space<vmem>>[vector<16xi32>, vector<16xi32>], vector<16xf32>,
        %add3A_1074 = arith.addf %add3A_1002, %gather3A_1073 : vector<16xf32>
        %mul3A_1075 = arith.mulf %gather3A_1052, %gather3A_1073 : vector<16xf32>
        %add3A_1076 = arith.addf %add3A_1004, %mul3A_1075 : vector<16xf32>
        %sub3A_1077 = arith.subf %get3A_42, %add3A_1074 : vector<16xf32>
        %mul3A_1078 = arith.mulf %gather3A_1052, %sub3A_1077 : vector<16xf32>
        %add3A_1079 = arith.addf %add3A_1076, %mul3A_1078 : vector<16xf32>
        %select_n3A_1080 = arith.select %or3A_1010, %select_n3A_1008, %add3A_1079 : vector<16xi1>, vector<16xf32>
        %ge3A_1081 = arith.cmpf oge, %add3A_1074, %get3A_42 : vector<16xf32>
        %or3A_1082 = arith.ori %or3A_1010, %ge3A_1081 : vector<16xi1>
        %gather3A_1083 = tpu.vector_load_idx %arg7[%broadcast_in_dim3A_27, %or3A_674] : memref<12x2304xf32, #tpu.memory_space<vmem>>[vector<16xi32>, vector<16xi32>], vector<16xf32>,
        %add3A_1084 = arith.addf %add3A_1012, %gather3A_1083 : vector<16xf32>
        %mul3A_1085 = arith.mulf %gather3A_1052, %gather3A_1083 : vector<16xf32>
        %add3A_1086 = arith.addf %add3A_1014, %mul3A_1085 : vector<16xf32>
        %sub3A_1087 = arith.subf %get3A_46, %add3A_1084 : vector<16xf32>
        %mul3A_1088 = arith.mulf %gather3A_1052, %sub3A_1087 : vector<16xf32>
        %add3A_1089 = arith.addf %add3A_1086, %mul3A_1088 : vector<16xf32>
        %select_n3A_1090 = arith.select %or3A_1020, %select_n3A_1018, %add3A_1089 : vector<16xi1>, vector<16xf32>
        %ge3A_1091 = arith.cmpf oge, %add3A_1084, %get3A_46 : vector<16xf32>
        %or3A_1092 = arith.ori %or3A_1020, %ge3A_1091 : vector<16xi1>
        %gather3A_1093 = tpu.vector_load_idx %arg7[%broadcast_in_dim3A_29, %or3A_674] : memref<12x2304xf32, #tpu.memory_space<vmem>>[vector<16xi32>, vector<16xi32>], vector<16xf32>,
        %add3A_1094 = arith.addf %add3A_1022, %gather3A_1093 : vector<16xf32>
        %mul3A_1095 = arith.mulf %gather3A_1052, %gather3A_1093 : vector<16xf32>
        %add3A_1096 = arith.addf %add3A_1024, %mul3A_1095 : vector<16xf32>
        %sub3A_1097 = arith.subf %get3A_50, %add3A_1094 : vector<16xf32>
        %mul3A_1098 = arith.mulf %gather3A_1052, %sub3A_1097 : vector<16xf32>
        %add3A_1099 = arith.addf %add3A_1096, %mul3A_1098 : vector<16xf32>
        %select_n3A_1100 = arith.select %or3A_1030, %select_n3A_1028, %add3A_1099 : vector<16xi1>, vector<16xf32>
        %ge3A_1101 = arith.cmpf oge, %add3A_1094, %get3A_50 : vector<16xf32>
        %or3A_1102 = arith.ori %or3A_1030, %ge3A_1101 : vector<16xi1>
        %gather3A_1103 = tpu.vector_load_idx %arg7[%broadcast_in_dim3A_31, %or3A_674] : memref<12x2304xf32, #tpu.memory_space<vmem>>[vector<16xi32>, vector<16xi32>], vector<16xf32>,
        %add3A_1104 = arith.addf %add3A_1032, %gather3A_1103 : vector<16xf32>
        %mul3A_1105 = arith.mulf %gather3A_1052, %gather3A_1103 : vector<16xf32>
        %add3A_1106 = arith.addf %add3A_1034, %mul3A_1105 : vector<16xf32>
        %sub3A_1107 = arith.subf %get3A_54, %add3A_1104 : vector<16xf32>
        %mul3A_1108 = arith.mulf %gather3A_1052, %sub3A_1107 : vector<16xf32>
        %add3A_1109 = arith.addf %add3A_1106, %mul3A_1108 : vector<16xf32>
        %select_n3A_1110 = arith.select %or3A_1040, %select_n3A_1038, %add3A_1109 : vector<16xi1>, vector<16xf32>
        %ge3A_1111 = arith.cmpf oge, %add3A_1104, %get3A_54 : vector<16xf32>
        %or3A_1112 = arith.ori %or3A_1040, %ge3A_1111 : vector<16xi1>
        %rem3A_1113 = arith.constant 48 : i32
        %rem3A_1114 = vector.broadcast %rem3A_1113 : i32 to vector<16xi32>
        %rem3A_1115 = arith.remsi %and3A_680, %rem3A_1114 : vector<16xi32>
        %div3A_1116 = arith.constant 48 : i32
        %div3A_1117 = vector.broadcast %div3A_1116 : i32 to vector<16xi32>
        %div3A_1118 = arith.divsi %and3A_680, %div3A_1117 : vector<16xi32>
        %sub3A_1119 = arith.subi %rem3A_18, %rem3A_1115 : vector<16xi32>
        %sub3A_1120 = arith.subi %div3A_20, %div3A_1118 : vector<16xi32>
        %mul3A_1121 = arith.muli %sub3A_1119, %sub3A_1119 : vector<16xi32>
        %mul3A_1122 = arith.muli %sub3A_1120, %sub3A_1120 : vector<16xi32>
        %add3A_1123 = arith.addi %mul3A_1121, %mul3A_1122 : vector<16xi32>
        %gather3A_1124 = tpu.vector_load_idx %arg9[%add3A_1123] : memref<4419xf32, #tpu.memory_space<vmem>>[vector<16xi32>], vector<16xf32>,
        %gather3A_1125 = tpu.vector_load_idx %arg7[%broadcast_in_dim3A_21, %and3A_680] : memref<12x2304xf32, #tpu.memory_space<vmem>>[vector<16xi32>, vector<16xi32>], vector<16xf32>,
        %add3A_1126 = arith.addf %add3A_1054, %gather3A_1125 : vector<16xf32>
        %mul3A_1127 = arith.mulf %gather3A_1124, %gather3A_1125 : vector<16xf32>
        %add3A_1128 = arith.addf %add3A_1056, %mul3A_1127 : vector<16xf32>
        %sub3A_1129 = arith.subf %get3A_34, %add3A_1126 : vector<16xf32>
        %mul3A_1130 = arith.mulf %gather3A_1124, %sub3A_1129 : vector<16xf32>
        %add3A_1131 = arith.addf %add3A_1128, %mul3A_1130 : vector<16xf32>
        %select_n3A_1132 = arith.select %or3A_1062, %select_n3A_1060, %add3A_1131 : vector<16xi1>, vector<16xf32>
        %ge3A_1133 = arith.cmpf oge, %add3A_1126, %get3A_34 : vector<16xf32>
        %or3A_1134 = arith.ori %or3A_1062, %ge3A_1133 : vector<16xi1>
        %gather3A_1135 = tpu.vector_load_idx %arg7[%broadcast_in_dim3A_23, %and3A_680] : memref<12x2304xf32, #tpu.memory_space<vmem>>[vector<16xi32>, vector<16xi32>], vector<16xf32>,
        %add3A_1136 = arith.addf %add3A_1064, %gather3A_1135 : vector<16xf32>
        %mul3A_1137 = arith.mulf %gather3A_1124, %gather3A_1135 : vector<16xf32>
        %add3A_1138 = arith.addf %add3A_1066, %mul3A_1137 : vector<16xf32>
        %sub3A_1139 = arith.subf %get3A_38, %add3A_1136 : vector<16xf32>
        %mul3A_1140 = arith.mulf %gather3A_1124, %sub3A_1139 : vector<16xf32>
        %add3A_1141 = arith.addf %add3A_1138, %mul3A_1140 : vector<16xf32>
        %select_n3A_1142 = arith.select %or3A_1072, %select_n3A_1070, %add3A_1141 : vector<16xi1>, vector<16xf32>
        %ge3A_1143 = arith.cmpf oge, %add3A_1136, %get3A_38 : vector<16xf32>
        %or3A_1144 = arith.ori %or3A_1072, %ge3A_1143 : vector<16xi1>
        %gather3A_1145 = tpu.vector_load_idx %arg7[%broadcast_in_dim3A_25, %and3A_680] : memref<12x2304xf32, #tpu.memory_space<vmem>>[vector<16xi32>, vector<16xi32>], vector<16xf32>,
        %add3A_1146 = arith.addf %add3A_1074, %gather3A_1145 : vector<16xf32>
        %mul3A_1147 = arith.mulf %gather3A_1124, %gather3A_1145 : vector<16xf32>
        %add3A_1148 = arith.addf %add3A_1076, %mul3A_1147 : vector<16xf32>
        %sub3A_1149 = arith.subf %get3A_42, %add3A_1146 : vector<16xf32>
        %mul3A_1150 = arith.mulf %gather3A_1124, %sub3A_1149 : vector<16xf32>
        %add3A_1151 = arith.addf %add3A_1148, %mul3A_1150 : vector<16xf32>
        %select_n3A_1152 = arith.select %or3A_1082, %select_n3A_1080, %add3A_1151 : vector<16xi1>, vector<16xf32>
        %ge3A_1153 = arith.cmpf oge, %add3A_1146, %get3A_42 : vector<16xf32>
        %or3A_1154 = arith.ori %or3A_1082, %ge3A_1153 : vector<16xi1>
        %gather3A_1155 = tpu.vector_load_idx %arg7[%broadcast_in_dim3A_27, %and3A_680] : memref<12x2304xf32, #tpu.memory_space<vmem>>[vector<16xi32>, vector<16xi32>], vector<16xf32>,
        %add3A_1156 = arith.addf %add3A_1084, %gather3A_1155 : vector<16xf32>
        %mul3A_1157 = arith.mulf %gather3A_1124, %gather3A_1155 : vector<16xf32>
        %add3A_1158 = arith.addf %add3A_1086, %mul3A_1157 : vector<16xf32>
        %sub3A_1159 = arith.subf %get3A_46, %add3A_1156 : vector<16xf32>
        %mul3A_1160 = arith.mulf %gather3A_1124, %sub3A_1159 : vector<16xf32>
        %add3A_1161 = arith.addf %add3A_1158, %mul3A_1160 : vector<16xf32>
        %select_n3A_1162 = arith.select %or3A_1092, %select_n3A_1090, %add3A_1161 : vector<16xi1>, vector<16xf32>
        %ge3A_1163 = arith.cmpf oge, %add3A_1156, %get3A_46 : vector<16xf32>
        %or3A_1164 = arith.ori %or3A_1092, %ge3A_1163 : vector<16xi1>
        %gather3A_1165 = tpu.vector_load_idx %arg7[%broadcast_in_dim3A_29, %and3A_680] : memref<12x2304xf32, #tpu.memory_space<vmem>>[vector<16xi32>, vector<16xi32>], vector<16xf32>,
        %add3A_1166 = arith.addf %add3A_1094, %gather3A_1165 : vector<16xf32>
        %mul3A_1167 = arith.mulf %gather3A_1124, %gather3A_1165 : vector<16xf32>
        %add3A_1168 = arith.addf %add3A_1096, %mul3A_1167 : vector<16xf32>
        %sub3A_1169 = arith.subf %get3A_50, %add3A_1166 : vector<16xf32>
        %mul3A_1170 = arith.mulf %gather3A_1124, %sub3A_1169 : vector<16xf32>
        %add3A_1171 = arith.addf %add3A_1168, %mul3A_1170 : vector<16xf32>
        %select_n3A_1172 = arith.select %or3A_1102, %select_n3A_1100, %add3A_1171 : vector<16xi1>, vector<16xf32>
        %ge3A_1173 = arith.cmpf oge, %add3A_1166, %get3A_50 : vector<16xf32>
        %or3A_1174 = arith.ori %or3A_1102, %ge3A_1173 : vector<16xi1>
        %gather3A_1175 = tpu.vector_load_idx %arg7[%broadcast_in_dim3A_31, %and3A_680] : memref<12x2304xf32, #tpu.memory_space<vmem>>[vector<16xi32>, vector<16xi32>], vector<16xf32>,
        %add3A_1176 = arith.addf %add3A_1104, %gather3A_1175 : vector<16xf32>
        %mul3A_1177 = arith.mulf %gather3A_1124, %gather3A_1175 : vector<16xf32>
        %add3A_1178 = arith.addf %add3A_1106, %mul3A_1177 : vector<16xf32>
        %sub3A_1179 = arith.subf %get3A_54, %add3A_1176 : vector<16xf32>
        %mul3A_1180 = arith.mulf %gather3A_1124, %sub3A_1179 : vector<16xf32>
        %add3A_1181 = arith.addf %add3A_1178, %mul3A_1180 : vector<16xf32>
        %select_n3A_1182 = arith.select %or3A_1112, %select_n3A_1110, %add3A_1181 : vector<16xi1>, vector<16xf32>
        %ge3A_1183 = arith.cmpf oge, %add3A_1176, %get3A_54 : vector<16xf32>
        %or3A_1184 = arith.ori %or3A_1112, %ge3A_1183 : vector<16xi1>
        %rem3A_1185 = arith.constant 48 : i32
        %rem3A_1186 = vector.broadcast %rem3A_1185 : i32 to vector<16xi32>
        %rem3A_1187 = arith.remsi %shift_right_logical3A_683, %rem3A_1186 : vector<16xi32>
        %div3A_1188 = arith.constant 48 : i32
        %div3A_1189 = vector.broadcast %div3A_1188 : i32 to vector<16xi32>
        %div3A_1190 = arith.divsi %shift_right_logical3A_683, %div3A_1189 : vector<16xi32>
        %sub3A_1191 = arith.subi %rem3A_18, %rem3A_1187 : vector<16xi32>
        %sub3A_1192 = arith.subi %div3A_20, %div3A_1190 : vector<16xi32>
        %mul3A_1193 = arith.muli %sub3A_1191, %sub3A_1191 : vector<16xi32>
        %mul3A_1194 = arith.muli %sub3A_1192, %sub3A_1192 : vector<16xi32>
        %add3A_1195 = arith.addi %mul3A_1193, %mul3A_1194 : vector<16xi32>
        %gather3A_1196 = tpu.vector_load_idx %arg9[%add3A_1195] : memref<4419xf32, #tpu.memory_space<vmem>>[vector<16xi32>], vector<16xf32>,
        %gather3A_1197 = tpu.vector_load_idx %arg7[%broadcast_in_dim3A_21, %shift_right_logical3A_683] : memref<12x2304xf32, #tpu.memory_space<vmem>>[vector<16xi32>, vector<16xi32>], vector<16xf32>,
        %add3A_1198 = arith.addf %add3A_1126, %gather3A_1197 : vector<16xf32>
        %mul3A_1199 = arith.mulf %gather3A_1196, %gather3A_1197 : vector<16xf32>
        %add3A_1200 = arith.addf %add3A_1128, %mul3A_1199 : vector<16xf32>
        %sub3A_1201 = arith.subf %get3A_34, %add3A_1198 : vector<16xf32>
        %mul3A_1202 = arith.mulf %gather3A_1196, %sub3A_1201 : vector<16xf32>
        %add3A_1203 = arith.addf %add3A_1200, %mul3A_1202 : vector<16xf32>
        %select_n3A_1204 = arith.select %or3A_1134, %select_n3A_1132, %add3A_1203 : vector<16xi1>, vector<16xf32>
        %ge3A_1205 = arith.cmpf oge, %add3A_1198, %get3A_34 : vector<16xf32>
        %or3A_1206 = arith.ori %or3A_1134, %ge3A_1205 : vector<16xi1>
        %gather3A_1207 = tpu.vector_load_idx %arg7[%broadcast_in_dim3A_23, %shift_right_logical3A_683] : memref<12x2304xf32, #tpu.memory_space<vmem>>[vector<16xi32>, vector<16xi32>], vector<16xf32>,
        %add3A_1208 = arith.addf %add3A_1136, %gather3A_1207 : vector<16xf32>
        %mul3A_1209 = arith.mulf %gather3A_1196, %gather3A_1207 : vector<16xf32>
        %add3A_1210 = arith.addf %add3A_1138, %mul3A_1209 : vector<16xf32>
        %sub3A_1211 = arith.subf %get3A_38, %add3A_1208 : vector<16xf32>
        %mul3A_1212 = arith.mulf %gather3A_1196, %sub3A_1211 : vector<16xf32>
        %add3A_1213 = arith.addf %add3A_1210, %mul3A_1212 : vector<16xf32>
        %select_n3A_1214 = arith.select %or3A_1144, %select_n3A_1142, %add3A_1213 : vector<16xi1>, vector<16xf32>
        %ge3A_1215 = arith.cmpf oge, %add3A_1208, %get3A_38 : vector<16xf32>
        %or3A_1216 = arith.ori %or3A_1144, %ge3A_1215 : vector<16xi1>
        %gather3A_1217 = tpu.vector_load_idx %arg7[%broadcast_in_dim3A_25, %shift_right_logical3A_683] : memref<12x2304xf32, #tpu.memory_space<vmem>>[vector<16xi32>, vector<16xi32>], vector<16xf32>,
        %add3A_1218 = arith.addf %add3A_1146, %gather3A_1217 : vector<16xf32>
        %mul3A_1219 = arith.mulf %gather3A_1196, %gather3A_1217 : vector<16xf32>
        %add3A_1220 = arith.addf %add3A_1148, %mul3A_1219 : vector<16xf32>
        %sub3A_1221 = arith.subf %get3A_42, %add3A_1218 : vector<16xf32>
        %mul3A_1222 = arith.mulf %gather3A_1196, %sub3A_1221 : vector<16xf32>
        %add3A_1223 = arith.addf %add3A_1220, %mul3A_1222 : vector<16xf32>
        %select_n3A_1224 = arith.select %or3A_1154, %select_n3A_1152, %add3A_1223 : vector<16xi1>, vector<16xf32>
        %ge3A_1225 = arith.cmpf oge, %add3A_1218, %get3A_42 : vector<16xf32>
        %or3A_1226 = arith.ori %or3A_1154, %ge3A_1225 : vector<16xi1>
        %gather3A_1227 = tpu.vector_load_idx %arg7[%broadcast_in_dim3A_27, %shift_right_logical3A_683] : memref<12x2304xf32, #tpu.memory_space<vmem>>[vector<16xi32>, vector<16xi32>], vector<16xf32>,
        %add3A_1228 = arith.addf %add3A_1156, %gather3A_1227 : vector<16xf32>
        %mul3A_1229 = arith.mulf %gather3A_1196, %gather3A_1227 : vector<16xf32>
        %add3A_1230 = arith.addf %add3A_1158, %mul3A_1229 : vector<16xf32>
        %sub3A_1231 = arith.subf %get3A_46, %add3A_1228 : vector<16xf32>
        %mul3A_1232 = arith.mulf %gather3A_1196, %sub3A_1231 : vector<16xf32>
        %add3A_1233 = arith.addf %add3A_1230, %mul3A_1232 : vector<16xf32>
        %select_n3A_1234 = arith.select %or3A_1164, %select_n3A_1162, %add3A_1233 : vector<16xi1>, vector<16xf32>
        %ge3A_1235 = arith.cmpf oge, %add3A_1228, %get3A_46 : vector<16xf32>
        %or3A_1236 = arith.ori %or3A_1164, %ge3A_1235 : vector<16xi1>
        %gather3A_1237 = tpu.vector_load_idx %arg7[%broadcast_in_dim3A_29, %shift_right_logical3A_683] : memref<12x2304xf32, #tpu.memory_space<vmem>>[vector<16xi32>, vector<16xi32>], vector<16xf32>,
        %add3A_1238 = arith.addf %add3A_1166, %gather3A_1237 : vector<16xf32>
        %mul3A_1239 = arith.mulf %gather3A_1196, %gather3A_1237 : vector<16xf32>
        %add3A_1240 = arith.addf %add3A_1168, %mul3A_1239 : vector<16xf32>
        %sub3A_1241 = arith.subf %get3A_50, %add3A_1238 : vector<16xf32>
        %mul3A_1242 = arith.mulf %gather3A_1196, %sub3A_1241 : vector<16xf32>
        %add3A_1243 = arith.addf %add3A_1240, %mul3A_1242 : vector<16xf32>
        %select_n3A_1244 = arith.select %or3A_1174, %select_n3A_1172, %add3A_1243 : vector<16xi1>, vector<16xf32>
        %ge3A_1245 = arith.cmpf oge, %add3A_1238, %get3A_50 : vector<16xf32>
        %or3A_1246 = arith.ori %or3A_1174, %ge3A_1245 : vector<16xi1>
        %gather3A_1247 = tpu.vector_load_idx %arg7[%broadcast_in_dim3A_31, %shift_right_logical3A_683] : memref<12x2304xf32, #tpu.memory_space<vmem>>[vector<16xi32>, vector<16xi32>], vector<16xf32>,
        %add3A_1248 = arith.addf %add3A_1176, %gather3A_1247 : vector<16xf32>
        %mul3A_1249 = arith.mulf %gather3A_1196, %gather3A_1247 : vector<16xf32>
        %add3A_1250 = arith.addf %add3A_1178, %mul3A_1249 : vector<16xf32>
        %sub3A_1251 = arith.subf %get3A_54, %add3A_1248 : vector<16xf32>
        %mul3A_1252 = arith.mulf %gather3A_1196, %sub3A_1251 : vector<16xf32>
        %add3A_1253 = arith.addf %add3A_1250, %mul3A_1252 : vector<16xf32>
        %select_n3A_1254 = arith.select %or3A_1184, %select_n3A_1182, %add3A_1253 : vector<16xi1>, vector<16xf32>
        %ge3A_1255 = arith.cmpf oge, %add3A_1248, %get3A_54 : vector<16xf32>
        %or3A_1256 = arith.ori %or3A_1184, %ge3A_1255 : vector<16xi1>
        %add3A_1257 = arith.constant 1 : i32
        %add3A_1258 = arith.addi %while3A_593, %add3A_1257 : i32
        scf.yield %add3A_1258, %add3A_1198, %add3A_1208, %add3A_1218, %add3A_1228, %add3A_1238, %add3A_1248, %add3A_1200, %add3A_1210, %add3A_1220, %add3A_1230, %add3A_1240, %add3A_1250, %select_n3A_1204, %select_n3A_1214, %select_n3A_1224, %select_n3A_1234, %select_n3A_1244, %select_n3A_1254, %or3A_1206, %or3A_1216, %or3A_1226, %or3A_1236, %or3A_1246, %or3A_1256 : i32, vector<16xf32>, vector<16xf32>, vector<16xf32>, vector<16xf32>, vector<16xf32>, vector<16xf32>, vector<16xf32>, vector<16xf32>, vector<16xf32>, vector<16xf32>, vector<16xf32>, vector<16xf32>, vector<16xf32>, vector<16xf32>, vector<16xf32>, vector<16xf32>, vector<16xf32>, vector<16xf32>, vector<16xi1>, vector<16xi1>, vector<16xi1>, vector<16xi1>, vector<16xi1>, vector<16xi1>
      }
      %div3A_60 = arith.divf %while3A_59#13, %get3A_34 : vector<16xf32>
      %bitcast3A = vector.bitcast %div3A_60 : vector<16xf32> to vector<16xi32>
      %shift_right_logical3A = arith.constant 1 : i32
      %shift_right_logical3A_61 = vector.broadcast %shift_right_logical3A : i32 to vector<16xi32>
      %shift_right_logical3A_62 = arith.shrui %bitcast3A, %shift_right_logical3A_61 : vector<16xi32>
      %sub3A = arith.constant 1597463007 : i32
      %sub3A_63 = vector.broadcast %sub3A : i32 to vector<16xi32>
      %sub3A_64 = arith.subi %sub3A_63, %shift_right_logical3A_62 : vector<16xi32>
      %bitcast3A_65 = vector.bitcast %sub3A_64 : vector<16xi32> to vector<16xf32>
      %mul3A_66 = arith.constant 5.000000e-01 : f32
      %mul3A_67 = vector.broadcast %mul3A_66 : f32 to vector<16xf32>
      %mul3A_68 = arith.mulf %mul3A_67, %div3A_60 : vector<16xf32>
      %mul3A_69 = arith.mulf %mul3A_68, %bitcast3A_65 : vector<16xf32>
      %mul3A_70 = arith.mulf %mul3A_69, %bitcast3A_65 : vector<16xf32>
      %sub3A_71 = arith.constant 1.500000e+00 : f32
      %sub3A_72 = vector.broadcast %sub3A_71 : f32 to vector<16xf32>
      %sub3A_73 = arith.subf %sub3A_72, %mul3A_70 : vector<16xf32>
      %mul3A_74 = arith.mulf %bitcast3A_65, %sub3A_73 : vector<16xf32>
      %mul3A_75 = arith.constant 5.000000e-01 : f32
      %mul3A_76 = vector.broadcast %mul3A_75 : f32 to vector<16xf32>
      %mul3A_77 = arith.mulf %mul3A_76, %div3A_60 : vector<16xf32>
      %mul3A_78 = arith.mulf %mul3A_77, %mul3A_74 : vector<16xf32>
      %mul3A_79 = arith.mulf %mul3A_78, %mul3A_74 : vector<16xf32>
      %sub3A_80 = arith.constant 1.500000e+00 : f32
      %sub3A_81 = vector.broadcast %sub3A_80 : f32 to vector<16xf32>
      %sub3A_82 = arith.subf %sub3A_81, %mul3A_79 : vector<16xf32>
      %mul3A_83 = arith.mulf %mul3A_74, %sub3A_82 : vector<16xf32>
      %mul3A_84 = arith.constant 5.000000e-01 : f32
      %mul3A_85 = vector.broadcast %mul3A_84 : f32 to vector<16xf32>
      %mul3A_86 = arith.mulf %mul3A_85, %div3A_60 : vector<16xf32>
      %mul3A_87 = arith.mulf %mul3A_86, %mul3A_83 : vector<16xf32>
      %mul3A_88 = arith.mulf %mul3A_87, %mul3A_83 : vector<16xf32>
      %sub3A_89 = arith.constant 1.500000e+00 : f32
      %sub3A_90 = vector.broadcast %sub3A_89 : f32 to vector<16xf32>
      %sub3A_91 = arith.subf %sub3A_90, %mul3A_88 : vector<16xf32>
      %mul3A_92 = arith.mulf %mul3A_83, %sub3A_91 : vector<16xf32>
      %mul3A_93 = arith.mulf %div3A_60, %mul3A_92 : vector<16xf32>
      %swap3A = arith.constant 0 : i32
      %swap3A_94 = arith.index_cast %swap3A : i32 to index
      %swap3A_95 = arith.constant 0 : index
      %swap3A_96 = tpu.vector_load %arg11[%swap3A_94, %swap3A_95] {strides = array<i32>} : memref<12x16xf32, #tpu.memory_space<vmem>>, vector<16xf32>,
      tpu.vector_store %arg11[%swap3A_94, %swap3A_95], %mul3A_93 {strides = array<i32>} : memref<12x16xf32, #tpu.memory_space<vmem>>, vector<16xf32>,
      %div3A_97 = arith.divf %while3A_59#14, %get3A_38 : vector<16xf32>
      %bitcast3A_98 = vector.bitcast %div3A_97 : vector<16xf32> to vector<16xi32>
      %shift_right_logical3A_99 = arith.constant 1 : i32
      %shift_right_logical3A_100 = vector.broadcast %shift_right_logical3A_99 : i32 to vector<16xi32>
      %shift_right_logical3A_101 = arith.shrui %bitcast3A_98, %shift_right_logical3A_100 : vector<16xi32>
      %sub3A_102 = arith.constant 1597463007 : i32
      %sub3A_103 = vector.broadcast %sub3A_102 : i32 to vector<16xi32>
      %sub3A_104 = arith.subi %sub3A_103, %shift_right_logical3A_101 : vector<16xi32>
      %bitcast3A_105 = vector.bitcast %sub3A_104 : vector<16xi32> to vector<16xf32>
      %mul3A_106 = arith.constant 5.000000e-01 : f32
      %mul3A_107 = vector.broadcast %mul3A_106 : f32 to vector<16xf32>
      %mul3A_108 = arith.mulf %mul3A_107, %div3A_97 : vector<16xf32>
      %mul3A_109 = arith.mulf %mul3A_108, %bitcast3A_105 : vector<16xf32>
      %mul3A_110 = arith.mulf %mul3A_109, %bitcast3A_105 : vector<16xf32>
      %sub3A_111 = arith.constant 1.500000e+00 : f32
      %sub3A_112 = vector.broadcast %sub3A_111 : f32 to vector<16xf32>
      %sub3A_113 = arith.subf %sub3A_112, %mul3A_110 : vector<16xf32>
      %mul3A_114 = arith.mulf %bitcast3A_105, %sub3A_113 : vector<16xf32>
      %mul3A_115 = arith.constant 5.000000e-01 : f32
      %mul3A_116 = vector.broadcast %mul3A_115 : f32 to vector<16xf32>
      %mul3A_117 = arith.mulf %mul3A_116, %div3A_97 : vector<16xf32>
      %mul3A_118 = arith.mulf %mul3A_117, %mul3A_114 : vector<16xf32>
      %mul3A_119 = arith.mulf %mul3A_118, %mul3A_114 : vector<16xf32>
      %sub3A_120 = arith.constant 1.500000e+00 : f32
      %sub3A_121 = vector.broadcast %sub3A_120 : f32 to vector<16xf32>
      %sub3A_122 = arith.subf %sub3A_121, %mul3A_119 : vector<16xf32>
      %mul3A_123 = arith.mulf %mul3A_114, %sub3A_122 : vector<16xf32>
      %mul3A_124 = arith.constant 5.000000e-01 : f32
      %mul3A_125 = vector.broadcast %mul3A_124 : f32 to vector<16xf32>
      %mul3A_126 = arith.mulf %mul3A_125, %div3A_97 : vector<16xf32>
      %mul3A_127 = arith.mulf %mul3A_126, %mul3A_123 : vector<16xf32>
      %mul3A_128 = arith.mulf %mul3A_127, %mul3A_123 : vector<16xf32>
      %sub3A_129 = arith.constant 1.500000e+00 : f32
      %sub3A_130 = vector.broadcast %sub3A_129 : f32 to vector<16xf32>
      %sub3A_131 = arith.subf %sub3A_130, %mul3A_128 : vector<16xf32>
      %mul3A_132 = arith.mulf %mul3A_123, %sub3A_131 : vector<16xf32>
      %mul3A_133 = arith.mulf %div3A_97, %mul3A_132 : vector<16xf32>
      %swap3A_134 = arith.constant 1 : i32
      %swap3A_135 = arith.index_cast %swap3A_134 : i32 to index
      %swap3A_136 = arith.constant 0 : index
      %swap3A_137 = tpu.vector_load %arg11[%swap3A_135, %swap3A_136] {strides = array<i32>} : memref<12x16xf32, #tpu.memory_space<vmem>>, vector<16xf32>,
      tpu.vector_store %arg11[%swap3A_135, %swap3A_136], %mul3A_133 {strides = array<i32>} : memref<12x16xf32, #tpu.memory_space<vmem>>, vector<16xf32>,
      %div3A_138 = arith.divf %while3A_59#15, %get3A_42 : vector<16xf32>
      %bitcast3A_139 = vector.bitcast %div3A_138 : vector<16xf32> to vector<16xi32>
      %shift_right_logical3A_140 = arith.constant 1 : i32
      %shift_right_logical3A_141 = vector.broadcast %shift_right_logical3A_140 : i32 to vector<16xi32>
      %shift_right_logical3A_142 = arith.shrui %bitcast3A_139, %shift_right_logical3A_141 : vector<16xi32>
      %sub3A_143 = arith.constant 1597463007 : i32
      %sub3A_144 = vector.broadcast %sub3A_143 : i32 to vector<16xi32>
      %sub3A_145 = arith.subi %sub3A_144, %shift_right_logical3A_142 : vector<16xi32>
      %bitcast3A_146 = vector.bitcast %sub3A_145 : vector<16xi32> to vector<16xf32>
      %mul3A_147 = arith.constant 5.000000e-01 : f32
      %mul3A_148 = vector.broadcast %mul3A_147 : f32 to vector<16xf32>
      %mul3A_149 = arith.mulf %mul3A_148, %div3A_138 : vector<16xf32>
      %mul3A_150 = arith.mulf %mul3A_149, %bitcast3A_146 : vector<16xf32>
      %mul3A_151 = arith.mulf %mul3A_150, %bitcast3A_146 : vector<16xf32>
      %sub3A_152 = arith.constant 1.500000e+00 : f32
      %sub3A_153 = vector.broadcast %sub3A_152 : f32 to vector<16xf32>
      %sub3A_154 = arith.subf %sub3A_153, %mul3A_151 : vector<16xf32>
      %mul3A_155 = arith.mulf %bitcast3A_146, %sub3A_154 : vector<16xf32>
      %mul3A_156 = arith.constant 5.000000e-01 : f32
      %mul3A_157 = vector.broadcast %mul3A_156 : f32 to vector<16xf32>
      %mul3A_158 = arith.mulf %mul3A_157, %div3A_138 : vector<16xf32>
      %mul3A_159 = arith.mulf %mul3A_158, %mul3A_155 : vector<16xf32>
      %mul3A_160 = arith.mulf %mul3A_159, %mul3A_155 : vector<16xf32>
      %sub3A_161 = arith.constant 1.500000e+00 : f32
      %sub3A_162 = vector.broadcast %sub3A_161 : f32 to vector<16xf32>
      %sub3A_163 = arith.subf %sub3A_162, %mul3A_160 : vector<16xf32>
      %mul3A_164 = arith.mulf %mul3A_155, %sub3A_163 : vector<16xf32>
      %mul3A_165 = arith.constant 5.000000e-01 : f32
      %mul3A_166 = vector.broadcast %mul3A_165 : f32 to vector<16xf32>
      %mul3A_167 = arith.mulf %mul3A_166, %div3A_138 : vector<16xf32>
      %mul3A_168 = arith.mulf %mul3A_167, %mul3A_164 : vector<16xf32>
      %mul3A_169 = arith.mulf %mul3A_168, %mul3A_164 : vector<16xf32>
      %sub3A_170 = arith.constant 1.500000e+00 : f32
      %sub3A_171 = vector.broadcast %sub3A_170 : f32 to vector<16xf32>
      %sub3A_172 = arith.subf %sub3A_171, %mul3A_169 : vector<16xf32>
      %mul3A_173 = arith.mulf %mul3A_164, %sub3A_172 : vector<16xf32>
      %mul3A_174 = arith.mulf %div3A_138, %mul3A_173 : vector<16xf32>
      %swap3A_175 = arith.constant 2 : i32
      %swap3A_176 = arith.index_cast %swap3A_175 : i32 to index
      %swap3A_177 = arith.constant 0 : index
      %swap3A_178 = tpu.vector_load %arg11[%swap3A_176, %swap3A_177] {strides = array<i32>} : memref<12x16xf32, #tpu.memory_space<vmem>>, vector<16xf32>,
      tpu.vector_store %arg11[%swap3A_176, %swap3A_177], %mul3A_174 {strides = array<i32>} : memref<12x16xf32, #tpu.memory_space<vmem>>, vector<16xf32>,
      %div3A_179 = arith.divf %while3A_59#16, %get3A_46 : vector<16xf32>
      %bitcast3A_180 = vector.bitcast %div3A_179 : vector<16xf32> to vector<16xi32>
      %shift_right_logical3A_181 = arith.constant 1 : i32
      %shift_right_logical3A_182 = vector.broadcast %shift_right_logical3A_181 : i32 to vector<16xi32>
      %shift_right_logical3A_183 = arith.shrui %bitcast3A_180, %shift_right_logical3A_182 : vector<16xi32>
      %sub3A_184 = arith.constant 1597463007 : i32
      %sub3A_185 = vector.broadcast %sub3A_184 : i32 to vector<16xi32>
      %sub3A_186 = arith.subi %sub3A_185, %shift_right_logical3A_183 : vector<16xi32>
      %bitcast3A_187 = vector.bitcast %sub3A_186 : vector<16xi32> to vector<16xf32>
      %mul3A_188 = arith.constant 5.000000e-01 : f32
      %mul3A_189 = vector.broadcast %mul3A_188 : f32 to vector<16xf32>
      %mul3A_190 = arith.mulf %mul3A_189, %div3A_179 : vector<16xf32>
      %mul3A_191 = arith.mulf %mul3A_190, %bitcast3A_187 : vector<16xf32>
      %mul3A_192 = arith.mulf %mul3A_191, %bitcast3A_187 : vector<16xf32>
      %sub3A_193 = arith.constant 1.500000e+00 : f32
      %sub3A_194 = vector.broadcast %sub3A_193 : f32 to vector<16xf32>
      %sub3A_195 = arith.subf %sub3A_194, %mul3A_192 : vector<16xf32>
      %mul3A_196 = arith.mulf %bitcast3A_187, %sub3A_195 : vector<16xf32>
      %mul3A_197 = arith.constant 5.000000e-01 : f32
      %mul3A_198 = vector.broadcast %mul3A_197 : f32 to vector<16xf32>
      %mul3A_199 = arith.mulf %mul3A_198, %div3A_179 : vector<16xf32>
      %mul3A_200 = arith.mulf %mul3A_199, %mul3A_196 : vector<16xf32>
      %mul3A_201 = arith.mulf %mul3A_200, %mul3A_196 : vector<16xf32>
      %sub3A_202 = arith.constant 1.500000e+00 : f32
      %sub3A_203 = vector.broadcast %sub3A_202 : f32 to vector<16xf32>
      %sub3A_204 = arith.subf %sub3A_203, %mul3A_201 : vector<16xf32>
      %mul3A_205 = arith.mulf %mul3A_196, %sub3A_204 : vector<16xf32>
      %mul3A_206 = arith.constant 5.000000e-01 : f32
      %mul3A_207 = vector.broadcast %mul3A_206 : f32 to vector<16xf32>
      %mul3A_208 = arith.mulf %mul3A_207, %div3A_179 : vector<16xf32>
      %mul3A_209 = arith.mulf %mul3A_208, %mul3A_205 : vector<16xf32>
      %mul3A_210 = arith.mulf %mul3A_209, %mul3A_205 : vector<16xf32>
      %sub3A_211 = arith.constant 1.500000e+00 : f32
      %sub3A_212 = vector.broadcast %sub3A_211 : f32 to vector<16xf32>
      %sub3A_213 = arith.subf %sub3A_212, %mul3A_210 : vector<16xf32>
      %mul3A_214 = arith.mulf %mul3A_205, %sub3A_213 : vector<16xf32>
      %mul3A_215 = arith.mulf %div3A_179, %mul3A_214 : vector<16xf32>
      %swap3A_216 = arith.constant 3 : i32
      %swap3A_217 = arith.index_cast %swap3A_216 : i32 to index
      %swap3A_218 = arith.constant 0 : index
      %swap3A_219 = tpu.vector_load %arg11[%swap3A_217, %swap3A_218] {strides = array<i32>} : memref<12x16xf32, #tpu.memory_space<vmem>>, vector<16xf32>,
      tpu.vector_store %arg11[%swap3A_217, %swap3A_218], %mul3A_215 {strides = array<i32>} : memref<12x16xf32, #tpu.memory_space<vmem>>, vector<16xf32>,
      %div3A_220 = arith.divf %while3A_59#17, %get3A_50 : vector<16xf32>
      %bitcast3A_221 = vector.bitcast %div3A_220 : vector<16xf32> to vector<16xi32>
      %shift_right_logical3A_222 = arith.constant 1 : i32
      %shift_right_logical3A_223 = vector.broadcast %shift_right_logical3A_222 : i32 to vector<16xi32>
      %shift_right_logical3A_224 = arith.shrui %bitcast3A_221, %shift_right_logical3A_223 : vector<16xi32>
      %sub3A_225 = arith.constant 1597463007 : i32
      %sub3A_226 = vector.broadcast %sub3A_225 : i32 to vector<16xi32>
      %sub3A_227 = arith.subi %sub3A_226, %shift_right_logical3A_224 : vector<16xi32>
      %bitcast3A_228 = vector.bitcast %sub3A_227 : vector<16xi32> to vector<16xf32>
      %mul3A_229 = arith.constant 5.000000e-01 : f32
      %mul3A_230 = vector.broadcast %mul3A_229 : f32 to vector<16xf32>
      %mul3A_231 = arith.mulf %mul3A_230, %div3A_220 : vector<16xf32>
      %mul3A_232 = arith.mulf %mul3A_231, %bitcast3A_228 : vector<16xf32>
      %mul3A_233 = arith.mulf %mul3A_232, %bitcast3A_228 : vector<16xf32>
      %sub3A_234 = arith.constant 1.500000e+00 : f32
      %sub3A_235 = vector.broadcast %sub3A_234 : f32 to vector<16xf32>
      %sub3A_236 = arith.subf %sub3A_235, %mul3A_233 : vector<16xf32>
      %mul3A_237 = arith.mulf %bitcast3A_228, %sub3A_236 : vector<16xf32>
      %mul3A_238 = arith.constant 5.000000e-01 : f32
      %mul3A_239 = vector.broadcast %mul3A_238 : f32 to vector<16xf32>
      %mul3A_240 = arith.mulf %mul3A_239, %div3A_220 : vector<16xf32>
      %mul3A_241 = arith.mulf %mul3A_240, %mul3A_237 : vector<16xf32>
      %mul3A_242 = arith.mulf %mul3A_241, %mul3A_237 : vector<16xf32>
      %sub3A_243 = arith.constant 1.500000e+00 : f32
      %sub3A_244 = vector.broadcast %sub3A_243 : f32 to vector<16xf32>
      %sub3A_245 = arith.subf %sub3A_244, %mul3A_242 : vector<16xf32>
      %mul3A_246 = arith.mulf %mul3A_237, %sub3A_245 : vector<16xf32>
      %mul3A_247 = arith.constant 5.000000e-01 : f32
      %mul3A_248 = vector.broadcast %mul3A_247 : f32 to vector<16xf32>
      %mul3A_249 = arith.mulf %mul3A_248, %div3A_220 : vector<16xf32>
      %mul3A_250 = arith.mulf %mul3A_249, %mul3A_246 : vector<16xf32>
      %mul3A_251 = arith.mulf %mul3A_250, %mul3A_246 : vector<16xf32>
      %sub3A_252 = arith.constant 1.500000e+00 : f32
      %sub3A_253 = vector.broadcast %sub3A_252 : f32 to vector<16xf32>
      %sub3A_254 = arith.subf %sub3A_253, %mul3A_251 : vector<16xf32>
      %mul3A_255 = arith.mulf %mul3A_246, %sub3A_254 : vector<16xf32>
      %mul3A_256 = arith.mulf %div3A_220, %mul3A_255 : vector<16xf32>
      %swap3A_257 = arith.constant 4 : i32
      %swap3A_258 = arith.index_cast %swap3A_257 : i32 to index
      %swap3A_259 = arith.constant 0 : index
      %swap3A_260 = tpu.vector_load %arg11[%swap3A_258, %swap3A_259] {strides = array<i32>} : memref<12x16xf32, #tpu.memory_space<vmem>>, vector<16xf32>,
      tpu.vector_store %arg11[%swap3A_258, %swap3A_259], %mul3A_256 {strides = array<i32>} : memref<12x16xf32, #tpu.memory_space<vmem>>, vector<16xf32>,
      %div3A_261 = arith.divf %while3A_59#18, %get3A_54 : vector<16xf32>
      %bitcast3A_262 = vector.bitcast %div3A_261 : vector<16xf32> to vector<16xi32>
      %shift_right_logical3A_263 = arith.constant 1 : i32
      %shift_right_logical3A_264 = vector.broadcast %shift_right_logical3A_263 : i32 to vector<16xi32>
      %shift_right_logical3A_265 = arith.shrui %bitcast3A_262, %shift_right_logical3A_264 : vector<16xi32>
      %sub3A_266 = arith.constant 1597463007 : i32
      %sub3A_267 = vector.broadcast %sub3A_266 : i32 to vector<16xi32>
      %sub3A_268 = arith.subi %sub3A_267, %shift_right_logical3A_265 : vector<16xi32>
      %bitcast3A_269 = vector.bitcast %sub3A_268 : vector<16xi32> to vector<16xf32>
      %mul3A_270 = arith.constant 5.000000e-01 : f32
      %mul3A_271 = vector.broadcast %mul3A_270 : f32 to vector<16xf32>
      %mul3A_272 = arith.mulf %mul3A_271, %div3A_261 : vector<16xf32>
      %mul3A_273 = arith.mulf %mul3A_272, %bitcast3A_269 : vector<16xf32>
      %mul3A_274 = arith.mulf %mul3A_273, %bitcast3A_269 : vector<16xf32>
      %sub3A_275 = arith.constant 1.500000e+00 : f32
      %sub3A_276 = vector.broadcast %sub3A_275 : f32 to vector<16xf32>
      %sub3A_277 = arith.subf %sub3A_276, %mul3A_274 : vector<16xf32>
      %mul3A_278 = arith.mulf %bitcast3A_269, %sub3A_277 : vector<16xf32>
      %mul3A_279 = arith.constant 5.000000e-01 : f32
      %mul3A_280 = vector.broadcast %mul3A_279 : f32 to vector<16xf32>
      %mul3A_281 = arith.mulf %mul3A_280, %div3A_261 : vector<16xf32>
      %mul3A_282 = arith.mulf %mul3A_281, %mul3A_278 : vector<16xf32>
      %mul3A_283 = arith.mulf %mul3A_282, %mul3A_278 : vector<16xf32>
      %sub3A_284 = arith.constant 1.500000e+00 : f32
      %sub3A_285 = vector.broadcast %sub3A_284 : f32 to vector<16xf32>
      %sub3A_286 = arith.subf %sub3A_285, %mul3A_283 : vector<16xf32>
      %mul3A_287 = arith.mulf %mul3A_278, %sub3A_286 : vector<16xf32>
      %mul3A_288 = arith.constant 5.000000e-01 : f32
      %mul3A_289 = vector.broadcast %mul3A_288 : f32 to vector<16xf32>
      %mul3A_290 = arith.mulf %mul3A_289, %div3A_261 : vector<16xf32>
      %mul3A_291 = arith.mulf %mul3A_290, %mul3A_287 : vector<16xf32>
      %mul3A_292 = arith.mulf %mul3A_291, %mul3A_287 : vector<16xf32>
      %sub3A_293 = arith.constant 1.500000e+00 : f32
      %sub3A_294 = vector.broadcast %sub3A_293 : f32 to vector<16xf32>
      %sub3A_295 = arith.subf %sub3A_294, %mul3A_292 : vector<16xf32>
      %mul3A_296 = arith.mulf %mul3A_287, %sub3A_295 : vector<16xf32>
      %mul3A_297 = arith.mulf %div3A_261, %mul3A_296 : vector<16xf32>
      %swap3A_298 = arith.constant 5 : i32
      %swap3A_299 = arith.index_cast %swap3A_298 : i32 to index
      %swap3A_300 = arith.constant 0 : index
      %swap3A_301 = tpu.vector_load %arg11[%swap3A_299, %swap3A_300] {strides = array<i32>} : memref<12x16xf32, #tpu.memory_space<vmem>>, vector<16xf32>,
      tpu.vector_store %arg11[%swap3A_299, %swap3A_300], %mul3A_297 {strides = array<i32>} : memref<12x16xf32, #tpu.memory_space<vmem>>, vector<16xf32>,
      %broadcast_in_dim3A_302 = arith.constant 6 : i32
      %broadcast_in_dim3A_303 = vector.broadcast %broadcast_in_dim3A_302 : i32 to vector<16xi32>
      %broadcast_in_dim3A_304 = arith.constant 7 : i32
      %broadcast_in_dim3A_305 = vector.broadcast %broadcast_in_dim3A_304 : i32 to vector<16xi32>
      %broadcast_in_dim3A_306 = arith.constant 8 : i32
      %broadcast_in_dim3A_307 = vector.broadcast %broadcast_in_dim3A_306 : i32 to vector<16xi32>
      %broadcast_in_dim3A_308 = arith.constant 9 : i32
      %broadcast_in_dim3A_309 = vector.broadcast %broadcast_in_dim3A_308 : i32 to vector<16xi32>
      %broadcast_in_dim3A_310 = arith.constant 10 : i32
      %broadcast_in_dim3A_311 = vector.broadcast %broadcast_in_dim3A_310 : i32 to vector<16xi32>
      %broadcast_in_dim3A_312 = arith.constant 11 : i32
      %broadcast_in_dim3A_313 = vector.broadcast %broadcast_in_dim3A_312 : i32 to vector<16xi32>
      %get3A_314 = arith.constant 6 : i32
      %get3A_315 = arith.index_cast %get3A_314 : i32 to index
      %get3A_316 = arith.constant 0 : index
      %get3A_317 = tpu.vector_load %arg10[%get3A_315, %get3A_316] {strides = array<i32>} : memref<12x16xf32, #tpu.memory_space<vmem>>, vector<16xf32>,
      %get3A_318 = arith.constant 7 : i32
      %get3A_319 = arith.index_cast %get3A_318 : i32 to index
      %get3A_320 = arith.constant 0 : index
      %get3A_321 = tpu.vector_load %arg10[%get3A_319, %get3A_320] {strides = array<i32>} : memref<12x16xf32, #tpu.memory_space<vmem>>, vector<16xf32>,
      %get3A_322 = arith.constant 8 : i32
      %get3A_323 = arith.index_cast %get3A_322 : i32 to index
      %get3A_324 = arith.constant 0 : index
      %get3A_325 = tpu.vector_load %arg10[%get3A_323, %get3A_324] {strides = array<i32>} : memref<12x16xf32, #tpu.memory_space<vmem>>, vector<16xf32>,
      %get3A_326 = arith.constant 9 : i32
      %get3A_327 = arith.index_cast %get3A_326 : i32 to index
      %get3A_328 = arith.constant 0 : index
      %get3A_329 = tpu.vector_load %arg10[%get3A_327, %get3A_328] {strides = array<i32>} : memref<12x16xf32, #tpu.memory_space<vmem>>, vector<16xf32>,
      %get3A_330 = arith.constant 10 : i32
      %get3A_331 = arith.index_cast %get3A_330 : i32 to index
      %get3A_332 = arith.constant 0 : index
      %get3A_333 = tpu.vector_load %arg10[%get3A_331, %get3A_332] {strides = array<i32>} : memref<12x16xf32, #tpu.memory_space<vmem>>, vector<16xf32>,
      %get3A_334 = arith.constant 11 : i32
      %get3A_335 = arith.index_cast %get3A_334 : i32 to index
      %get3A_336 = arith.constant 0 : index
      %get3A_337 = tpu.vector_load %arg10[%get3A_335, %get3A_336] {strides = array<i32>} : memref<12x16xf32, #tpu.memory_space<vmem>>, vector<16xf32>,
      %broadcast_in_dim3A_338 = arith.constant 0.000000e+00 : f32
      %broadcast_in_dim3A_339 = vector.broadcast %broadcast_in_dim3A_338 : f32 to vector<16xf32>
      %broadcast_in_dim3A_340 = arith.constant false
      %broadcast_in_dim3A_341 = vector.broadcast %broadcast_in_dim3A_340 : i1 to vector<16xi1>
      %while3A_342 = arith.constant 0 : i32
      %while3A_343:25 = scf.while (%while3A_593 = %while3A_342, %while3A_594 = %broadcast_in_dim3A_339, %while3A_595 = %broadcast_in_dim3A_339, %while3A_596 = %broadcast_in_dim3A_339, %while3A_597 = %broadcast_in_dim3A_339, %while3A_598 = %broadcast_in_dim3A_339, %while3A_599 = %broadcast_in_dim3A_339, %while3A_600 = %broadcast_in_dim3A_339, %while3A_601 = %broadcast_in_dim3A_339, %while3A_602 = %broadcast_in_dim3A_339, %while3A_603 = %broadcast_in_dim3A_339, %while3A_604 = %broadcast_in_dim3A_339, %while3A_605 = %broadcast_in_dim3A_339, %while3A_606 = %broadcast_in_dim3A_339, %while3A_607 = %broadcast_in_dim3A_339, %while3A_608 = %broadcast_in_dim3A_339, %while3A_609 = %broadcast_in_dim3A_339, %while3A_610 = %broadcast_in_dim3A_339, %while3A_611 = %broadcast_in_dim3A_339, %while3A_612 = %broadcast_in_dim3A_341, %while3A_613 = %broadcast_in_dim3A_341, %while3A_614 = %broadcast_in_dim3A_341, %while3A_615 = %broadcast_in_dim3A_341, %while3A_616 = %broadcast_in_dim3A_341, %while3A_617 = %broadcast_in_dim3A_341) : (i32, vector<16xf32>, vector<16xf32>, vector<16xf32>, vector<16xf32>, vector<16xf32>, vector<16xf32>, vector<16xf32>, vector<16xf32>, vector<16xf32>, vector<16xf32>, vector<16xf32>, vector<16xf32>, vector<16xf32>, vector<16xf32>, vector<16xf32>, vector<16xf32>, vector<16xf32>, vector<16xf32>, vector<16xi1>, vector<16xi1>, vector<16xi1>, vector<16xi1>, vector<16xi1>, vector<16xi1>) -> (i32, vector<16xf32>, vector<16xf32>, vector<16xf32>, vector<16xf32>, vector<16xf32>, vector<16xf32>, vector<16xf32>, vector<16xf32>, vector<16xf32>, vector<16xf32>, vector<16xf32>, vector<16xf32>, vector<16xf32>, vector<16xf32>, vector<16xf32>, vector<16xf32>, vector<16xf32>, vector<16xf32>, vector<16xi1>, vector<16xi1>, vector<16xi1>, vector<16xi1>, vector<16xi1>, vector<16xi1>) {
        %and3A = arith.andi %while3A_612, %while3A_613 : vector<16xi1>
        %and3A_618 = arith.andi %and3A, %while3A_614 : vector<16xi1>
        %and3A_619 = arith.andi %and3A_618, %while3A_615 : vector<16xi1>
        %and3A_620 = arith.andi %and3A_619, %while3A_616 : vector<16xi1>
        %and3A_621 = arith.andi %and3A_620, %while3A_617 : vector<16xi1>
        %lt3A = arith.constant 288 : i32
        %lt3A_622 = arith.cmpi slt, %while3A_593, %lt3A : i32
        %reduce_and3A = arith.constant 1.000000e+00 : f32
        %reduce_and3A_623 = arith.constant 0.000000e+00 : f32
        %reduce_and3A_624 = vector.broadcast %reduce_and3A : f32 to vector<16xf32>
        %reduce_and3A_625 = vector.broadcast %reduce_and3A_623 : f32 to vector<16xf32>
        %reduce_and3A_626 = arith.select %and3A_621, %reduce_and3A_624, %reduce_and3A_625 : vector<16xi1>, vector<16xf32>
        %reduce_and3A_627 = arith.constant true
        %reduce_and3A_628 = vector.broadcast %reduce_and3A_627 : i1 to vector<16xi1>
        %reduce_and3A_629 = tpu.scan <min>, %reduce_and3A_626 masked %reduce_and3A_628 : vector<16xf32>, vector<16xi1> -> vector<16xf32>
        %reduce_and3A_630 = vector.extract %reduce_and3A_629[15] : f32 from vector<16xf32>
        %reduce_and3A_631 = arith.constant 0.000000e+00 : f32
        %reduce_and3A_632 = arith.cmpf ogt, %reduce_and3A_630, %reduce_and3A_631 : f32
        %not3A = arith.constant true
        %not3A_633 = arith.xori %reduce_and3A_632, %not3A : i1
        %and3A_634 = arith.andi %lt3A_622, %not3A_633 : i1
        scf.condition(%and3A_634) %while3A_593, %while3A_594, %while3A_595, %while3A_596, %while3A_597, %while3A_598, %while3A_599, %while3A_600, %while3A_601, %while3A_602, %while3A_603, %while3A_604, %while3A_605, %while3A_606, %while3A_607, %while3A_608, %while3A_609, %while3A_610, %while3A_611, %while3A_612, %while3A_613, %while3A_614, %while3A_615, %while3A_616, %while3A_617 : i32, vector<16xf32>, vector<16xf32>, vector<16xf32>, vector<16xf32>, vector<16xf32>, vector<16xf32>, vector<16xf32>, vector<16xf32>, vector<16xf32>, vector<16xf32>, vector<16xf32>, vector<16xf32>, vector<16xf32>, vector<16xf32>, vector<16xf32>, vector<16xf32>, vector<16xf32>, vector<16xf32>, vector<16xi1>, vector<16xi1>, vector<16xi1>, vector<16xi1>, vector<16xi1>, vector<16xi1>
      } do {
      ^bb0(%while3A_593: i32, %while3A_594: vector<16xf32>, %while3A_595: vector<16xf32>, %while3A_596: vector<16xf32>, %while3A_597: vector<16xf32>, %while3A_598: vector<16xf32>, %while3A_599: vector<16xf32>, %while3A_600: vector<16xf32>, %while3A_601: vector<16xf32>, %while3A_602: vector<16xf32>, %while3A_603: vector<16xf32>, %while3A_604: vector<16xf32>, %while3A_605: vector<16xf32>, %while3A_606: vector<16xf32>, %while3A_607: vector<16xf32>, %while3A_608: vector<16xf32>, %while3A_609: vector<16xf32>, %while3A_610: vector<16xf32>, %while3A_611: vector<16xf32>, %while3A_612: vector<16xi1>, %while3A_613: vector<16xi1>, %while3A_614: vector<16xi1>, %while3A_615: vector<16xi1>, %while3A_616: vector<16xi1>, %while3A_617: vector<16xi1>):
        %mul3A_618 = arith.constant 3 : i32
        %mul3A_619 = arith.muli %mul3A_618, %while3A_593 : i32
        %get3A_620 = arith.index_cast %mul3A_619 : i32 to index
        %get3A_621 = arith.constant 0 : index
        %get3A_622 = tpu.vector_load %arg8[%get3A_620, %get3A_621] {strides = array<i32>} : memref<864x16xi32, #tpu.memory_space<vmem>>, vector<16xi32>,
        %mul3A_623 = arith.constant 3 : i32
        %mul3A_624 = arith.muli %mul3A_623, %while3A_593 : i32
        %add3A_625 = arith.constant 1 : i32
        %add3A_626 = arith.addi %mul3A_624, %add3A_625 : i32
        %get3A_627 = arith.index_cast %add3A_626 : i32 to index
        %get3A_628 = arith.constant 0 : index
        %get3A_629 = tpu.vector_load %arg8[%get3A_627, %get3A_628] {strides = array<i32>} : memref<864x16xi32, #tpu.memory_space<vmem>>, vector<16xi32>,
        %mul3A_630 = arith.constant 3 : i32
        %mul3A_631 = arith.muli %mul3A_630, %while3A_593 : i32
        %add3A_632 = arith.constant 2 : i32
        %add3A_633 = arith.addi %mul3A_631, %add3A_632 : i32
        %get3A_634 = arith.index_cast %add3A_633 : i32 to index
        %get3A_635 = arith.constant 0 : index
        %get3A_636 = tpu.vector_load %arg8[%get3A_634, %get3A_635] {strides = array<i32>} : memref<864x16xi32, #tpu.memory_space<vmem>>, vector<16xi32>,
        %and3A = arith.constant 4095 : i32
        %and3A_637 = vector.broadcast %and3A : i32 to vector<16xi32>
        %and3A_638 = arith.andi %get3A_622, %and3A_637 : vector<16xi32>
        %shift_right_logical3A_639 = arith.constant 12 : i32
        %shift_right_logical3A_640 = vector.broadcast %shift_right_logical3A_639 : i32 to vector<16xi32>
        %shift_right_logical3A_641 = arith.shrui %get3A_622, %shift_right_logical3A_640 : vector<16xi32>
        %and3A_642 = arith.constant 4095 : i32
        %and3A_643 = vector.broadcast %and3A_642 : i32 to vector<16xi32>
        %and3A_644 = arith.andi %shift_right_logical3A_641, %and3A_643 : vector<16xi32>
        %shift_right_logical3A_645 = arith.constant 24 : i32
        %shift_right_logical3A_646 = vector.broadcast %shift_right_logical3A_645 : i32 to vector<16xi32>
        %shift_right_logical3A_647 = arith.shrui %get3A_622, %shift_right_logical3A_646 : vector<16xi32>
        %and3A_648 = arith.constant 15 : i32
        %and3A_649 = vector.broadcast %and3A_648 : i32 to vector<16xi32>
        %and3A_650 = arith.andi %get3A_629, %and3A_649 : vector<16xi32>
        %shift_left3A = arith.constant 8 : i32
        %shift_left3A_651 = vector.broadcast %shift_left3A : i32 to vector<16xi32>
        %shift_left3A_652 = arith.shli %and3A_650, %shift_left3A_651 : vector<16xi32>
        %or3A = arith.ori %shift_right_logical3A_647, %shift_left3A_652 : vector<16xi32>
        %shift_right_logical3A_653 = arith.constant 4 : i32
        %shift_right_logical3A_654 = vector.broadcast %shift_right_logical3A_653 : i32 to vector<16xi32>
        %shift_right_logical3A_655 = arith.shrui %get3A_629, %shift_right_logical3A_654 : vector<16xi32>
        %and3A_656 = arith.constant 4095 : i32
        %and3A_657 = vector.broadcast %and3A_656 : i32 to vector<16xi32>
        %and3A_658 = arith.andi %shift_right_logical3A_655, %and3A_657 : vector<16xi32>
        %shift_right_logical3A_659 = arith.constant 16 : i32
        %shift_right_logical3A_660 = vector.broadcast %shift_right_logical3A_659 : i32 to vector<16xi32>
        %shift_right_logical3A_661 = arith.shrui %get3A_629, %shift_right_logical3A_660 : vector<16xi32>
        %and3A_662 = arith.constant 4095 : i32
        %and3A_663 = vector.broadcast %and3A_662 : i32 to vector<16xi32>
        %and3A_664 = arith.andi %shift_right_logical3A_661, %and3A_663 : vector<16xi32>
        %shift_right_logical3A_665 = arith.constant 28 : i32
        %shift_right_logical3A_666 = vector.broadcast %shift_right_logical3A_665 : i32 to vector<16xi32>
        %shift_right_logical3A_667 = arith.shrui %get3A_629, %shift_right_logical3A_666 : vector<16xi32>
        %and3A_668 = arith.constant 255 : i32
        %and3A_669 = vector.broadcast %and3A_668 : i32 to vector<16xi32>
        %and3A_670 = arith.andi %get3A_636, %and3A_669 : vector<16xi32>
        %shift_left3A_671 = arith.constant 4 : i32
        %shift_left3A_672 = vector.broadcast %shift_left3A_671 : i32 to vector<16xi32>
        %shift_left3A_673 = arith.shli %and3A_670, %shift_left3A_672 : vector<16xi32>
        %or3A_674 = arith.ori %shift_right_logical3A_667, %shift_left3A_673 : vector<16xi32>
        %shift_right_logical3A_675 = arith.constant 8 : i32
        %shift_right_logical3A_676 = vector.broadcast %shift_right_logical3A_675 : i32 to vector<16xi32>
        %shift_right_logical3A_677 = arith.shrui %get3A_636, %shift_right_logical3A_676 : vector<16xi32>
        %and3A_678 = arith.constant 4095 : i32
        %and3A_679 = vector.broadcast %and3A_678 : i32 to vector<16xi32>
        %and3A_680 = arith.andi %shift_right_logical3A_677, %and3A_679 : vector<16xi32>
        %shift_right_logical3A_681 = arith.constant 20 : i32
        %shift_right_logical3A_682 = vector.broadcast %shift_right_logical3A_681 : i32 to vector<16xi32>
        %shift_right_logical3A_683 = arith.shrui %get3A_636, %shift_right_logical3A_682 : vector<16xi32>
        %rem3A_684 = arith.constant 48 : i32
        %rem3A_685 = vector.broadcast %rem3A_684 : i32 to vector<16xi32>
        %rem3A_686 = arith.remsi %and3A_638, %rem3A_685 : vector<16xi32>
        %div3A_687 = arith.constant 48 : i32
        %div3A_688 = vector.broadcast %div3A_687 : i32 to vector<16xi32>
        %div3A_689 = arith.divsi %and3A_638, %div3A_688 : vector<16xi32>
        %sub3A_690 = arith.subi %rem3A_18, %rem3A_686 : vector<16xi32>
        %sub3A_691 = arith.subi %div3A_20, %div3A_689 : vector<16xi32>
        %mul3A_692 = arith.muli %sub3A_690, %sub3A_690 : vector<16xi32>
        %mul3A_693 = arith.muli %sub3A_691, %sub3A_691 : vector<16xi32>
        %add3A_694 = arith.addi %mul3A_692, %mul3A_693 : vector<16xi32>
        %gather3A = tpu.vector_load_idx %arg9[%add3A_694] : memref<4419xf32, #tpu.memory_space<vmem>>[vector<16xi32>], vector<16xf32>,
        %gather3A_695 = tpu.vector_load_idx %arg7[%broadcast_in_dim3A_303, %and3A_638] : memref<12x2304xf32, #tpu.memory_space<vmem>>[vector<16xi32>, vector<16xi32>], vector<16xf32>,
        %add3A_696 = arith.addf %while3A_594, %gather3A_695 : vector<16xf32>
        %mul3A_697 = arith.mulf %gather3A, %gather3A_695 : vector<16xf32>
        %add3A_698 = arith.addf %while3A_600, %mul3A_697 : vector<16xf32>
        %sub3A_699 = arith.subf %get3A_317, %add3A_696 : vector<16xf32>
        %mul3A_700 = arith.mulf %gather3A, %sub3A_699 : vector<16xf32>
        %add3A_701 = arith.addf %add3A_698, %mul3A_700 : vector<16xf32>
        %select_n3A = arith.select %while3A_612, %while3A_606, %add3A_701 : vector<16xi1>, vector<16xf32>
        %ge3A = arith.cmpf oge, %add3A_696, %get3A_317 : vector<16xf32>
        %or3A_702 = arith.ori %while3A_612, %ge3A : vector<16xi1>
        %gather3A_703 = tpu.vector_load_idx %arg7[%broadcast_in_dim3A_305, %and3A_638] : memref<12x2304xf32, #tpu.memory_space<vmem>>[vector<16xi32>, vector<16xi32>], vector<16xf32>,
        %add3A_704 = arith.addf %while3A_595, %gather3A_703 : vector<16xf32>
        %mul3A_705 = arith.mulf %gather3A, %gather3A_703 : vector<16xf32>
        %add3A_706 = arith.addf %while3A_601, %mul3A_705 : vector<16xf32>
        %sub3A_707 = arith.subf %get3A_321, %add3A_704 : vector<16xf32>
        %mul3A_708 = arith.mulf %gather3A, %sub3A_707 : vector<16xf32>
        %add3A_709 = arith.addf %add3A_706, %mul3A_708 : vector<16xf32>
        %select_n3A_710 = arith.select %while3A_613, %while3A_607, %add3A_709 : vector<16xi1>, vector<16xf32>
        %ge3A_711 = arith.cmpf oge, %add3A_704, %get3A_321 : vector<16xf32>
        %or3A_712 = arith.ori %while3A_613, %ge3A_711 : vector<16xi1>
        %gather3A_713 = tpu.vector_load_idx %arg7[%broadcast_in_dim3A_307, %and3A_638] : memref<12x2304xf32, #tpu.memory_space<vmem>>[vector<16xi32>, vector<16xi32>], vector<16xf32>,
        %add3A_714 = arith.addf %while3A_596, %gather3A_713 : vector<16xf32>
        %mul3A_715 = arith.mulf %gather3A, %gather3A_713 : vector<16xf32>
        %add3A_716 = arith.addf %while3A_602, %mul3A_715 : vector<16xf32>
        %sub3A_717 = arith.subf %get3A_325, %add3A_714 : vector<16xf32>
        %mul3A_718 = arith.mulf %gather3A, %sub3A_717 : vector<16xf32>
        %add3A_719 = arith.addf %add3A_716, %mul3A_718 : vector<16xf32>
        %select_n3A_720 = arith.select %while3A_614, %while3A_608, %add3A_719 : vector<16xi1>, vector<16xf32>
        %ge3A_721 = arith.cmpf oge, %add3A_714, %get3A_325 : vector<16xf32>
        %or3A_722 = arith.ori %while3A_614, %ge3A_721 : vector<16xi1>
        %gather3A_723 = tpu.vector_load_idx %arg7[%broadcast_in_dim3A_309, %and3A_638] : memref<12x2304xf32, #tpu.memory_space<vmem>>[vector<16xi32>, vector<16xi32>], vector<16xf32>,
        %add3A_724 = arith.addf %while3A_597, %gather3A_723 : vector<16xf32>
        %mul3A_725 = arith.mulf %gather3A, %gather3A_723 : vector<16xf32>
        %add3A_726 = arith.addf %while3A_603, %mul3A_725 : vector<16xf32>
        %sub3A_727 = arith.subf %get3A_329, %add3A_724 : vector<16xf32>
        %mul3A_728 = arith.mulf %gather3A, %sub3A_727 : vector<16xf32>
        %add3A_729 = arith.addf %add3A_726, %mul3A_728 : vector<16xf32>
        %select_n3A_730 = arith.select %while3A_615, %while3A_609, %add3A_729 : vector<16xi1>, vector<16xf32>
        %ge3A_731 = arith.cmpf oge, %add3A_724, %get3A_329 : vector<16xf32>
        %or3A_732 = arith.ori %while3A_615, %ge3A_731 : vector<16xi1>
        %gather3A_733 = tpu.vector_load_idx %arg7[%broadcast_in_dim3A_311, %and3A_638] : memref<12x2304xf32, #tpu.memory_space<vmem>>[vector<16xi32>, vector<16xi32>], vector<16xf32>,
        %add3A_734 = arith.addf %while3A_598, %gather3A_733 : vector<16xf32>
        %mul3A_735 = arith.mulf %gather3A, %gather3A_733 : vector<16xf32>
        %add3A_736 = arith.addf %while3A_604, %mul3A_735 : vector<16xf32>
        %sub3A_737 = arith.subf %get3A_333, %add3A_734 : vector<16xf32>
        %mul3A_738 = arith.mulf %gather3A, %sub3A_737 : vector<16xf32>
        %add3A_739 = arith.addf %add3A_736, %mul3A_738 : vector<16xf32>
        %select_n3A_740 = arith.select %while3A_616, %while3A_610, %add3A_739 : vector<16xi1>, vector<16xf32>
        %ge3A_741 = arith.cmpf oge, %add3A_734, %get3A_333 : vector<16xf32>
        %or3A_742 = arith.ori %while3A_616, %ge3A_741 : vector<16xi1>
        %gather3A_743 = tpu.vector_load_idx %arg7[%broadcast_in_dim3A_313, %and3A_638] : memref<12x2304xf32, #tpu.memory_space<vmem>>[vector<16xi32>, vector<16xi32>], vector<16xf32>,
        %add3A_744 = arith.addf %while3A_599, %gather3A_743 : vector<16xf32>
        %mul3A_745 = arith.mulf %gather3A, %gather3A_743 : vector<16xf32>
        %add3A_746 = arith.addf %while3A_605, %mul3A_745 : vector<16xf32>
        %sub3A_747 = arith.subf %get3A_337, %add3A_744 : vector<16xf32>
        %mul3A_748 = arith.mulf %gather3A, %sub3A_747 : vector<16xf32>
        %add3A_749 = arith.addf %add3A_746, %mul3A_748 : vector<16xf32>
        %select_n3A_750 = arith.select %while3A_617, %while3A_611, %add3A_749 : vector<16xi1>, vector<16xf32>
        %ge3A_751 = arith.cmpf oge, %add3A_744, %get3A_337 : vector<16xf32>
        %or3A_752 = arith.ori %while3A_617, %ge3A_751 : vector<16xi1>
        %rem3A_753 = arith.constant 48 : i32
        %rem3A_754 = vector.broadcast %rem3A_753 : i32 to vector<16xi32>
        %rem3A_755 = arith.remsi %and3A_644, %rem3A_754 : vector<16xi32>
        %div3A_756 = arith.constant 48 : i32
        %div3A_757 = vector.broadcast %div3A_756 : i32 to vector<16xi32>
        %div3A_758 = arith.divsi %and3A_644, %div3A_757 : vector<16xi32>
        %sub3A_759 = arith.subi %rem3A_18, %rem3A_755 : vector<16xi32>
        %sub3A_760 = arith.subi %div3A_20, %div3A_758 : vector<16xi32>
        %mul3A_761 = arith.muli %sub3A_759, %sub3A_759 : vector<16xi32>
        %mul3A_762 = arith.muli %sub3A_760, %sub3A_760 : vector<16xi32>
        %add3A_763 = arith.addi %mul3A_761, %mul3A_762 : vector<16xi32>
        %gather3A_764 = tpu.vector_load_idx %arg9[%add3A_763] : memref<4419xf32, #tpu.memory_space<vmem>>[vector<16xi32>], vector<16xf32>,
        %gather3A_765 = tpu.vector_load_idx %arg7[%broadcast_in_dim3A_303, %and3A_644] : memref<12x2304xf32, #tpu.memory_space<vmem>>[vector<16xi32>, vector<16xi32>], vector<16xf32>,
        %add3A_766 = arith.addf %add3A_696, %gather3A_765 : vector<16xf32>
        %mul3A_767 = arith.mulf %gather3A_764, %gather3A_765 : vector<16xf32>
        %add3A_768 = arith.addf %add3A_698, %mul3A_767 : vector<16xf32>
        %sub3A_769 = arith.subf %get3A_317, %add3A_766 : vector<16xf32>
        %mul3A_770 = arith.mulf %gather3A_764, %sub3A_769 : vector<16xf32>
        %add3A_771 = arith.addf %add3A_768, %mul3A_770 : vector<16xf32>
        %select_n3A_772 = arith.select %or3A_702, %select_n3A, %add3A_771 : vector<16xi1>, vector<16xf32>
        %ge3A_773 = arith.cmpf oge, %add3A_766, %get3A_317 : vector<16xf32>
        %or3A_774 = arith.ori %or3A_702, %ge3A_773 : vector<16xi1>
        %gather3A_775 = tpu.vector_load_idx %arg7[%broadcast_in_dim3A_305, %and3A_644] : memref<12x2304xf32, #tpu.memory_space<vmem>>[vector<16xi32>, vector<16xi32>], vector<16xf32>,
        %add3A_776 = arith.addf %add3A_704, %gather3A_775 : vector<16xf32>
        %mul3A_777 = arith.mulf %gather3A_764, %gather3A_775 : vector<16xf32>
        %add3A_778 = arith.addf %add3A_706, %mul3A_777 : vector<16xf32>
        %sub3A_779 = arith.subf %get3A_321, %add3A_776 : vector<16xf32>
        %mul3A_780 = arith.mulf %gather3A_764, %sub3A_779 : vector<16xf32>
        %add3A_781 = arith.addf %add3A_778, %mul3A_780 : vector<16xf32>
        %select_n3A_782 = arith.select %or3A_712, %select_n3A_710, %add3A_781 : vector<16xi1>, vector<16xf32>
        %ge3A_783 = arith.cmpf oge, %add3A_776, %get3A_321 : vector<16xf32>
        %or3A_784 = arith.ori %or3A_712, %ge3A_783 : vector<16xi1>
        %gather3A_785 = tpu.vector_load_idx %arg7[%broadcast_in_dim3A_307, %and3A_644] : memref<12x2304xf32, #tpu.memory_space<vmem>>[vector<16xi32>, vector<16xi32>], vector<16xf32>,
        %add3A_786 = arith.addf %add3A_714, %gather3A_785 : vector<16xf32>
        %mul3A_787 = arith.mulf %gather3A_764, %gather3A_785 : vector<16xf32>
        %add3A_788 = arith.addf %add3A_716, %mul3A_787 : vector<16xf32>
        %sub3A_789 = arith.subf %get3A_325, %add3A_786 : vector<16xf32>
        %mul3A_790 = arith.mulf %gather3A_764, %sub3A_789 : vector<16xf32>
        %add3A_791 = arith.addf %add3A_788, %mul3A_790 : vector<16xf32>
        %select_n3A_792 = arith.select %or3A_722, %select_n3A_720, %add3A_791 : vector<16xi1>, vector<16xf32>
        %ge3A_793 = arith.cmpf oge, %add3A_786, %get3A_325 : vector<16xf32>
        %or3A_794 = arith.ori %or3A_722, %ge3A_793 : vector<16xi1>
        %gather3A_795 = tpu.vector_load_idx %arg7[%broadcast_in_dim3A_309, %and3A_644] : memref<12x2304xf32, #tpu.memory_space<vmem>>[vector<16xi32>, vector<16xi32>], vector<16xf32>,
        %add3A_796 = arith.addf %add3A_724, %gather3A_795 : vector<16xf32>
        %mul3A_797 = arith.mulf %gather3A_764, %gather3A_795 : vector<16xf32>
        %add3A_798 = arith.addf %add3A_726, %mul3A_797 : vector<16xf32>
        %sub3A_799 = arith.subf %get3A_329, %add3A_796 : vector<16xf32>
        %mul3A_800 = arith.mulf %gather3A_764, %sub3A_799 : vector<16xf32>
        %add3A_801 = arith.addf %add3A_798, %mul3A_800 : vector<16xf32>
        %select_n3A_802 = arith.select %or3A_732, %select_n3A_730, %add3A_801 : vector<16xi1>, vector<16xf32>
        %ge3A_803 = arith.cmpf oge, %add3A_796, %get3A_329 : vector<16xf32>
        %or3A_804 = arith.ori %or3A_732, %ge3A_803 : vector<16xi1>
        %gather3A_805 = tpu.vector_load_idx %arg7[%broadcast_in_dim3A_311, %and3A_644] : memref<12x2304xf32, #tpu.memory_space<vmem>>[vector<16xi32>, vector<16xi32>], vector<16xf32>,
        %add3A_806 = arith.addf %add3A_734, %gather3A_805 : vector<16xf32>
        %mul3A_807 = arith.mulf %gather3A_764, %gather3A_805 : vector<16xf32>
        %add3A_808 = arith.addf %add3A_736, %mul3A_807 : vector<16xf32>
        %sub3A_809 = arith.subf %get3A_333, %add3A_806 : vector<16xf32>
        %mul3A_810 = arith.mulf %gather3A_764, %sub3A_809 : vector<16xf32>
        %add3A_811 = arith.addf %add3A_808, %mul3A_810 : vector<16xf32>
        %select_n3A_812 = arith.select %or3A_742, %select_n3A_740, %add3A_811 : vector<16xi1>, vector<16xf32>
        %ge3A_813 = arith.cmpf oge, %add3A_806, %get3A_333 : vector<16xf32>
        %or3A_814 = arith.ori %or3A_742, %ge3A_813 : vector<16xi1>
        %gather3A_815 = tpu.vector_load_idx %arg7[%broadcast_in_dim3A_313, %and3A_644] : memref<12x2304xf32, #tpu.memory_space<vmem>>[vector<16xi32>, vector<16xi32>], vector<16xf32>,
        %add3A_816 = arith.addf %add3A_744, %gather3A_815 : vector<16xf32>
        %mul3A_817 = arith.mulf %gather3A_764, %gather3A_815 : vector<16xf32>
        %add3A_818 = arith.addf %add3A_746, %mul3A_817 : vector<16xf32>
        %sub3A_819 = arith.subf %get3A_337, %add3A_816 : vector<16xf32>
        %mul3A_820 = arith.mulf %gather3A_764, %sub3A_819 : vector<16xf32>
        %add3A_821 = arith.addf %add3A_818, %mul3A_820 : vector<16xf32>
        %select_n3A_822 = arith.select %or3A_752, %select_n3A_750, %add3A_821 : vector<16xi1>, vector<16xf32>
        %ge3A_823 = arith.cmpf oge, %add3A_816, %get3A_337 : vector<16xf32>
        %or3A_824 = arith.ori %or3A_752, %ge3A_823 : vector<16xi1>
        %rem3A_825 = arith.constant 48 : i32
        %rem3A_826 = vector.broadcast %rem3A_825 : i32 to vector<16xi32>
        %rem3A_827 = arith.remsi %or3A, %rem3A_826 : vector<16xi32>
        %div3A_828 = arith.constant 48 : i32
        %div3A_829 = vector.broadcast %div3A_828 : i32 to vector<16xi32>
        %div3A_830 = arith.divsi %or3A, %div3A_829 : vector<16xi32>
        %sub3A_831 = arith.subi %rem3A_18, %rem3A_827 : vector<16xi32>
        %sub3A_832 = arith.subi %div3A_20, %div3A_830 : vector<16xi32>
        %mul3A_833 = arith.muli %sub3A_831, %sub3A_831 : vector<16xi32>
        %mul3A_834 = arith.muli %sub3A_832, %sub3A_832 : vector<16xi32>
        %add3A_835 = arith.addi %mul3A_833, %mul3A_834 : vector<16xi32>
        %gather3A_836 = tpu.vector_load_idx %arg9[%add3A_835] : memref<4419xf32, #tpu.memory_space<vmem>>[vector<16xi32>], vector<16xf32>,
        %gather3A_837 = tpu.vector_load_idx %arg7[%broadcast_in_dim3A_303, %or3A] : memref<12x2304xf32, #tpu.memory_space<vmem>>[vector<16xi32>, vector<16xi32>], vector<16xf32>,
        %add3A_838 = arith.addf %add3A_766, %gather3A_837 : vector<16xf32>
        %mul3A_839 = arith.mulf %gather3A_836, %gather3A_837 : vector<16xf32>
        %add3A_840 = arith.addf %add3A_768, %mul3A_839 : vector<16xf32>
        %sub3A_841 = arith.subf %get3A_317, %add3A_838 : vector<16xf32>
        %mul3A_842 = arith.mulf %gather3A_836, %sub3A_841 : vector<16xf32>
        %add3A_843 = arith.addf %add3A_840, %mul3A_842 : vector<16xf32>
        %select_n3A_844 = arith.select %or3A_774, %select_n3A_772, %add3A_843 : vector<16xi1>, vector<16xf32>
        %ge3A_845 = arith.cmpf oge, %add3A_838, %get3A_317 : vector<16xf32>
        %or3A_846 = arith.ori %or3A_774, %ge3A_845 : vector<16xi1>
        %gather3A_847 = tpu.vector_load_idx %arg7[%broadcast_in_dim3A_305, %or3A] : memref<12x2304xf32, #tpu.memory_space<vmem>>[vector<16xi32>, vector<16xi32>], vector<16xf32>,
        %add3A_848 = arith.addf %add3A_776, %gather3A_847 : vector<16xf32>
        %mul3A_849 = arith.mulf %gather3A_836, %gather3A_847 : vector<16xf32>
        %add3A_850 = arith.addf %add3A_778, %mul3A_849 : vector<16xf32>
        %sub3A_851 = arith.subf %get3A_321, %add3A_848 : vector<16xf32>
        %mul3A_852 = arith.mulf %gather3A_836, %sub3A_851 : vector<16xf32>
        %add3A_853 = arith.addf %add3A_850, %mul3A_852 : vector<16xf32>
        %select_n3A_854 = arith.select %or3A_784, %select_n3A_782, %add3A_853 : vector<16xi1>, vector<16xf32>
        %ge3A_855 = arith.cmpf oge, %add3A_848, %get3A_321 : vector<16xf32>
        %or3A_856 = arith.ori %or3A_784, %ge3A_855 : vector<16xi1>
        %gather3A_857 = tpu.vector_load_idx %arg7[%broadcast_in_dim3A_307, %or3A] : memref<12x2304xf32, #tpu.memory_space<vmem>>[vector<16xi32>, vector<16xi32>], vector<16xf32>,
        %add3A_858 = arith.addf %add3A_786, %gather3A_857 : vector<16xf32>
        %mul3A_859 = arith.mulf %gather3A_836, %gather3A_857 : vector<16xf32>
        %add3A_860 = arith.addf %add3A_788, %mul3A_859 : vector<16xf32>
        %sub3A_861 = arith.subf %get3A_325, %add3A_858 : vector<16xf32>
        %mul3A_862 = arith.mulf %gather3A_836, %sub3A_861 : vector<16xf32>
        %add3A_863 = arith.addf %add3A_860, %mul3A_862 : vector<16xf32>
        %select_n3A_864 = arith.select %or3A_794, %select_n3A_792, %add3A_863 : vector<16xi1>, vector<16xf32>
        %ge3A_865 = arith.cmpf oge, %add3A_858, %get3A_325 : vector<16xf32>
        %or3A_866 = arith.ori %or3A_794, %ge3A_865 : vector<16xi1>
        %gather3A_867 = tpu.vector_load_idx %arg7[%broadcast_in_dim3A_309, %or3A] : memref<12x2304xf32, #tpu.memory_space<vmem>>[vector<16xi32>, vector<16xi32>], vector<16xf32>,
        %add3A_868 = arith.addf %add3A_796, %gather3A_867 : vector<16xf32>
        %mul3A_869 = arith.mulf %gather3A_836, %gather3A_867 : vector<16xf32>
        %add3A_870 = arith.addf %add3A_798, %mul3A_869 : vector<16xf32>
        %sub3A_871 = arith.subf %get3A_329, %add3A_868 : vector<16xf32>
        %mul3A_872 = arith.mulf %gather3A_836, %sub3A_871 : vector<16xf32>
        %add3A_873 = arith.addf %add3A_870, %mul3A_872 : vector<16xf32>
        %select_n3A_874 = arith.select %or3A_804, %select_n3A_802, %add3A_873 : vector<16xi1>, vector<16xf32>
        %ge3A_875 = arith.cmpf oge, %add3A_868, %get3A_329 : vector<16xf32>
        %or3A_876 = arith.ori %or3A_804, %ge3A_875 : vector<16xi1>
        %gather3A_877 = tpu.vector_load_idx %arg7[%broadcast_in_dim3A_311, %or3A] : memref<12x2304xf32, #tpu.memory_space<vmem>>[vector<16xi32>, vector<16xi32>], vector<16xf32>,
        %add3A_878 = arith.addf %add3A_806, %gather3A_877 : vector<16xf32>
        %mul3A_879 = arith.mulf %gather3A_836, %gather3A_877 : vector<16xf32>
        %add3A_880 = arith.addf %add3A_808, %mul3A_879 : vector<16xf32>
        %sub3A_881 = arith.subf %get3A_333, %add3A_878 : vector<16xf32>
        %mul3A_882 = arith.mulf %gather3A_836, %sub3A_881 : vector<16xf32>
        %add3A_883 = arith.addf %add3A_880, %mul3A_882 : vector<16xf32>
        %select_n3A_884 = arith.select %or3A_814, %select_n3A_812, %add3A_883 : vector<16xi1>, vector<16xf32>
        %ge3A_885 = arith.cmpf oge, %add3A_878, %get3A_333 : vector<16xf32>
        %or3A_886 = arith.ori %or3A_814, %ge3A_885 : vector<16xi1>
        %gather3A_887 = tpu.vector_load_idx %arg7[%broadcast_in_dim3A_313, %or3A] : memref<12x2304xf32, #tpu.memory_space<vmem>>[vector<16xi32>, vector<16xi32>], vector<16xf32>,
        %add3A_888 = arith.addf %add3A_816, %gather3A_887 : vector<16xf32>
        %mul3A_889 = arith.mulf %gather3A_836, %gather3A_887 : vector<16xf32>
        %add3A_890 = arith.addf %add3A_818, %mul3A_889 : vector<16xf32>
        %sub3A_891 = arith.subf %get3A_337, %add3A_888 : vector<16xf32>
        %mul3A_892 = arith.mulf %gather3A_836, %sub3A_891 : vector<16xf32>
        %add3A_893 = arith.addf %add3A_890, %mul3A_892 : vector<16xf32>
        %select_n3A_894 = arith.select %or3A_824, %select_n3A_822, %add3A_893 : vector<16xi1>, vector<16xf32>
        %ge3A_895 = arith.cmpf oge, %add3A_888, %get3A_337 : vector<16xf32>
        %or3A_896 = arith.ori %or3A_824, %ge3A_895 : vector<16xi1>
        %rem3A_897 = arith.constant 48 : i32
        %rem3A_898 = vector.broadcast %rem3A_897 : i32 to vector<16xi32>
        %rem3A_899 = arith.remsi %and3A_658, %rem3A_898 : vector<16xi32>
        %div3A_900 = arith.constant 48 : i32
        %div3A_901 = vector.broadcast %div3A_900 : i32 to vector<16xi32>
        %div3A_902 = arith.divsi %and3A_658, %div3A_901 : vector<16xi32>
        %sub3A_903 = arith.subi %rem3A_18, %rem3A_899 : vector<16xi32>
        %sub3A_904 = arith.subi %div3A_20, %div3A_902 : vector<16xi32>
        %mul3A_905 = arith.muli %sub3A_903, %sub3A_903 : vector<16xi32>
        %mul3A_906 = arith.muli %sub3A_904, %sub3A_904 : vector<16xi32>
        %add3A_907 = arith.addi %mul3A_905, %mul3A_906 : vector<16xi32>
        %gather3A_908 = tpu.vector_load_idx %arg9[%add3A_907] : memref<4419xf32, #tpu.memory_space<vmem>>[vector<16xi32>], vector<16xf32>,
        %gather3A_909 = tpu.vector_load_idx %arg7[%broadcast_in_dim3A_303, %and3A_658] : memref<12x2304xf32, #tpu.memory_space<vmem>>[vector<16xi32>, vector<16xi32>], vector<16xf32>,
        %add3A_910 = arith.addf %add3A_838, %gather3A_909 : vector<16xf32>
        %mul3A_911 = arith.mulf %gather3A_908, %gather3A_909 : vector<16xf32>
        %add3A_912 = arith.addf %add3A_840, %mul3A_911 : vector<16xf32>
        %sub3A_913 = arith.subf %get3A_317, %add3A_910 : vector<16xf32>
        %mul3A_914 = arith.mulf %gather3A_908, %sub3A_913 : vector<16xf32>
        %add3A_915 = arith.addf %add3A_912, %mul3A_914 : vector<16xf32>
        %select_n3A_916 = arith.select %or3A_846, %select_n3A_844, %add3A_915 : vector<16xi1>, vector<16xf32>
        %ge3A_917 = arith.cmpf oge, %add3A_910, %get3A_317 : vector<16xf32>
        %or3A_918 = arith.ori %or3A_846, %ge3A_917 : vector<16xi1>
        %gather3A_919 = tpu.vector_load_idx %arg7[%broadcast_in_dim3A_305, %and3A_658] : memref<12x2304xf32, #tpu.memory_space<vmem>>[vector<16xi32>, vector<16xi32>], vector<16xf32>,
        %add3A_920 = arith.addf %add3A_848, %gather3A_919 : vector<16xf32>
        %mul3A_921 = arith.mulf %gather3A_908, %gather3A_919 : vector<16xf32>
        %add3A_922 = arith.addf %add3A_850, %mul3A_921 : vector<16xf32>
        %sub3A_923 = arith.subf %get3A_321, %add3A_920 : vector<16xf32>
        %mul3A_924 = arith.mulf %gather3A_908, %sub3A_923 : vector<16xf32>
        %add3A_925 = arith.addf %add3A_922, %mul3A_924 : vector<16xf32>
        %select_n3A_926 = arith.select %or3A_856, %select_n3A_854, %add3A_925 : vector<16xi1>, vector<16xf32>
        %ge3A_927 = arith.cmpf oge, %add3A_920, %get3A_321 : vector<16xf32>
        %or3A_928 = arith.ori %or3A_856, %ge3A_927 : vector<16xi1>
        %gather3A_929 = tpu.vector_load_idx %arg7[%broadcast_in_dim3A_307, %and3A_658] : memref<12x2304xf32, #tpu.memory_space<vmem>>[vector<16xi32>, vector<16xi32>], vector<16xf32>,
        %add3A_930 = arith.addf %add3A_858, %gather3A_929 : vector<16xf32>
        %mul3A_931 = arith.mulf %gather3A_908, %gather3A_929 : vector<16xf32>
        %add3A_932 = arith.addf %add3A_860, %mul3A_931 : vector<16xf32>
        %sub3A_933 = arith.subf %get3A_325, %add3A_930 : vector<16xf32>
        %mul3A_934 = arith.mulf %gather3A_908, %sub3A_933 : vector<16xf32>
        %add3A_935 = arith.addf %add3A_932, %mul3A_934 : vector<16xf32>
        %select_n3A_936 = arith.select %or3A_866, %select_n3A_864, %add3A_935 : vector<16xi1>, vector<16xf32>
        %ge3A_937 = arith.cmpf oge, %add3A_930, %get3A_325 : vector<16xf32>
        %or3A_938 = arith.ori %or3A_866, %ge3A_937 : vector<16xi1>
        %gather3A_939 = tpu.vector_load_idx %arg7[%broadcast_in_dim3A_309, %and3A_658] : memref<12x2304xf32, #tpu.memory_space<vmem>>[vector<16xi32>, vector<16xi32>], vector<16xf32>,
        %add3A_940 = arith.addf %add3A_868, %gather3A_939 : vector<16xf32>
        %mul3A_941 = arith.mulf %gather3A_908, %gather3A_939 : vector<16xf32>
        %add3A_942 = arith.addf %add3A_870, %mul3A_941 : vector<16xf32>
        %sub3A_943 = arith.subf %get3A_329, %add3A_940 : vector<16xf32>
        %mul3A_944 = arith.mulf %gather3A_908, %sub3A_943 : vector<16xf32>
        %add3A_945 = arith.addf %add3A_942, %mul3A_944 : vector<16xf32>
        %select_n3A_946 = arith.select %or3A_876, %select_n3A_874, %add3A_945 : vector<16xi1>, vector<16xf32>
        %ge3A_947 = arith.cmpf oge, %add3A_940, %get3A_329 : vector<16xf32>
        %or3A_948 = arith.ori %or3A_876, %ge3A_947 : vector<16xi1>
        %gather3A_949 = tpu.vector_load_idx %arg7[%broadcast_in_dim3A_311, %and3A_658] : memref<12x2304xf32, #tpu.memory_space<vmem>>[vector<16xi32>, vector<16xi32>], vector<16xf32>,
        %add3A_950 = arith.addf %add3A_878, %gather3A_949 : vector<16xf32>
        %mul3A_951 = arith.mulf %gather3A_908, %gather3A_949 : vector<16xf32>
        %add3A_952 = arith.addf %add3A_880, %mul3A_951 : vector<16xf32>
        %sub3A_953 = arith.subf %get3A_333, %add3A_950 : vector<16xf32>
        %mul3A_954 = arith.mulf %gather3A_908, %sub3A_953 : vector<16xf32>
        %add3A_955 = arith.addf %add3A_952, %mul3A_954 : vector<16xf32>
        %select_n3A_956 = arith.select %or3A_886, %select_n3A_884, %add3A_955 : vector<16xi1>, vector<16xf32>
        %ge3A_957 = arith.cmpf oge, %add3A_950, %get3A_333 : vector<16xf32>
        %or3A_958 = arith.ori %or3A_886, %ge3A_957 : vector<16xi1>
        %gather3A_959 = tpu.vector_load_idx %arg7[%broadcast_in_dim3A_313, %and3A_658] : memref<12x2304xf32, #tpu.memory_space<vmem>>[vector<16xi32>, vector<16xi32>], vector<16xf32>,
        %add3A_960 = arith.addf %add3A_888, %gather3A_959 : vector<16xf32>
        %mul3A_961 = arith.mulf %gather3A_908, %gather3A_959 : vector<16xf32>
        %add3A_962 = arith.addf %add3A_890, %mul3A_961 : vector<16xf32>
        %sub3A_963 = arith.subf %get3A_337, %add3A_960 : vector<16xf32>
        %mul3A_964 = arith.mulf %gather3A_908, %sub3A_963 : vector<16xf32>
        %add3A_965 = arith.addf %add3A_962, %mul3A_964 : vector<16xf32>
        %select_n3A_966 = arith.select %or3A_896, %select_n3A_894, %add3A_965 : vector<16xi1>, vector<16xf32>
        %ge3A_967 = arith.cmpf oge, %add3A_960, %get3A_337 : vector<16xf32>
        %or3A_968 = arith.ori %or3A_896, %ge3A_967 : vector<16xi1>
        %rem3A_969 = arith.constant 48 : i32
        %rem3A_970 = vector.broadcast %rem3A_969 : i32 to vector<16xi32>
        %rem3A_971 = arith.remsi %and3A_664, %rem3A_970 : vector<16xi32>
        %div3A_972 = arith.constant 48 : i32
        %div3A_973 = vector.broadcast %div3A_972 : i32 to vector<16xi32>
        %div3A_974 = arith.divsi %and3A_664, %div3A_973 : vector<16xi32>
        %sub3A_975 = arith.subi %rem3A_18, %rem3A_971 : vector<16xi32>
        %sub3A_976 = arith.subi %div3A_20, %div3A_974 : vector<16xi32>
        %mul3A_977 = arith.muli %sub3A_975, %sub3A_975 : vector<16xi32>
        %mul3A_978 = arith.muli %sub3A_976, %sub3A_976 : vector<16xi32>
        %add3A_979 = arith.addi %mul3A_977, %mul3A_978 : vector<16xi32>
        %gather3A_980 = tpu.vector_load_idx %arg9[%add3A_979] : memref<4419xf32, #tpu.memory_space<vmem>>[vector<16xi32>], vector<16xf32>,
        %gather3A_981 = tpu.vector_load_idx %arg7[%broadcast_in_dim3A_303, %and3A_664] : memref<12x2304xf32, #tpu.memory_space<vmem>>[vector<16xi32>, vector<16xi32>], vector<16xf32>,
        %add3A_982 = arith.addf %add3A_910, %gather3A_981 : vector<16xf32>
        %mul3A_983 = arith.mulf %gather3A_980, %gather3A_981 : vector<16xf32>
        %add3A_984 = arith.addf %add3A_912, %mul3A_983 : vector<16xf32>
        %sub3A_985 = arith.subf %get3A_317, %add3A_982 : vector<16xf32>
        %mul3A_986 = arith.mulf %gather3A_980, %sub3A_985 : vector<16xf32>
        %add3A_987 = arith.addf %add3A_984, %mul3A_986 : vector<16xf32>
        %select_n3A_988 = arith.select %or3A_918, %select_n3A_916, %add3A_987 : vector<16xi1>, vector<16xf32>
        %ge3A_989 = arith.cmpf oge, %add3A_982, %get3A_317 : vector<16xf32>
        %or3A_990 = arith.ori %or3A_918, %ge3A_989 : vector<16xi1>
        %gather3A_991 = tpu.vector_load_idx %arg7[%broadcast_in_dim3A_305, %and3A_664] : memref<12x2304xf32, #tpu.memory_space<vmem>>[vector<16xi32>, vector<16xi32>], vector<16xf32>,
        %add3A_992 = arith.addf %add3A_920, %gather3A_991 : vector<16xf32>
        %mul3A_993 = arith.mulf %gather3A_980, %gather3A_991 : vector<16xf32>
        %add3A_994 = arith.addf %add3A_922, %mul3A_993 : vector<16xf32>
        %sub3A_995 = arith.subf %get3A_321, %add3A_992 : vector<16xf32>
        %mul3A_996 = arith.mulf %gather3A_980, %sub3A_995 : vector<16xf32>
        %add3A_997 = arith.addf %add3A_994, %mul3A_996 : vector<16xf32>
        %select_n3A_998 = arith.select %or3A_928, %select_n3A_926, %add3A_997 : vector<16xi1>, vector<16xf32>
        %ge3A_999 = arith.cmpf oge, %add3A_992, %get3A_321 : vector<16xf32>
        %or3A_1000 = arith.ori %or3A_928, %ge3A_999 : vector<16xi1>
        %gather3A_1001 = tpu.vector_load_idx %arg7[%broadcast_in_dim3A_307, %and3A_664] : memref<12x2304xf32, #tpu.memory_space<vmem>>[vector<16xi32>, vector<16xi32>], vector<16xf32>,
        %add3A_1002 = arith.addf %add3A_930, %gather3A_1001 : vector<16xf32>
        %mul3A_1003 = arith.mulf %gather3A_980, %gather3A_1001 : vector<16xf32>
        %add3A_1004 = arith.addf %add3A_932, %mul3A_1003 : vector<16xf32>
        %sub3A_1005 = arith.subf %get3A_325, %add3A_1002 : vector<16xf32>
        %mul3A_1006 = arith.mulf %gather3A_980, %sub3A_1005 : vector<16xf32>
        %add3A_1007 = arith.addf %add3A_1004, %mul3A_1006 : vector<16xf32>
        %select_n3A_1008 = arith.select %or3A_938, %select_n3A_936, %add3A_1007 : vector<16xi1>, vector<16xf32>
        %ge3A_1009 = arith.cmpf oge, %add3A_1002, %get3A_325 : vector<16xf32>
        %or3A_1010 = arith.ori %or3A_938, %ge3A_1009 : vector<16xi1>
        %gather3A_1011 = tpu.vector_load_idx %arg7[%broadcast_in_dim3A_309, %and3A_664] : memref<12x2304xf32, #tpu.memory_space<vmem>>[vector<16xi32>, vector<16xi32>], vector<16xf32>,
        %add3A_1012 = arith.addf %add3A_940, %gather3A_1011 : vector<16xf32>
        %mul3A_1013 = arith.mulf %gather3A_980, %gather3A_1011 : vector<16xf32>
        %add3A_1014 = arith.addf %add3A_942, %mul3A_1013 : vector<16xf32>
        %sub3A_1015 = arith.subf %get3A_329, %add3A_1012 : vector<16xf32>
        %mul3A_1016 = arith.mulf %gather3A_980, %sub3A_1015 : vector<16xf32>
        %add3A_1017 = arith.addf %add3A_1014, %mul3A_1016 : vector<16xf32>
        %select_n3A_1018 = arith.select %or3A_948, %select_n3A_946, %add3A_1017 : vector<16xi1>, vector<16xf32>
        %ge3A_1019 = arith.cmpf oge, %add3A_1012, %get3A_329 : vector<16xf32>
        %or3A_1020 = arith.ori %or3A_948, %ge3A_1019 : vector<16xi1>
        %gather3A_1021 = tpu.vector_load_idx %arg7[%broadcast_in_dim3A_311, %and3A_664] : memref<12x2304xf32, #tpu.memory_space<vmem>>[vector<16xi32>, vector<16xi32>], vector<16xf32>,
        %add3A_1022 = arith.addf %add3A_950, %gather3A_1021 : vector<16xf32>
        %mul3A_1023 = arith.mulf %gather3A_980, %gather3A_1021 : vector<16xf32>
        %add3A_1024 = arith.addf %add3A_952, %mul3A_1023 : vector<16xf32>
        %sub3A_1025 = arith.subf %get3A_333, %add3A_1022 : vector<16xf32>
        %mul3A_1026 = arith.mulf %gather3A_980, %sub3A_1025 : vector<16xf32>
        %add3A_1027 = arith.addf %add3A_1024, %mul3A_1026 : vector<16xf32>
        %select_n3A_1028 = arith.select %or3A_958, %select_n3A_956, %add3A_1027 : vector<16xi1>, vector<16xf32>
        %ge3A_1029 = arith.cmpf oge, %add3A_1022, %get3A_333 : vector<16xf32>
        %or3A_1030 = arith.ori %or3A_958, %ge3A_1029 : vector<16xi1>
        %gather3A_1031 = tpu.vector_load_idx %arg7[%broadcast_in_dim3A_313, %and3A_664] : memref<12x2304xf32, #tpu.memory_space<vmem>>[vector<16xi32>, vector<16xi32>], vector<16xf32>,
        %add3A_1032 = arith.addf %add3A_960, %gather3A_1031 : vector<16xf32>
        %mul3A_1033 = arith.mulf %gather3A_980, %gather3A_1031 : vector<16xf32>
        %add3A_1034 = arith.addf %add3A_962, %mul3A_1033 : vector<16xf32>
        %sub3A_1035 = arith.subf %get3A_337, %add3A_1032 : vector<16xf32>
        %mul3A_1036 = arith.mulf %gather3A_980, %sub3A_1035 : vector<16xf32>
        %add3A_1037 = arith.addf %add3A_1034, %mul3A_1036 : vector<16xf32>
        %select_n3A_1038 = arith.select %or3A_968, %select_n3A_966, %add3A_1037 : vector<16xi1>, vector<16xf32>
        %ge3A_1039 = arith.cmpf oge, %add3A_1032, %get3A_337 : vector<16xf32>
        %or3A_1040 = arith.ori %or3A_968, %ge3A_1039 : vector<16xi1>
        %rem3A_1041 = arith.constant 48 : i32
        %rem3A_1042 = vector.broadcast %rem3A_1041 : i32 to vector<16xi32>
        %rem3A_1043 = arith.remsi %or3A_674, %rem3A_1042 : vector<16xi32>
        %div3A_1044 = arith.constant 48 : i32
        %div3A_1045 = vector.broadcast %div3A_1044 : i32 to vector<16xi32>
        %div3A_1046 = arith.divsi %or3A_674, %div3A_1045 : vector<16xi32>
        %sub3A_1047 = arith.subi %rem3A_18, %rem3A_1043 : vector<16xi32>
        %sub3A_1048 = arith.subi %div3A_20, %div3A_1046 : vector<16xi32>
        %mul3A_1049 = arith.muli %sub3A_1047, %sub3A_1047 : vector<16xi32>
        %mul3A_1050 = arith.muli %sub3A_1048, %sub3A_1048 : vector<16xi32>
        %add3A_1051 = arith.addi %mul3A_1049, %mul3A_1050 : vector<16xi32>
        %gather3A_1052 = tpu.vector_load_idx %arg9[%add3A_1051] : memref<4419xf32, #tpu.memory_space<vmem>>[vector<16xi32>], vector<16xf32>,
        %gather3A_1053 = tpu.vector_load_idx %arg7[%broadcast_in_dim3A_303, %or3A_674] : memref<12x2304xf32, #tpu.memory_space<vmem>>[vector<16xi32>, vector<16xi32>], vector<16xf32>,
        %add3A_1054 = arith.addf %add3A_982, %gather3A_1053 : vector<16xf32>
        %mul3A_1055 = arith.mulf %gather3A_1052, %gather3A_1053 : vector<16xf32>
        %add3A_1056 = arith.addf %add3A_984, %mul3A_1055 : vector<16xf32>
        %sub3A_1057 = arith.subf %get3A_317, %add3A_1054 : vector<16xf32>
        %mul3A_1058 = arith.mulf %gather3A_1052, %sub3A_1057 : vector<16xf32>
        %add3A_1059 = arith.addf %add3A_1056, %mul3A_1058 : vector<16xf32>
        %select_n3A_1060 = arith.select %or3A_990, %select_n3A_988, %add3A_1059 : vector<16xi1>, vector<16xf32>
        %ge3A_1061 = arith.cmpf oge, %add3A_1054, %get3A_317 : vector<16xf32>
        %or3A_1062 = arith.ori %or3A_990, %ge3A_1061 : vector<16xi1>
        %gather3A_1063 = tpu.vector_load_idx %arg7[%broadcast_in_dim3A_305, %or3A_674] : memref<12x2304xf32, #tpu.memory_space<vmem>>[vector<16xi32>, vector<16xi32>], vector<16xf32>,
        %add3A_1064 = arith.addf %add3A_992, %gather3A_1063 : vector<16xf32>
        %mul3A_1065 = arith.mulf %gather3A_1052, %gather3A_1063 : vector<16xf32>
        %add3A_1066 = arith.addf %add3A_994, %mul3A_1065 : vector<16xf32>
        %sub3A_1067 = arith.subf %get3A_321, %add3A_1064 : vector<16xf32>
        %mul3A_1068 = arith.mulf %gather3A_1052, %sub3A_1067 : vector<16xf32>
        %add3A_1069 = arith.addf %add3A_1066, %mul3A_1068 : vector<16xf32>
        %select_n3A_1070 = arith.select %or3A_1000, %select_n3A_998, %add3A_1069 : vector<16xi1>, vector<16xf32>
        %ge3A_1071 = arith.cmpf oge, %add3A_1064, %get3A_321 : vector<16xf32>
        %or3A_1072 = arith.ori %or3A_1000, %ge3A_1071 : vector<16xi1>
        %gather3A_1073 = tpu.vector_load_idx %arg7[%broadcast_in_dim3A_307, %or3A_674] : memref<12x2304xf32, #tpu.memory_space<vmem>>[vector<16xi32>, vector<16xi32>], vector<16xf32>,
        %add3A_1074 = arith.addf %add3A_1002, %gather3A_1073 : vector<16xf32>
        %mul3A_1075 = arith.mulf %gather3A_1052, %gather3A_1073 : vector<16xf32>
        %add3A_1076 = arith.addf %add3A_1004, %mul3A_1075 : vector<16xf32>
        %sub3A_1077 = arith.subf %get3A_325, %add3A_1074 : vector<16xf32>
        %mul3A_1078 = arith.mulf %gather3A_1052, %sub3A_1077 : vector<16xf32>
        %add3A_1079 = arith.addf %add3A_1076, %mul3A_1078 : vector<16xf32>
        %select_n3A_1080 = arith.select %or3A_1010, %select_n3A_1008, %add3A_1079 : vector<16xi1>, vector<16xf32>
        %ge3A_1081 = arith.cmpf oge, %add3A_1074, %get3A_325 : vector<16xf32>
        %or3A_1082 = arith.ori %or3A_1010, %ge3A_1081 : vector<16xi1>
        %gather3A_1083 = tpu.vector_load_idx %arg7[%broadcast_in_dim3A_309, %or3A_674] : memref<12x2304xf32, #tpu.memory_space<vmem>>[vector<16xi32>, vector<16xi32>], vector<16xf32>,
        %add3A_1084 = arith.addf %add3A_1012, %gather3A_1083 : vector<16xf32>
        %mul3A_1085 = arith.mulf %gather3A_1052, %gather3A_1083 : vector<16xf32>
        %add3A_1086 = arith.addf %add3A_1014, %mul3A_1085 : vector<16xf32>
        %sub3A_1087 = arith.subf %get3A_329, %add3A_1084 : vector<16xf32>
        %mul3A_1088 = arith.mulf %gather3A_1052, %sub3A_1087 : vector<16xf32>
        %add3A_1089 = arith.addf %add3A_1086, %mul3A_1088 : vector<16xf32>
        %select_n3A_1090 = arith.select %or3A_1020, %select_n3A_1018, %add3A_1089 : vector<16xi1>, vector<16xf32>
        %ge3A_1091 = arith.cmpf oge, %add3A_1084, %get3A_329 : vector<16xf32>
        %or3A_1092 = arith.ori %or3A_1020, %ge3A_1091 : vector<16xi1>
        %gather3A_1093 = tpu.vector_load_idx %arg7[%broadcast_in_dim3A_311, %or3A_674] : memref<12x2304xf32, #tpu.memory_space<vmem>>[vector<16xi32>, vector<16xi32>], vector<16xf32>,
        %add3A_1094 = arith.addf %add3A_1022, %gather3A_1093 : vector<16xf32>
        %mul3A_1095 = arith.mulf %gather3A_1052, %gather3A_1093 : vector<16xf32>
        %add3A_1096 = arith.addf %add3A_1024, %mul3A_1095 : vector<16xf32>
        %sub3A_1097 = arith.subf %get3A_333, %add3A_1094 : vector<16xf32>
        %mul3A_1098 = arith.mulf %gather3A_1052, %sub3A_1097 : vector<16xf32>
        %add3A_1099 = arith.addf %add3A_1096, %mul3A_1098 : vector<16xf32>
        %select_n3A_1100 = arith.select %or3A_1030, %select_n3A_1028, %add3A_1099 : vector<16xi1>, vector<16xf32>
        %ge3A_1101 = arith.cmpf oge, %add3A_1094, %get3A_333 : vector<16xf32>
        %or3A_1102 = arith.ori %or3A_1030, %ge3A_1101 : vector<16xi1>
        %gather3A_1103 = tpu.vector_load_idx %arg7[%broadcast_in_dim3A_313, %or3A_674] : memref<12x2304xf32, #tpu.memory_space<vmem>>[vector<16xi32>, vector<16xi32>], vector<16xf32>,
        %add3A_1104 = arith.addf %add3A_1032, %gather3A_1103 : vector<16xf32>
        %mul3A_1105 = arith.mulf %gather3A_1052, %gather3A_1103 : vector<16xf32>
        %add3A_1106 = arith.addf %add3A_1034, %mul3A_1105 : vector<16xf32>
        %sub3A_1107 = arith.subf %get3A_337, %add3A_1104 : vector<16xf32>
        %mul3A_1108 = arith.mulf %gather3A_1052, %sub3A_1107 : vector<16xf32>
        %add3A_1109 = arith.addf %add3A_1106, %mul3A_1108 : vector<16xf32>
        %select_n3A_1110 = arith.select %or3A_1040, %select_n3A_1038, %add3A_1109 : vector<16xi1>, vector<16xf32>
        %ge3A_1111 = arith.cmpf oge, %add3A_1104, %get3A_337 : vector<16xf32>
        %or3A_1112 = arith.ori %or3A_1040, %ge3A_1111 : vector<16xi1>
        %rem3A_1113 = arith.constant 48 : i32
        %rem3A_1114 = vector.broadcast %rem3A_1113 : i32 to vector<16xi32>
        %rem3A_1115 = arith.remsi %and3A_680, %rem3A_1114 : vector<16xi32>
        %div3A_1116 = arith.constant 48 : i32
        %div3A_1117 = vector.broadcast %div3A_1116 : i32 to vector<16xi32>
        %div3A_1118 = arith.divsi %and3A_680, %div3A_1117 : vector<16xi32>
        %sub3A_1119 = arith.subi %rem3A_18, %rem3A_1115 : vector<16xi32>
        %sub3A_1120 = arith.subi %div3A_20, %div3A_1118 : vector<16xi32>
        %mul3A_1121 = arith.muli %sub3A_1119, %sub3A_1119 : vector<16xi32>
        %mul3A_1122 = arith.muli %sub3A_1120, %sub3A_1120 : vector<16xi32>
        %add3A_1123 = arith.addi %mul3A_1121, %mul3A_1122 : vector<16xi32>
        %gather3A_1124 = tpu.vector_load_idx %arg9[%add3A_1123] : memref<4419xf32, #tpu.memory_space<vmem>>[vector<16xi32>], vector<16xf32>,
        %gather3A_1125 = tpu.vector_load_idx %arg7[%broadcast_in_dim3A_303, %and3A_680] : memref<12x2304xf32, #tpu.memory_space<vmem>>[vector<16xi32>, vector<16xi32>], vector<16xf32>,
        %add3A_1126 = arith.addf %add3A_1054, %gather3A_1125 : vector<16xf32>
        %mul3A_1127 = arith.mulf %gather3A_1124, %gather3A_1125 : vector<16xf32>
        %add3A_1128 = arith.addf %add3A_1056, %mul3A_1127 : vector<16xf32>
        %sub3A_1129 = arith.subf %get3A_317, %add3A_1126 : vector<16xf32>
        %mul3A_1130 = arith.mulf %gather3A_1124, %sub3A_1129 : vector<16xf32>
        %add3A_1131 = arith.addf %add3A_1128, %mul3A_1130 : vector<16xf32>
        %select_n3A_1132 = arith.select %or3A_1062, %select_n3A_1060, %add3A_1131 : vector<16xi1>, vector<16xf32>
        %ge3A_1133 = arith.cmpf oge, %add3A_1126, %get3A_317 : vector<16xf32>
        %or3A_1134 = arith.ori %or3A_1062, %ge3A_1133 : vector<16xi1>
        %gather3A_1135 = tpu.vector_load_idx %arg7[%broadcast_in_dim3A_305, %and3A_680] : memref<12x2304xf32, #tpu.memory_space<vmem>>[vector<16xi32>, vector<16xi32>], vector<16xf32>,
        %add3A_1136 = arith.addf %add3A_1064, %gather3A_1135 : vector<16xf32>
        %mul3A_1137 = arith.mulf %gather3A_1124, %gather3A_1135 : vector<16xf32>
        %add3A_1138 = arith.addf %add3A_1066, %mul3A_1137 : vector<16xf32>
        %sub3A_1139 = arith.subf %get3A_321, %add3A_1136 : vector<16xf32>
        %mul3A_1140 = arith.mulf %gather3A_1124, %sub3A_1139 : vector<16xf32>
        %add3A_1141 = arith.addf %add3A_1138, %mul3A_1140 : vector<16xf32>
        %select_n3A_1142 = arith.select %or3A_1072, %select_n3A_1070, %add3A_1141 : vector<16xi1>, vector<16xf32>
        %ge3A_1143 = arith.cmpf oge, %add3A_1136, %get3A_321 : vector<16xf32>
        %or3A_1144 = arith.ori %or3A_1072, %ge3A_1143 : vector<16xi1>
        %gather3A_1145 = tpu.vector_load_idx %arg7[%broadcast_in_dim3A_307, %and3A_680] : memref<12x2304xf32, #tpu.memory_space<vmem>>[vector<16xi32>, vector<16xi32>], vector<16xf32>,
        %add3A_1146 = arith.addf %add3A_1074, %gather3A_1145 : vector<16xf32>
        %mul3A_1147 = arith.mulf %gather3A_1124, %gather3A_1145 : vector<16xf32>
        %add3A_1148 = arith.addf %add3A_1076, %mul3A_1147 : vector<16xf32>
        %sub3A_1149 = arith.subf %get3A_325, %add3A_1146 : vector<16xf32>
        %mul3A_1150 = arith.mulf %gather3A_1124, %sub3A_1149 : vector<16xf32>
        %add3A_1151 = arith.addf %add3A_1148, %mul3A_1150 : vector<16xf32>
        %select_n3A_1152 = arith.select %or3A_1082, %select_n3A_1080, %add3A_1151 : vector<16xi1>, vector<16xf32>
        %ge3A_1153 = arith.cmpf oge, %add3A_1146, %get3A_325 : vector<16xf32>
        %or3A_1154 = arith.ori %or3A_1082, %ge3A_1153 : vector<16xi1>
        %gather3A_1155 = tpu.vector_load_idx %arg7[%broadcast_in_dim3A_309, %and3A_680] : memref<12x2304xf32, #tpu.memory_space<vmem>>[vector<16xi32>, vector<16xi32>], vector<16xf32>,
        %add3A_1156 = arith.addf %add3A_1084, %gather3A_1155 : vector<16xf32>
        %mul3A_1157 = arith.mulf %gather3A_1124, %gather3A_1155 : vector<16xf32>
        %add3A_1158 = arith.addf %add3A_1086, %mul3A_1157 : vector<16xf32>
        %sub3A_1159 = arith.subf %get3A_329, %add3A_1156 : vector<16xf32>
        %mul3A_1160 = arith.mulf %gather3A_1124, %sub3A_1159 : vector<16xf32>
        %add3A_1161 = arith.addf %add3A_1158, %mul3A_1160 : vector<16xf32>
        %select_n3A_1162 = arith.select %or3A_1092, %select_n3A_1090, %add3A_1161 : vector<16xi1>, vector<16xf32>
        %ge3A_1163 = arith.cmpf oge, %add3A_1156, %get3A_329 : vector<16xf32>
        %or3A_1164 = arith.ori %or3A_1092, %ge3A_1163 : vector<16xi1>
        %gather3A_1165 = tpu.vector_load_idx %arg7[%broadcast_in_dim3A_311, %and3A_680] : memref<12x2304xf32, #tpu.memory_space<vmem>>[vector<16xi32>, vector<16xi32>], vector<16xf32>,
        %add3A_1166 = arith.addf %add3A_1094, %gather3A_1165 : vector<16xf32>
        %mul3A_1167 = arith.mulf %gather3A_1124, %gather3A_1165 : vector<16xf32>
        %add3A_1168 = arith.addf %add3A_1096, %mul3A_1167 : vector<16xf32>
        %sub3A_1169 = arith.subf %get3A_333, %add3A_1166 : vector<16xf32>
        %mul3A_1170 = arith.mulf %gather3A_1124, %sub3A_1169 : vector<16xf32>
        %add3A_1171 = arith.addf %add3A_1168, %mul3A_1170 : vector<16xf32>
        %select_n3A_1172 = arith.select %or3A_1102, %select_n3A_1100, %add3A_1171 : vector<16xi1>, vector<16xf32>
        %ge3A_1173 = arith.cmpf oge, %add3A_1166, %get3A_333 : vector<16xf32>
        %or3A_1174 = arith.ori %or3A_1102, %ge3A_1173 : vector<16xi1>
        %gather3A_1175 = tpu.vector_load_idx %arg7[%broadcast_in_dim3A_313, %and3A_680] : memref<12x2304xf32, #tpu.memory_space<vmem>>[vector<16xi32>, vector<16xi32>], vector<16xf32>,
        %add3A_1176 = arith.addf %add3A_1104, %gather3A_1175 : vector<16xf32>
        %mul3A_1177 = arith.mulf %gather3A_1124, %gather3A_1175 : vector<16xf32>
        %add3A_1178 = arith.addf %add3A_1106, %mul3A_1177 : vector<16xf32>
        %sub3A_1179 = arith.subf %get3A_337, %add3A_1176 : vector<16xf32>
        %mul3A_1180 = arith.mulf %gather3A_1124, %sub3A_1179 : vector<16xf32>
        %add3A_1181 = arith.addf %add3A_1178, %mul3A_1180 : vector<16xf32>
        %select_n3A_1182 = arith.select %or3A_1112, %select_n3A_1110, %add3A_1181 : vector<16xi1>, vector<16xf32>
        %ge3A_1183 = arith.cmpf oge, %add3A_1176, %get3A_337 : vector<16xf32>
        %or3A_1184 = arith.ori %or3A_1112, %ge3A_1183 : vector<16xi1>
        %rem3A_1185 = arith.constant 48 : i32
        %rem3A_1186 = vector.broadcast %rem3A_1185 : i32 to vector<16xi32>
        %rem3A_1187 = arith.remsi %shift_right_logical3A_683, %rem3A_1186 : vector<16xi32>
        %div3A_1188 = arith.constant 48 : i32
        %div3A_1189 = vector.broadcast %div3A_1188 : i32 to vector<16xi32>
        %div3A_1190 = arith.divsi %shift_right_logical3A_683, %div3A_1189 : vector<16xi32>
        %sub3A_1191 = arith.subi %rem3A_18, %rem3A_1187 : vector<16xi32>
        %sub3A_1192 = arith.subi %div3A_20, %div3A_1190 : vector<16xi32>
        %mul3A_1193 = arith.muli %sub3A_1191, %sub3A_1191 : vector<16xi32>
        %mul3A_1194 = arith.muli %sub3A_1192, %sub3A_1192 : vector<16xi32>
        %add3A_1195 = arith.addi %mul3A_1193, %mul3A_1194 : vector<16xi32>
        %gather3A_1196 = tpu.vector_load_idx %arg9[%add3A_1195] : memref<4419xf32, #tpu.memory_space<vmem>>[vector<16xi32>], vector<16xf32>,
        %gather3A_1197 = tpu.vector_load_idx %arg7[%broadcast_in_dim3A_303, %shift_right_logical3A_683] : memref<12x2304xf32, #tpu.memory_space<vmem>>[vector<16xi32>, vector<16xi32>], vector<16xf32>,
        %add3A_1198 = arith.addf %add3A_1126, %gather3A_1197 : vector<16xf32>
        %mul3A_1199 = arith.mulf %gather3A_1196, %gather3A_1197 : vector<16xf32>
        %add3A_1200 = arith.addf %add3A_1128, %mul3A_1199 : vector<16xf32>
        %sub3A_1201 = arith.subf %get3A_317, %add3A_1198 : vector<16xf32>
        %mul3A_1202 = arith.mulf %gather3A_1196, %sub3A_1201 : vector<16xf32>
        %add3A_1203 = arith.addf %add3A_1200, %mul3A_1202 : vector<16xf32>
        %select_n3A_1204 = arith.select %or3A_1134, %select_n3A_1132, %add3A_1203 : vector<16xi1>, vector<16xf32>
        %ge3A_1205 = arith.cmpf oge, %add3A_1198, %get3A_317 : vector<16xf32>
        %or3A_1206 = arith.ori %or3A_1134, %ge3A_1205 : vector<16xi1>
        %gather3A_1207 = tpu.vector_load_idx %arg7[%broadcast_in_dim3A_305, %shift_right_logical3A_683] : memref<12x2304xf32, #tpu.memory_space<vmem>>[vector<16xi32>, vector<16xi32>], vector<16xf32>,
        %add3A_1208 = arith.addf %add3A_1136, %gather3A_1207 : vector<16xf32>
        %mul3A_1209 = arith.mulf %gather3A_1196, %gather3A_1207 : vector<16xf32>
        %add3A_1210 = arith.addf %add3A_1138, %mul3A_1209 : vector<16xf32>
        %sub3A_1211 = arith.subf %get3A_321, %add3A_1208 : vector<16xf32>
        %mul3A_1212 = arith.mulf %gather3A_1196, %sub3A_1211 : vector<16xf32>
        %add3A_1213 = arith.addf %add3A_1210, %mul3A_1212 : vector<16xf32>
        %select_n3A_1214 = arith.select %or3A_1144, %select_n3A_1142, %add3A_1213 : vector<16xi1>, vector<16xf32>
        %ge3A_1215 = arith.cmpf oge, %add3A_1208, %get3A_321 : vector<16xf32>
        %or3A_1216 = arith.ori %or3A_1144, %ge3A_1215 : vector<16xi1>
        %gather3A_1217 = tpu.vector_load_idx %arg7[%broadcast_in_dim3A_307, %shift_right_logical3A_683] : memref<12x2304xf32, #tpu.memory_space<vmem>>[vector<16xi32>, vector<16xi32>], vector<16xf32>,
        %add3A_1218 = arith.addf %add3A_1146, %gather3A_1217 : vector<16xf32>
        %mul3A_1219 = arith.mulf %gather3A_1196, %gather3A_1217 : vector<16xf32>
        %add3A_1220 = arith.addf %add3A_1148, %mul3A_1219 : vector<16xf32>
        %sub3A_1221 = arith.subf %get3A_325, %add3A_1218 : vector<16xf32>
        %mul3A_1222 = arith.mulf %gather3A_1196, %sub3A_1221 : vector<16xf32>
        %add3A_1223 = arith.addf %add3A_1220, %mul3A_1222 : vector<16xf32>
        %select_n3A_1224 = arith.select %or3A_1154, %select_n3A_1152, %add3A_1223 : vector<16xi1>, vector<16xf32>
        %ge3A_1225 = arith.cmpf oge, %add3A_1218, %get3A_325 : vector<16xf32>
        %or3A_1226 = arith.ori %or3A_1154, %ge3A_1225 : vector<16xi1>
        %gather3A_1227 = tpu.vector_load_idx %arg7[%broadcast_in_dim3A_309, %shift_right_logical3A_683] : memref<12x2304xf32, #tpu.memory_space<vmem>>[vector<16xi32>, vector<16xi32>], vector<16xf32>,
        %add3A_1228 = arith.addf %add3A_1156, %gather3A_1227 : vector<16xf32>
        %mul3A_1229 = arith.mulf %gather3A_1196, %gather3A_1227 : vector<16xf32>
        %add3A_1230 = arith.addf %add3A_1158, %mul3A_1229 : vector<16xf32>
        %sub3A_1231 = arith.subf %get3A_329, %add3A_1228 : vector<16xf32>
        %mul3A_1232 = arith.mulf %gather3A_1196, %sub3A_1231 : vector<16xf32>
        %add3A_1233 = arith.addf %add3A_1230, %mul3A_1232 : vector<16xf32>
        %select_n3A_1234 = arith.select %or3A_1164, %select_n3A_1162, %add3A_1233 : vector<16xi1>, vector<16xf32>
        %ge3A_1235 = arith.cmpf oge, %add3A_1228, %get3A_329 : vector<16xf32>
        %or3A_1236 = arith.ori %or3A_1164, %ge3A_1235 : vector<16xi1>
        %gather3A_1237 = tpu.vector_load_idx %arg7[%broadcast_in_dim3A_311, %shift_right_logical3A_683] : memref<12x2304xf32, #tpu.memory_space<vmem>>[vector<16xi32>, vector<16xi32>], vector<16xf32>,
        %add3A_1238 = arith.addf %add3A_1166, %gather3A_1237 : vector<16xf32>
        %mul3A_1239 = arith.mulf %gather3A_1196, %gather3A_1237 : vector<16xf32>
        %add3A_1240 = arith.addf %add3A_1168, %mul3A_1239 : vector<16xf32>
        %sub3A_1241 = arith.subf %get3A_333, %add3A_1238 : vector<16xf32>
        %mul3A_1242 = arith.mulf %gather3A_1196, %sub3A_1241 : vector<16xf32>
        %add3A_1243 = arith.addf %add3A_1240, %mul3A_1242 : vector<16xf32>
        %select_n3A_1244 = arith.select %or3A_1174, %select_n3A_1172, %add3A_1243 : vector<16xi1>, vector<16xf32>
        %ge3A_1245 = arith.cmpf oge, %add3A_1238, %get3A_333 : vector<16xf32>
        %or3A_1246 = arith.ori %or3A_1174, %ge3A_1245 : vector<16xi1>
        %gather3A_1247 = tpu.vector_load_idx %arg7[%broadcast_in_dim3A_313, %shift_right_logical3A_683] : memref<12x2304xf32, #tpu.memory_space<vmem>>[vector<16xi32>, vector<16xi32>], vector<16xf32>,
        %add3A_1248 = arith.addf %add3A_1176, %gather3A_1247 : vector<16xf32>
        %mul3A_1249 = arith.mulf %gather3A_1196, %gather3A_1247 : vector<16xf32>
        %add3A_1250 = arith.addf %add3A_1178, %mul3A_1249 : vector<16xf32>
        %sub3A_1251 = arith.subf %get3A_337, %add3A_1248 : vector<16xf32>
        %mul3A_1252 = arith.mulf %gather3A_1196, %sub3A_1251 : vector<16xf32>
        %add3A_1253 = arith.addf %add3A_1250, %mul3A_1252 : vector<16xf32>
        %select_n3A_1254 = arith.select %or3A_1184, %select_n3A_1182, %add3A_1253 : vector<16xi1>, vector<16xf32>
        %ge3A_1255 = arith.cmpf oge, %add3A_1248, %get3A_337 : vector<16xf32>
        %or3A_1256 = arith.ori %or3A_1184, %ge3A_1255 : vector<16xi1>
        %add3A_1257 = arith.constant 1 : i32
        %add3A_1258 = arith.addi %while3A_593, %add3A_1257 : i32
        scf.yield %add3A_1258, %add3A_1198, %add3A_1208, %add3A_1218, %add3A_1228, %add3A_1238, %add3A_1248, %add3A_1200, %add3A_1210, %add3A_1220, %add3A_1230, %add3A_1240, %add3A_1250, %select_n3A_1204, %select_n3A_1214, %select_n3A_1224, %select_n3A_1234, %select_n3A_1244, %select_n3A_1254, %or3A_1206, %or3A_1216, %or3A_1226, %or3A_1236, %or3A_1246, %or3A_1256 : i32, vector<16xf32>, vector<16xf32>, vector<16xf32>, vector<16xf32>, vector<16xf32>, vector<16xf32>, vector<16xf32>, vector<16xf32>, vector<16xf32>, vector<16xf32>, vector<16xf32>, vector<16xf32>, vector<16xf32>, vector<16xf32>, vector<16xf32>, vector<16xf32>, vector<16xf32>, vector<16xf32>, vector<16xi1>, vector<16xi1>, vector<16xi1>, vector<16xi1>, vector<16xi1>, vector<16xi1>
      }
      %div3A_344 = arith.divf %while3A_343#13, %get3A_317 : vector<16xf32>
      %bitcast3A_345 = vector.bitcast %div3A_344 : vector<16xf32> to vector<16xi32>
      %shift_right_logical3A_346 = arith.constant 1 : i32
      %shift_right_logical3A_347 = vector.broadcast %shift_right_logical3A_346 : i32 to vector<16xi32>
      %shift_right_logical3A_348 = arith.shrui %bitcast3A_345, %shift_right_logical3A_347 : vector<16xi32>
      %sub3A_349 = arith.constant 1597463007 : i32
      %sub3A_350 = vector.broadcast %sub3A_349 : i32 to vector<16xi32>
      %sub3A_351 = arith.subi %sub3A_350, %shift_right_logical3A_348 : vector<16xi32>
      %bitcast3A_352 = vector.bitcast %sub3A_351 : vector<16xi32> to vector<16xf32>
      %mul3A_353 = arith.constant 5.000000e-01 : f32
      %mul3A_354 = vector.broadcast %mul3A_353 : f32 to vector<16xf32>
      %mul3A_355 = arith.mulf %mul3A_354, %div3A_344 : vector<16xf32>
      %mul3A_356 = arith.mulf %mul3A_355, %bitcast3A_352 : vector<16xf32>
      %mul3A_357 = arith.mulf %mul3A_356, %bitcast3A_352 : vector<16xf32>
      %sub3A_358 = arith.constant 1.500000e+00 : f32
      %sub3A_359 = vector.broadcast %sub3A_358 : f32 to vector<16xf32>
      %sub3A_360 = arith.subf %sub3A_359, %mul3A_357 : vector<16xf32>
      %mul3A_361 = arith.mulf %bitcast3A_352, %sub3A_360 : vector<16xf32>
      %mul3A_362 = arith.constant 5.000000e-01 : f32
      %mul3A_363 = vector.broadcast %mul3A_362 : f32 to vector<16xf32>
      %mul3A_364 = arith.mulf %mul3A_363, %div3A_344 : vector<16xf32>
      %mul3A_365 = arith.mulf %mul3A_364, %mul3A_361 : vector<16xf32>
      %mul3A_366 = arith.mulf %mul3A_365, %mul3A_361 : vector<16xf32>
      %sub3A_367 = arith.constant 1.500000e+00 : f32
      %sub3A_368 = vector.broadcast %sub3A_367 : f32 to vector<16xf32>
      %sub3A_369 = arith.subf %sub3A_368, %mul3A_366 : vector<16xf32>
      %mul3A_370 = arith.mulf %mul3A_361, %sub3A_369 : vector<16xf32>
      %mul3A_371 = arith.constant 5.000000e-01 : f32
      %mul3A_372 = vector.broadcast %mul3A_371 : f32 to vector<16xf32>
      %mul3A_373 = arith.mulf %mul3A_372, %div3A_344 : vector<16xf32>
      %mul3A_374 = arith.mulf %mul3A_373, %mul3A_370 : vector<16xf32>
      %mul3A_375 = arith.mulf %mul3A_374, %mul3A_370 : vector<16xf32>
      %sub3A_376 = arith.constant 1.500000e+00 : f32
      %sub3A_377 = vector.broadcast %sub3A_376 : f32 to vector<16xf32>
      %sub3A_378 = arith.subf %sub3A_377, %mul3A_375 : vector<16xf32>
      %mul3A_379 = arith.mulf %mul3A_370, %sub3A_378 : vector<16xf32>
      %mul3A_380 = arith.mulf %div3A_344, %mul3A_379 : vector<16xf32>
      %swap3A_381 = arith.constant 6 : i32
      %swap3A_382 = arith.index_cast %swap3A_381 : i32 to index
      %swap3A_383 = arith.constant 0 : index
      %swap3A_384 = tpu.vector_load %arg11[%swap3A_382, %swap3A_383] {strides = array<i32>} : memref<12x16xf32, #tpu.memory_space<vmem>>, vector<16xf32>,
      tpu.vector_store %arg11[%swap3A_382, %swap3A_383], %mul3A_380 {strides = array<i32>} : memref<12x16xf32, #tpu.memory_space<vmem>>, vector<16xf32>,
      %div3A_385 = arith.divf %while3A_343#14, %get3A_321 : vector<16xf32>
      %bitcast3A_386 = vector.bitcast %div3A_385 : vector<16xf32> to vector<16xi32>
      %shift_right_logical3A_387 = arith.constant 1 : i32
      %shift_right_logical3A_388 = vector.broadcast %shift_right_logical3A_387 : i32 to vector<16xi32>
      %shift_right_logical3A_389 = arith.shrui %bitcast3A_386, %shift_right_logical3A_388 : vector<16xi32>
      %sub3A_390 = arith.constant 1597463007 : i32
      %sub3A_391 = vector.broadcast %sub3A_390 : i32 to vector<16xi32>
      %sub3A_392 = arith.subi %sub3A_391, %shift_right_logical3A_389 : vector<16xi32>
      %bitcast3A_393 = vector.bitcast %sub3A_392 : vector<16xi32> to vector<16xf32>
      %mul3A_394 = arith.constant 5.000000e-01 : f32
      %mul3A_395 = vector.broadcast %mul3A_394 : f32 to vector<16xf32>
      %mul3A_396 = arith.mulf %mul3A_395, %div3A_385 : vector<16xf32>
      %mul3A_397 = arith.mulf %mul3A_396, %bitcast3A_393 : vector<16xf32>
      %mul3A_398 = arith.mulf %mul3A_397, %bitcast3A_393 : vector<16xf32>
      %sub3A_399 = arith.constant 1.500000e+00 : f32
      %sub3A_400 = vector.broadcast %sub3A_399 : f32 to vector<16xf32>
      %sub3A_401 = arith.subf %sub3A_400, %mul3A_398 : vector<16xf32>
      %mul3A_402 = arith.mulf %bitcast3A_393, %sub3A_401 : vector<16xf32>
      %mul3A_403 = arith.constant 5.000000e-01 : f32
      %mul3A_404 = vector.broadcast %mul3A_403 : f32 to vector<16xf32>
      %mul3A_405 = arith.mulf %mul3A_404, %div3A_385 : vector<16xf32>
      %mul3A_406 = arith.mulf %mul3A_405, %mul3A_402 : vector<16xf32>
      %mul3A_407 = arith.mulf %mul3A_406, %mul3A_402 : vector<16xf32>
      %sub3A_408 = arith.constant 1.500000e+00 : f32
      %sub3A_409 = vector.broadcast %sub3A_408 : f32 to vector<16xf32>
      %sub3A_410 = arith.subf %sub3A_409, %mul3A_407 : vector<16xf32>
      %mul3A_411 = arith.mulf %mul3A_402, %sub3A_410 : vector<16xf32>
      %mul3A_412 = arith.constant 5.000000e-01 : f32
      %mul3A_413 = vector.broadcast %mul3A_412 : f32 to vector<16xf32>
      %mul3A_414 = arith.mulf %mul3A_413, %div3A_385 : vector<16xf32>
      %mul3A_415 = arith.mulf %mul3A_414, %mul3A_411 : vector<16xf32>
      %mul3A_416 = arith.mulf %mul3A_415, %mul3A_411 : vector<16xf32>
      %sub3A_417 = arith.constant 1.500000e+00 : f32
      %sub3A_418 = vector.broadcast %sub3A_417 : f32 to vector<16xf32>
      %sub3A_419 = arith.subf %sub3A_418, %mul3A_416 : vector<16xf32>
      %mul3A_420 = arith.mulf %mul3A_411, %sub3A_419 : vector<16xf32>
      %mul3A_421 = arith.mulf %div3A_385, %mul3A_420 : vector<16xf32>
      %swap3A_422 = arith.constant 7 : i32
      %swap3A_423 = arith.index_cast %swap3A_422 : i32 to index
      %swap3A_424 = arith.constant 0 : index
      %swap3A_425 = tpu.vector_load %arg11[%swap3A_423, %swap3A_424] {strides = array<i32>} : memref<12x16xf32, #tpu.memory_space<vmem>>, vector<16xf32>,
      tpu.vector_store %arg11[%swap3A_423, %swap3A_424], %mul3A_421 {strides = array<i32>} : memref<12x16xf32, #tpu.memory_space<vmem>>, vector<16xf32>,
      %div3A_426 = arith.divf %while3A_343#15, %get3A_325 : vector<16xf32>
      %bitcast3A_427 = vector.bitcast %div3A_426 : vector<16xf32> to vector<16xi32>
      %shift_right_logical3A_428 = arith.constant 1 : i32
      %shift_right_logical3A_429 = vector.broadcast %shift_right_logical3A_428 : i32 to vector<16xi32>
      %shift_right_logical3A_430 = arith.shrui %bitcast3A_427, %shift_right_logical3A_429 : vector<16xi32>
      %sub3A_431 = arith.constant 1597463007 : i32
      %sub3A_432 = vector.broadcast %sub3A_431 : i32 to vector<16xi32>
      %sub3A_433 = arith.subi %sub3A_432, %shift_right_logical3A_430 : vector<16xi32>
      %bitcast3A_434 = vector.bitcast %sub3A_433 : vector<16xi32> to vector<16xf32>
      %mul3A_435 = arith.constant 5.000000e-01 : f32
      %mul3A_436 = vector.broadcast %mul3A_435 : f32 to vector<16xf32>
      %mul3A_437 = arith.mulf %mul3A_436, %div3A_426 : vector<16xf32>
      %mul3A_438 = arith.mulf %mul3A_437, %bitcast3A_434 : vector<16xf32>
      %mul3A_439 = arith.mulf %mul3A_438, %bitcast3A_434 : vector<16xf32>
      %sub3A_440 = arith.constant 1.500000e+00 : f32
      %sub3A_441 = vector.broadcast %sub3A_440 : f32 to vector<16xf32>
      %sub3A_442 = arith.subf %sub3A_441, %mul3A_439 : vector<16xf32>
      %mul3A_443 = arith.mulf %bitcast3A_434, %sub3A_442 : vector<16xf32>
      %mul3A_444 = arith.constant 5.000000e-01 : f32
      %mul3A_445 = vector.broadcast %mul3A_444 : f32 to vector<16xf32>
      %mul3A_446 = arith.mulf %mul3A_445, %div3A_426 : vector<16xf32>
      %mul3A_447 = arith.mulf %mul3A_446, %mul3A_443 : vector<16xf32>
      %mul3A_448 = arith.mulf %mul3A_447, %mul3A_443 : vector<16xf32>
      %sub3A_449 = arith.constant 1.500000e+00 : f32
      %sub3A_450 = vector.broadcast %sub3A_449 : f32 to vector<16xf32>
      %sub3A_451 = arith.subf %sub3A_450, %mul3A_448 : vector<16xf32>
      %mul3A_452 = arith.mulf %mul3A_443, %sub3A_451 : vector<16xf32>
      %mul3A_453 = arith.constant 5.000000e-01 : f32
      %mul3A_454 = vector.broadcast %mul3A_453 : f32 to vector<16xf32>
      %mul3A_455 = arith.mulf %mul3A_454, %div3A_426 : vector<16xf32>
      %mul3A_456 = arith.mulf %mul3A_455, %mul3A_452 : vector<16xf32>
      %mul3A_457 = arith.mulf %mul3A_456, %mul3A_452 : vector<16xf32>
      %sub3A_458 = arith.constant 1.500000e+00 : f32
      %sub3A_459 = vector.broadcast %sub3A_458 : f32 to vector<16xf32>
      %sub3A_460 = arith.subf %sub3A_459, %mul3A_457 : vector<16xf32>
      %mul3A_461 = arith.mulf %mul3A_452, %sub3A_460 : vector<16xf32>
      %mul3A_462 = arith.mulf %div3A_426, %mul3A_461 : vector<16xf32>
      %swap3A_463 = arith.constant 8 : i32
      %swap3A_464 = arith.index_cast %swap3A_463 : i32 to index
      %swap3A_465 = arith.constant 0 : index
      %swap3A_466 = tpu.vector_load %arg11[%swap3A_464, %swap3A_465] {strides = array<i32>} : memref<12x16xf32, #tpu.memory_space<vmem>>, vector<16xf32>,
      tpu.vector_store %arg11[%swap3A_464, %swap3A_465], %mul3A_462 {strides = array<i32>} : memref<12x16xf32, #tpu.memory_space<vmem>>, vector<16xf32>,
      %div3A_467 = arith.divf %while3A_343#16, %get3A_329 : vector<16xf32>
      %bitcast3A_468 = vector.bitcast %div3A_467 : vector<16xf32> to vector<16xi32>
      %shift_right_logical3A_469 = arith.constant 1 : i32
      %shift_right_logical3A_470 = vector.broadcast %shift_right_logical3A_469 : i32 to vector<16xi32>
      %shift_right_logical3A_471 = arith.shrui %bitcast3A_468, %shift_right_logical3A_470 : vector<16xi32>
      %sub3A_472 = arith.constant 1597463007 : i32
      %sub3A_473 = vector.broadcast %sub3A_472 : i32 to vector<16xi32>
      %sub3A_474 = arith.subi %sub3A_473, %shift_right_logical3A_471 : vector<16xi32>
      %bitcast3A_475 = vector.bitcast %sub3A_474 : vector<16xi32> to vector<16xf32>
      %mul3A_476 = arith.constant 5.000000e-01 : f32
      %mul3A_477 = vector.broadcast %mul3A_476 : f32 to vector<16xf32>
      %mul3A_478 = arith.mulf %mul3A_477, %div3A_467 : vector<16xf32>
      %mul3A_479 = arith.mulf %mul3A_478, %bitcast3A_475 : vector<16xf32>
      %mul3A_480 = arith.mulf %mul3A_479, %bitcast3A_475 : vector<16xf32>
      %sub3A_481 = arith.constant 1.500000e+00 : f32
      %sub3A_482 = vector.broadcast %sub3A_481 : f32 to vector<16xf32>
      %sub3A_483 = arith.subf %sub3A_482, %mul3A_480 : vector<16xf32>
      %mul3A_484 = arith.mulf %bitcast3A_475, %sub3A_483 : vector<16xf32>
      %mul3A_485 = arith.constant 5.000000e-01 : f32
      %mul3A_486 = vector.broadcast %mul3A_485 : f32 to vector<16xf32>
      %mul3A_487 = arith.mulf %mul3A_486, %div3A_467 : vector<16xf32>
      %mul3A_488 = arith.mulf %mul3A_487, %mul3A_484 : vector<16xf32>
      %mul3A_489 = arith.mulf %mul3A_488, %mul3A_484 : vector<16xf32>
      %sub3A_490 = arith.constant 1.500000e+00 : f32
      %sub3A_491 = vector.broadcast %sub3A_490 : f32 to vector<16xf32>
      %sub3A_492 = arith.subf %sub3A_491, %mul3A_489 : vector<16xf32>
      %mul3A_493 = arith.mulf %mul3A_484, %sub3A_492 : vector<16xf32>
      %mul3A_494 = arith.constant 5.000000e-01 : f32
      %mul3A_495 = vector.broadcast %mul3A_494 : f32 to vector<16xf32>
      %mul3A_496 = arith.mulf %mul3A_495, %div3A_467 : vector<16xf32>
      %mul3A_497 = arith.mulf %mul3A_496, %mul3A_493 : vector<16xf32>
      %mul3A_498 = arith.mulf %mul3A_497, %mul3A_493 : vector<16xf32>
      %sub3A_499 = arith.constant 1.500000e+00 : f32
      %sub3A_500 = vector.broadcast %sub3A_499 : f32 to vector<16xf32>
      %sub3A_501 = arith.subf %sub3A_500, %mul3A_498 : vector<16xf32>
      %mul3A_502 = arith.mulf %mul3A_493, %sub3A_501 : vector<16xf32>
      %mul3A_503 = arith.mulf %div3A_467, %mul3A_502 : vector<16xf32>
      %swap3A_504 = arith.constant 9 : i32
      %swap3A_505 = arith.index_cast %swap3A_504 : i32 to index
      %swap3A_506 = arith.constant 0 : index
      %swap3A_507 = tpu.vector_load %arg11[%swap3A_505, %swap3A_506] {strides = array<i32>} : memref<12x16xf32, #tpu.memory_space<vmem>>, vector<16xf32>,
      tpu.vector_store %arg11[%swap3A_505, %swap3A_506], %mul3A_503 {strides = array<i32>} : memref<12x16xf32, #tpu.memory_space<vmem>>, vector<16xf32>,
      %div3A_508 = arith.divf %while3A_343#17, %get3A_333 : vector<16xf32>
      %bitcast3A_509 = vector.bitcast %div3A_508 : vector<16xf32> to vector<16xi32>
      %shift_right_logical3A_510 = arith.constant 1 : i32
      %shift_right_logical3A_511 = vector.broadcast %shift_right_logical3A_510 : i32 to vector<16xi32>
      %shift_right_logical3A_512 = arith.shrui %bitcast3A_509, %shift_right_logical3A_511 : vector<16xi32>
      %sub3A_513 = arith.constant 1597463007 : i32
      %sub3A_514 = vector.broadcast %sub3A_513 : i32 to vector<16xi32>
      %sub3A_515 = arith.subi %sub3A_514, %shift_right_logical3A_512 : vector<16xi32>
      %bitcast3A_516 = vector.bitcast %sub3A_515 : vector<16xi32> to vector<16xf32>
      %mul3A_517 = arith.constant 5.000000e-01 : f32
      %mul3A_518 = vector.broadcast %mul3A_517 : f32 to vector<16xf32>
      %mul3A_519 = arith.mulf %mul3A_518, %div3A_508 : vector<16xf32>
      %mul3A_520 = arith.mulf %mul3A_519, %bitcast3A_516 : vector<16xf32>
      %mul3A_521 = arith.mulf %mul3A_520, %bitcast3A_516 : vector<16xf32>
      %sub3A_522 = arith.constant 1.500000e+00 : f32
      %sub3A_523 = vector.broadcast %sub3A_522 : f32 to vector<16xf32>
      %sub3A_524 = arith.subf %sub3A_523, %mul3A_521 : vector<16xf32>
      %mul3A_525 = arith.mulf %bitcast3A_516, %sub3A_524 : vector<16xf32>
      %mul3A_526 = arith.constant 5.000000e-01 : f32
      %mul3A_527 = vector.broadcast %mul3A_526 : f32 to vector<16xf32>
      %mul3A_528 = arith.mulf %mul3A_527, %div3A_508 : vector<16xf32>
      %mul3A_529 = arith.mulf %mul3A_528, %mul3A_525 : vector<16xf32>
      %mul3A_530 = arith.mulf %mul3A_529, %mul3A_525 : vector<16xf32>
      %sub3A_531 = arith.constant 1.500000e+00 : f32
      %sub3A_532 = vector.broadcast %sub3A_531 : f32 to vector<16xf32>
      %sub3A_533 = arith.subf %sub3A_532, %mul3A_530 : vector<16xf32>
      %mul3A_534 = arith.mulf %mul3A_525, %sub3A_533 : vector<16xf32>
      %mul3A_535 = arith.constant 5.000000e-01 : f32
      %mul3A_536 = vector.broadcast %mul3A_535 : f32 to vector<16xf32>
      %mul3A_537 = arith.mulf %mul3A_536, %div3A_508 : vector<16xf32>
      %mul3A_538 = arith.mulf %mul3A_537, %mul3A_534 : vector<16xf32>
      %mul3A_539 = arith.mulf %mul3A_538, %mul3A_534 : vector<16xf32>
      %sub3A_540 = arith.constant 1.500000e+00 : f32
      %sub3A_541 = vector.broadcast %sub3A_540 : f32 to vector<16xf32>
      %sub3A_542 = arith.subf %sub3A_541, %mul3A_539 : vector<16xf32>
      %mul3A_543 = arith.mulf %mul3A_534, %sub3A_542 : vector<16xf32>
      %mul3A_544 = arith.mulf %div3A_508, %mul3A_543 : vector<16xf32>
      %swap3A_545 = arith.constant 10 : i32
      %swap3A_546 = arith.index_cast %swap3A_545 : i32 to index
      %swap3A_547 = arith.constant 0 : index
      %swap3A_548 = tpu.vector_load %arg11[%swap3A_546, %swap3A_547] {strides = array<i32>} : memref<12x16xf32, #tpu.memory_space<vmem>>, vector<16xf32>,
      tpu.vector_store %arg11[%swap3A_546, %swap3A_547], %mul3A_544 {strides = array<i32>} : memref<12x16xf32, #tpu.memory_space<vmem>>, vector<16xf32>,
      %div3A_549 = arith.divf %while3A_343#18, %get3A_337 : vector<16xf32>
      %bitcast3A_550 = vector.bitcast %div3A_549 : vector<16xf32> to vector<16xi32>
      %shift_right_logical3A_551 = arith.constant 1 : i32
      %shift_right_logical3A_552 = vector.broadcast %shift_right_logical3A_551 : i32 to vector<16xi32>
      %shift_right_logical3A_553 = arith.shrui %bitcast3A_550, %shift_right_logical3A_552 : vector<16xi32>
      %sub3A_554 = arith.constant 1597463007 : i32
      %sub3A_555 = vector.broadcast %sub3A_554 : i32 to vector<16xi32>
      %sub3A_556 = arith.subi %sub3A_555, %shift_right_logical3A_553 : vector<16xi32>
      %bitcast3A_557 = vector.bitcast %sub3A_556 : vector<16xi32> to vector<16xf32>
      %mul3A_558 = arith.constant 5.000000e-01 : f32
      %mul3A_559 = vector.broadcast %mul3A_558 : f32 to vector<16xf32>
      %mul3A_560 = arith.mulf %mul3A_559, %div3A_549 : vector<16xf32>
      %mul3A_561 = arith.mulf %mul3A_560, %bitcast3A_557 : vector<16xf32>
      %mul3A_562 = arith.mulf %mul3A_561, %bitcast3A_557 : vector<16xf32>
      %sub3A_563 = arith.constant 1.500000e+00 : f32
      %sub3A_564 = vector.broadcast %sub3A_563 : f32 to vector<16xf32>
      %sub3A_565 = arith.subf %sub3A_564, %mul3A_562 : vector<16xf32>
      %mul3A_566 = arith.mulf %bitcast3A_557, %sub3A_565 : vector<16xf32>
      %mul3A_567 = arith.constant 5.000000e-01 : f32
      %mul3A_568 = vector.broadcast %mul3A_567 : f32 to vector<16xf32>
      %mul3A_569 = arith.mulf %mul3A_568, %div3A_549 : vector<16xf32>
      %mul3A_570 = arith.mulf %mul3A_569, %mul3A_566 : vector<16xf32>
      %mul3A_571 = arith.mulf %mul3A_570, %mul3A_566 : vector<16xf32>
      %sub3A_572 = arith.constant 1.500000e+00 : f32
      %sub3A_573 = vector.broadcast %sub3A_572 : f32 to vector<16xf32>
      %sub3A_574 = arith.subf %sub3A_573, %mul3A_571 : vector<16xf32>
      %mul3A_575 = arith.mulf %mul3A_566, %sub3A_574 : vector<16xf32>
      %mul3A_576 = arith.constant 5.000000e-01 : f32
      %mul3A_577 = vector.broadcast %mul3A_576 : f32 to vector<16xf32>
      %mul3A_578 = arith.mulf %mul3A_577, %div3A_549 : vector<16xf32>
      %mul3A_579 = arith.mulf %mul3A_578, %mul3A_575 : vector<16xf32>
      %mul3A_580 = arith.mulf %mul3A_579, %mul3A_575 : vector<16xf32>
      %sub3A_581 = arith.constant 1.500000e+00 : f32
      %sub3A_582 = vector.broadcast %sub3A_581 : f32 to vector<16xf32>
      %sub3A_583 = arith.subf %sub3A_582, %mul3A_580 : vector<16xf32>
      %mul3A_584 = arith.mulf %mul3A_575, %sub3A_583 : vector<16xf32>
      %mul3A_585 = arith.mulf %div3A_549, %mul3A_584 : vector<16xf32>
      %swap3A_586 = arith.constant 11 : i32
      %swap3A_587 = arith.index_cast %swap3A_586 : i32 to index
      %swap3A_588 = arith.constant 0 : index
      %swap3A_589 = tpu.vector_load %arg11[%swap3A_587, %swap3A_588] {strides = array<i32>} : memref<12x16xf32, #tpu.memory_space<vmem>>, vector<16xf32>,
      tpu.vector_store %arg11[%swap3A_587, %swap3A_588], %mul3A_585 {strides = array<i32>} : memref<12x16xf32, #tpu.memory_space<vmem>>, vector<16xf32>,
      %mul3A_590 = arith.constant 16 : i32
      %mul3A_591 = arith.muli %min3A_12, %mul3A_590 : i32
      "tpu.region"() ({
        %run_scoped3A = tpu.sem_alloc : memref<!tpu.dma_semaphore, #tpu.memory_space<semaphore_mem>>
        %dma_start3A = arith.constant 0 : i32
        %dma_start3A_593 = tpu.memref_slice %arg6[%dma_start3A, %mul3A_591] : memref<12x2304xf32, #tpu.memory_space<hbm>> -> memref<12x16xf32, #tpu.memory_space<hbm>>
        %dma_start3A_594 = arith.constant 0 : i32
        %dma_start3A_595 = tpu.memref_slice %arg6[%dma_start3A_594, %mul3A_591] : memref<12x2304xf32, #tpu.memory_space<hbm>> -> memref<12x16xf32, #tpu.memory_space<hbm>>
        tpu.enqueue_dma source(%arg11 : memref<12x16xf32, #tpu.memory_space<vmem>>) target(%dma_start3A_595 : memref<12x16xf32, #tpu.memory_space<hbm>>) target_semaphore(%run_scoped3A : memref<!tpu.dma_semaphore, #tpu.memory_space<semaphore_mem>>)
        %dma_wait3A = arith.constant 0 : i32
        %dma_wait3A_596 = tpu.memref_slice %arg6[%dma_wait3A, %mul3A_591] : memref<12x2304xf32, #tpu.memory_space<hbm>> -> memref<12x16xf32, #tpu.memory_space<hbm>>
        %dma_wait3A_597 = arith.constant 0 : i32
        %dma_wait3A_598 = tpu.memref_slice %arg6[%dma_wait3A_597, %mul3A_591] : memref<12x2304xf32, #tpu.memory_space<hbm>> -> memref<12x16xf32, #tpu.memory_space<hbm>>
        tpu.wait_dma2 semaphore(%run_scoped3A : memref<!tpu.dma_semaphore, #tpu.memory_space<semaphore_mem>>) src(%arg11 : memref<12x16xf32, #tpu.memory_space<vmem>>) dst(%dma_wait3A_598 : memref<12x16xf32, #tpu.memory_space<hbm>>)
        tpu.yield
      }) : () -> ()
      %scan3A_592 = arith.constant 0 : i32
      scf.yield %scan3A_592 : i32
    }
    %scan3A_6 = arith.constant 5 : i32
    return
  }
}

module attributes {stable_mosaic.version = 14 : i64} {
  func.func @_bounds_tc_body(%arg0: memref<12x2304xf32, #tpu.memory_space<vmem>>, %arg1: memref<12x16xf32, #tpu.memory_space<vmem>>) attributes {dimension_semantics = [], scalar_prefetch = 0 : i64, scratch_operands = 0 : i64, tpu.core_type = #tpu.core_type<tc>} {
    %get3A = arith.constant 0 : index
    %get3A_0 = arith.constant 0 : index
    %get3A_1 = vector.load %arg0[%get3A, %get3A_0] : memref<12x2304xf32, #tpu.memory_space<vmem>>, vector<12x2304xf32>
    %reduce_sum3A = arith.constant dense<0.000000e+00> : vector<12xf32>
    %reduce_sum3A_2 = vector.multi_reduction <add>, %get3A_1, %reduce_sum3A [1] : vector<12x2304xf32> to vector<12xf32>
    %broadcast_in_dim3A = vector.shape_cast %reduce_sum3A_2 : vector<12xf32> to vector<12x1xf32>
    %mul3A = arith.constant 5.000000e-02 : f32
    %mul3A_3 = vector.broadcast %mul3A : f32 to vector<12x1xf32>
    %mul3A_4 = arith.mulf %broadcast_in_dim3A, %mul3A_3 : vector<12x1xf32>
    %broadcast_in_dim3A_5 = vector.shape_cast %mul3A_4 : vector<12x1xf32> to vector<12x1xf32>
    %broadcast_in_dim3A_6 = vector.broadcast %broadcast_in_dim3A_5 : vector<12x1xf32> to vector<12x16xf32>
    %swap3A = arith.constant 0 : index
    %swap3A_7 = arith.constant 0 : index
    %swap3A_8 = vector.load %arg1[%swap3A, %swap3A_7] : memref<12x16xf32, #tpu.memory_space<vmem>>, vector<12x16xf32>
    tpu.vector_store %arg1[%swap3A, %swap3A_7], %broadcast_in_dim3A_6 {strides = array<i32>} : memref<12x16xf32, #tpu.memory_space<vmem>>, vector<12x16xf32>,
    return
  }
}

</mosaic_0001>

<sc_bundles>
// kernel: kernel.4.cloned.1.call-start
scs
__scs_entry_jumppad:
0x0: {  	(pc) =	sbr.rel $0x88, $3  }
0x1: {  	(tag) =	ssettag $0x0;
	lr =	simm.s32 $0x1  }
0x2: {  	[smem:$0x3FA0] =	sst lr;
	_ =	strace $0xD0000000  }
0x3: {  	_ = 	snop  }
0x4: {  	_ = 	snop  }
0x5: {  	_ = 	snop  }
0x6: {  	_ = 	snop  }
0x7: {  	_ = 	snop  }
__scs_overlays_trampoline_lowered:
0x8: {  	[smem:$0x3FAF] =	sst s0  }
0x9: {  	[smem:$0x3FB0] =	sst s1  }
0xa: {  	[smem:$0x3FB1] =	sst s2  }
0xb: {  	[smem:$0x3FB2] =	sst s3  }
0xc: {  	[smem:$0x3FB3] =	sst s4  }
0xd: {  	[smem:$0x3FB4] =	sst s5  }
0xe: {  	[smem:$0x3FB5] =	sst s6  }
0xf: {  	[smem:$0x3FB6] =	sst s7  }
0x10: {  	[smem:$0x3FB7] =	sst s8  }
0x11: {  	[smem:$0x3FB8] =	sst s9;
	s0 =	simm.s32 @!p0 $0x0  }
0x12: {  	s1 =	sld [smem:$0x3F9E];
	s0 =	simm.s32 @p0 $0x1  }
0x13: {  	[smem:$0x3FB9] =	sst s0;
	s0 =	simm.s32 @!p1 $0x0  }
0x14: {  	s2 =	sld [smem:$0x3F9D];
	s0 =	simm.s32 @p1 $0x1  }
0x15: {  	[smem:$0x3FBA] =	sst s0;
	s0 =	simm.s32 @!p2 $0x0  }
0x16: {  	s3 =	sld [smem:$0x3FDB];
	s0 =	simm.s32 @p2 $0x1  }
0x17: {  	s4 =	simm.s32 $0x1BF5;
	[smem:$0x3FBC] =	sst s0  }
0x18: {  	s0 =	sld [smem:$0x3F9F];
	_ =	swait.ge [sflag:s4], $0x0  }
0x19: {  	s7 =	sld [smem:$0x3FA0]  }
0x1a: {  	s8 =	sadd.s32 $0xFFFFE003, lr  }
0x1b: {  	s9 =	sadd.s32 $0xFFFFFEF7, lr;
	s5 =	simm.s32 $0xFFFFFFFF;
	p2 =	slt.u32 s8, $0xFFFFF086  }
0x1c: {  	p1 =	slt.u32 s9, $0xF7A;
	s5 =	simm.s32 @!p2 $0x0  }
0x1d: {  	s5 =	simm.s32 @p1 $0x1;
	p0 =	seq.s32 s7, s2  }
0x1e: {  	s7 =	smul.u32 @!p0 $0xF7A, s2;
	p2 =	seq.s32 @!p0 s5, $0x0  }
0x1f: {  	s9 =	smul.u32 $0xF7A, s1;
	s8 =	simm.s32 @!p0 $0x1BF5;
	p2 =	por !p2, p0  }
0x20: {  	[sflag:s8] =	ssyncset.s32 @!p0 $0xFFFFF086;
	s6 =	sadd.s32 @!p0 s3, s7;
	s7 =	simm.s32 @!p0 $0x108  }
0x21: {  	s3 =	sadd.s32 s3, s9;
	s6 =	sadd.s32 @!p0 $0x88, s6;
	s7 =	simm.s32 @p2 $0x1082  }
0x22: {  	[simem:s7], [sflag:s8] =	dma.local @!p0 [hbm:s6], $0xF7A  }
0x23: {  	s9 =	sor.u32 $0xD0000000, s2;
	s6 =	simm.s32 $0x108;
	_ =	swait.ge @!p0 [sflag:s8], $0x0  }
0x24: {  	s3 =	sadd.s32 $0x88, s3;
	s6 =	simm.s32 @!p1 $0x1082;
	[sflag:s4] =	ssyncset.s32 $0xFFFFF086  }
0x25: {  	[simem:s6], [sflag:s4] =	dma.local [hbm:s3], $0xF7A  }
0x26: {  	[smem:$0x3FA0] =	sst s1;
	(tag) =	ssettag s2;
	_ =	strace s9  }
0x27: {  	s1 =	sld [smem:$0x3FB0]  }
0x28: {  	s2 =	sld [smem:$0x3FB1]  }
0x29: {  	s4 =	sld [smem:$0x3FB3]  }
0x2a: {  	p0 =	seq.s32 s5, $0x0;
	s5 =	sld [smem:$0x3FB4]  }
0x2b: {  	s6 =	sld [smem:$0x3FB5]  }
0x2c: {  	s7 =	sld [smem:$0x3FB6]  }
0x2d: {  	s3 =	simm.s32 $0x108;
	s8 =	sld [smem:$0x3FB7]  }
0x2e: {  	s3 =	simm.s32 @!p0 $0x1082;
	s9 =	sld [smem:$0x3FB8]  }
0x2f: {  	lr =	sadd.s32 s0, s3;
	s0 =	sld [smem:$0x3FAF]  }
0x30: {  	s3 =	sld [smem:$0x3FB2]  }
0x31: {  	[smem:$0x3FBB] =	sst s10  }
0x32: {  	s10 =	sld [smem:$0x3FB9];
	_ =	sdelay $0x3  }
0x33: {  	p0 =	seq.s32 s10, $0x1;
	s10 =	sld [smem:$0x3FBB];
	_ =	sdelay $0x3  }
0x34: {  	[smem:$0x3FBB] =	sst s10  }
0x35: {  	s10 =	sld [smem:$0x3FBA];
	_ =	sdelay $0x3  }
0x36: {  	p1 =	seq.s32 s10, $0x1;
	s10 =	sld [smem:$0x3FBB];
	_ =	sdelay $0x3  }
0x37: {  	[smem:$0x3FBB] =	sst s10  }
0x38: {  	s10 =	sld [smem:$0x3FBC]  }
0x39: {  	_ = 	snop;
	(pc) =	sbr.ind lr, $3  }
0x3a: {  	_ = 	snop  }
0x3b: {  	_ = 	snop  }
0x3c: {  	p2 =	seq.s32 s10, $0x1;
	s10 =	sld [smem:$0x3FBB]  }
0x3d: {  	_ =	shalt  }
0x3e: {  	_ =	shalt  }
0x3f: {  	_ =	shalt  }
0x40: {  	_ =	shalt  }
0x41: {  	_ =	shalt  }
0x42: {  	_ =	shalt  }
0x43: {  	_ =	shalt  }
0x44: {  	_ =	shalt  }
0x45: {  	_ =	shalt  }
0x46: {  	_ =	shalt  }
0x47: {  	_ =	shalt  }
0x48: {  	_ =	shalt  }
0x49: {  	_ =	shalt  }
0x4a: {  	_ =	shalt  }
0x4b: {  	_ =	shalt  }
0x4c: {  	_ =	shalt  }
0x4d: {  	_ =	shalt  }
0x4e: {  	_ =	shalt  }
0x4f: {  	_ =	shalt  }
0x50: {  	_ =	shalt  }
0x51: {  	_ =	shalt  }
0x52: {  	_ =	shalt  }
0x53: {  	_ =	shalt  }
0x54: {  	_ =	shalt  }
0x55: {  	_ =	shalt  }
0x56: {  	_ =	shalt  }
0x57: {  	_ =	shalt  }
0x58: {  	_ =	shalt  }
0x59: {  	_ =	shalt  }
0x5a: {  	_ =	shalt  }
0x5b: {  	_ =	shalt  }
0x5c: {  	_ =	shalt  }
0x5d: {  	_ =	shalt  }
0x5e: {  	_ =	shalt  }
0x5f: {  	_ =	shalt  }
0x60: {  	_ =	shalt  }
0x61: {  	_ =	shalt  }
0x62: {  	_ =	shalt  }
0x63: {  	_ =	shalt  }
0x64: {  	_ =	shalt  }
0x65: {  	_ =	shalt  }
0x66: {  	_ =	shalt  }
0x67: {  	_ =	shalt  }
0x68: {  	_ =	shalt  }
0x69: {  	_ =	shalt  }
0x6a: {  	_ =	shalt  }
0x6b: {  	_ =	shalt  }
0x6c: {  	_ =	shalt  }
0x6d: {  	_ =	shalt  }
0x6e: {  	_ =	shalt  }
0x6f: {  	_ =	shalt  }
0x70: {  	_ =	shalt  }
0x71: {  	_ =	shalt  }
0x72: {  	_ =	shalt  }
0x73: {  	_ =	shalt  }
0x74: {  	_ =	shalt  }
0x75: {  	_ =	shalt  }
0x76: {  	_ =	shalt  }
0x77: {  	_ =	shalt  }
0x78: {  	_ =	shalt  }
0x79: {  	_ =	shalt  }
0x7a: {  	_ =	shalt  }
0x7b: {  	_ =	shalt  }
0x7c: {  	_ =	shalt  }
0x7d: {  	_ =	shalt  }
0x7e: {  	_ =	shalt  }
0x7f: {  	_ =	shalt  }
0x80: {  	_ =	shalt  }
0x81: {  	_ =	shalt  }
0x82: {  	_ =	shalt  }
0x83: {  	_ =	shalt  }
0x84: {  	_ =	shalt  }
0x85: {  	_ =	shalt  }
0x86: {  	_ =	shalt  }
0x87: {  	_ =	shalt  }
.Lfunc_end0:
.L_simem_size_0:
called_computation_lowered:
.L_overlay_start_0:
0x88: {  	s2 =	sld [smem:$0x3FD9]  }
0x89: {  	s3 =	sld [smem:$0x3FFE];
	_ =	sdelay $0x1  }
0x8a: {  	s1 =	srdreg.scid  }
0x8b: {  	s0 =	sand.u32 $0x1, s1  }
0x8c: {  	s17 =	sshll.u32 s0, $0xA;
	s2 =	sadd.s32 s3, s2  }
0x8d: {  	s2 =	sadd.s32 s2, s17  }
0x8e: {  	[smem:$0x3FC7] =	sst s2  }
0x8f: {  	_ = 	snop  }
0x90: {  	s2 =	sld [smem:$0x3FD0];
	(tm) =	ssettm $0x1  }
0x91: {  	s18 =	sld [smem:$0x3FFB];
	_ =	sdelay $0x3  }
0x92: {  	_ =	strace s18  }
0x93: {  	s3 =	sld [smem:$0x3FFC];
	_ =	sdelay $0x3  }
0x94: {  	_ =	strace s3  }
0x95: {  	s3 =	sld [smem:$0x3FFD];
	_ =	sdelay $0x3  }
0x96: {  	_ =	strace s3  }
0x97: {  	_ =	strace $0x8FFFFFFF  }
0x98: {  	s19 =	sld [smem:$0x3FDB];
	_ =	sdelay $0x1  }
0x99: {  	s4 =	simm.s32 $_scs_section_size  }
0x9a: {  	s5 =	simm.s32 $_size__tile_overlayer_lowered;
	s6 =	simm.s32 $_tile_overlayer_lowered  }
0x9b: {  	s22 =	simm.s32 $0x1BFF;
	s21 =	sshll.u32 s6, $0x1;
	s3 =	sadd.s32 s4, s19  }
0x9c: {  	s7 =	simm.s32 $0x0;
	s20 =	sshll.u32 s5, $0x1;
	s5 =	sadd.s32 s21, s3  }
0x9d: {  	[timem:s7], [sflag:s22] =	dma.local [hbm:s5], s20  }
0x9e: {  	_ =	swait.ge [sflag:s22], s20  }
0x9f: {  	s4 =	ssub.s32 $0x0, s20;
	[sflag:s22] =	ssyncset.done $0x0  }
0xa0: {  	[sflag:s22] =	ssyncadd.s32 s4;
	_ =	sdelay $0x1  }
0xa1: {  	s23 =	simm.s32 $0x1B8B  }
0xa2: {  	_ =	swait.ge [sflag:s23], $0x1  }
0xa3: {  	[sflag:s23] =	ssyncset.done $0x0  }
0xa4: {  	s25 =	simm.s32 $0x1B8E;
	s24 =	sld [smem:$0x3FFE];
	[sflag:s23] =	ssyncadd.s32 $0xFFFFFFFF  }
0xa5: {  	s26 =	simm.s32 $execute0_lowered;
	[smem:$0x3FD2] =	sst s25  }
0xa6: {  	s5 =	sshll.u32 s26, $0x1;
	_ =	strace $0x80000046;
	[dreg:$0x1] =	wrdreg $0xFFFFFFFF  }
0xa7: {  	s28 =	simm.s32 $_size_execute0_lowered;
	s3 =	sadd.s32 s3, s5;
	[dreg:$0x0] =	wrdreg $0x0  }
0xa8: {  	s5 =	sshll.u32 s28, $0x1;
	[dreg:$0x2] =	wrdreg s3  }
0xa9: {  	[dreg:$0x3] =	wrdreg s5  }
0xaa: {  	[dreg:$0x4] =	wrdreg $0xC0  }
0xab: {  	_ =	task [dreg:s7], $0x5FFFF  }
0xac: {  	[dreg:$0x1] =	wrdreg $0xFFFFFFFF  }
0xad: {  	[dreg:$0x0] =	wrdreg $0x60  }
0xae: {  	[dreg:$0x2] =	wrdreg s24  }
0xaf: {  	[dreg:$0x3] =	wrdreg s2  }
0xb0: {  	[dreg:$0x4] =	wrdreg $0x9  }
0xb1: {  	_ =	task.clear_ibuf [dreg:s7], $0x5FFFF;
	_ =	strace $0x90000046  }
0xb2: {  	s29 =	simm.s32 $0x9;
	_ =	strace $0x80000048  }
0xb3: {  	_ =	swait.ge [sflag:s29], $0x1  }
0xb4: {  	[sflag:s29] =	ssyncadd.s32 $0xFFFFFFFF  }
0xb5: {  	_ =	strace $0x90000048  }
0xb6: {  	_ =	sfence  }
0xb7: {  	s30 =	sld [smem:$0x0];
	_ =	sdelay $0x2  }
0xb8: {  	s31 =	sshll.u32 s1, $0xD;
	s1 =	sshrl.u32 s1, $0x2  }
0xb9: {  	s3 =	sand.u32 $0x4000, s31;
	s1 =	sadd.s32 s1, s30  }
0xba: {  	s0 =	sor.u32 s3, s0;
	s1 =	sshll.u32 s1, $0x11  }
0xbb: {  	s0 =	sor.u32 s1, s0  }
0xbc: {  	s0 =	sadd.s32 $0x8F2B, s0  }
0xbd: {  	[sflag:s0] =	ssyncadd.remote.s32 $0x1  }
0xbe: {  	_ =	sfence.sel $0xFFFF  }
0xbf: {  	[dreg:$0x0] =	wrdreg $0xFFFFFFFF;
	(pc) =	sbr.abs _section_cstart, $3  }
0xc0: {  	[dreg:$0x1] =	wrdreg $0xFFFFFFFF  }
0xc1: {  	_ =	task.clear_ibuf [dreg:s7], $0x2FFFF;
	_ =	strace $0x9FFFFFFF  }
0xc2: {  	(tm) =	ssettm $0x7FFFFFFF  }
0xc3: {  	_ =	shalt  }
tec
execute0_lowered:
.L_overlay_start_1:
0x0: {  	(tag) =	ssettag $0x1  }
0x1: {  	s5 =	rddreg [dreg:$0x0]  }
0x2: {  	s1 =	rddreg [dreg:$0x1];
	s2 =	simm.s32 $0x0  }
0x3: {  	[smem:$0x7FF] =	sst s2  }
0x4: {  	s0 =	rddreg [dreg:$0x2];
	v0 =	vimm.f32 $0.0e+00;
	_ =	strace $0x80000047  }
0x5: {  	(xrf0) =	vmin.scan.msk.f32 $0xffff, v0;
	_ =	sdelay $0x5  }
0x6: {  	v1, _, _ =	vpop (xrf0)  }
0x7: {  	(v2sf) =	vpush v1, $0xF;
	_ =	sdelay $0x8  }
0x8: {  	s3 =	srdreg.scid;
	s11 =	simm.s32 $0x1  }
0x9: {  	s12 =	simm.s32 $0xB348;
	s13 =	simm.s32 $0xA200;
	s15 =	simm.s32 $0x10  }
0xa: {  	s16 =	simm.s32 $0x900;
	s17 =	simm.s32 $0xB408;
	s18 =	simm.s32 $0x0  }
.Ltmp0:
0xb: {  	s3 =	sand.u32 $0x1, s3;
	s4 =	sadd.s32 $0x800, s5;
	(pc) =	sbr.rel .LBB2_1-.Ltmp0, $4  }
0xc: {  	s6 =	sadd.s32 $0x3D400, s5;
	s7 =	sadd.s32 $0x600, s5;
	s9 =	ssub.s32 $0x2, s3  }
0xd: {  	s8 =	sadd.s32 $0x3D800, s5;
	s5 =	stileid.u32;
	s10 =	sshrl.u32 s9, $0x1  }
0xe: {  	s10 =	ssub.s32 s9, s10;
	s9 =	sshll.u32 s5, $0x1;
	s14 =	spop (v2sf)  }
0xf: {  	vm0 =	vmxor vm0, vm0;
	s10 =	smax.u32 s10, $0x1;
	p0 =	sgt.f32 s14, $0.0e+00;
	s14 =	simm.s32 $0x6C00  }
.LBB2_11:
0x10: {  	s18 =	sadd.s32 $0x1, s18  }
0x11: {  	p1 =	sne.s32 s18, s10  }
.Ltmp1:
0x12: {  	_ = 	snop;
	(pc) =	sbr.rel @!p1 .LBB2_12-.Ltmp1, $1  }
0x13: {  	_ =	sdelay $0x3  }
.LBB2_1:
0x14: {  	[tilespmem:s2], [sflag:$0x1] =	stream.linear.gather [hbm4b:s1+s2], $0x6C00, $0x38;
	[tilespmem:$0xB4C8] =	vst v63  }
0x15: {  	_ =	swait.ge [sflag:s11], $0x6C00  }
0x16: {  	[sflag:s11] =	ssyncset.done $0x0  }
0x17: {  	[sflag:s11] =	ssyncadd.s32 $0xFFFF9400  }
0x18: {  	[tilespmem:s12], [sflag:$0x1] =	stream.linear.gather [hbm4b:s7+s2], $0xC0, $0x38;
	[tilespmem:$0xB4C8] =	vst v63  }
0x19: {  	_ =	swait.ge [sflag:s11], $0xC0  }
0x1a: {  	[sflag:s11] =	ssyncset.done $0x0  }
.Ltmp2:
0x1b: {  	[sflag:s11] =	ssyncadd.s32 $0xFFFFFF40;
	(pc) =	sbr.rel .LBB2_2-.Ltmp2, $4  }
0x1c: {  	[tilespmem:s13], [sflag:$0x1] =	stream.linear.gather [hbm4b:s6+s2], $0x1148, $0x38;
	[tilespmem:$0xB4C8] =	vst v63  }
0x1d: {  	_ =	swait.ge [sflag:s11], $0x1148  }
0x1e: {  	[sflag:s11] =	ssyncset.done $0x0  }
0x1f: {  	s19 =	simm.s32 $0x0;
	[sflag:s11] =	ssyncadd.s32 $0xFFFFEEB8  }
.LBB2_6:
0x20: {  	v14 =	vimm.f32 $0.0e+00;
	v13 =	vimm.f32 $0.0e+00;
	v12 =	vimm.f32 $0.0e+00  }
0x21: {  	v4 =	vimm.f32 $0.0e+00;
	v3 =	vimm.f32 $0.0e+00;
	v1 =	vimm.f32 $0.0e+00  }
.LBB2_10:
0x22: {  	(erf) = vrcp.f32 v5  }
0x23: {  	(erf) = vrcp.f32 v8;
	_ =	sdelay $0x7  }
0x24: {  	v0 =	vpop (erf);
	(erf) = vrcp.f32 v9  }
0x25: {  	v0 =	vmul.f32 v1, v0;
	v24 =	vpop (erf);
	(erf) = vrcp.f32 v10  }
0x26: {  	v1 =	vmul.f32 v14, v24;
	(erf) = vrcp.f32 v7  }
0x27: {  	v2 =	vshrl.u32 v0, $0x1;
	v25 =	vmul.f32 $5.000000000e-01, v0;
	(erf) = vrcp.f32 v6  }
0x28: {  	v2 =	vsub.s32 $0x5F3759DF, v2;
	v26 =	vshrl.u32 v1, $0x1;
	v27 =	vmul.f32 $5.000000000e-01, v1  }
0x29: {  	v28 =	vmul.f32 v2, v25;
	v7 =	vsub.s32 $0x5F3759DF, v26  }
0x2a: {  	v29 =	vmul.f32 v7, v27  }
0x2b: {  	v6 =	vmul.f32 v2, v28  }
0x2c: {  	v9 =	vmul.f32 v7, v29  }
0x2d: {  	v6 =	vsub.f32 $1.500000000e+00, v6  }
0x2e: {  	v30 =	vpop (erf);
	v9 =	vsub.f32 $1.500000000e+00, v9  }
0x2f: {  	v10 =	vmul.f32 v13, v30;
	v11 =	vpop (erf);
	v2 =	vmul.f32 v2, v6  }
0x30: {  	v11 =	vmul.f32 v12, v11;
	v32 =	vpop (erf);
	v7 =	vmul.f32 v7, v9  }
0x31: {  	v31 =	vshrl.u32 v10, $0x1;
	v33 =	vmul.f32 $5.000000000e-01, v10;
	v4 =	vmul.f32 v4, v32;
	v36 =	vpop (erf)  }
0x32: {  	v6 =	vsub.s32 $0x5F3759DF, v31;
	v35 =	vmul.f32 $5.000000000e-01, v11;
	v3 =	vmul.f32 v3, v36  }
0x33: {  	v34 =	vshrl.u32 v11, $0x1;
	v22 =	vmul.f32 v2, v25;
	v15 =	vmul.f32 v6, v33  }
0x34: {  	v13 =	vsub.s32 $0x5F3759DF, v34;
	v16 =	vshrl.u32 v4, $0x1;
	v17 =	vmul.f32 $5.000000000e-01, v4  }
0x35: {  	v23 =	vmul.f32 v7, v27;
	v37 =	vmul.f32 v13, v35;
	v16 =	vsub.s32 $0x5F3759DF, v16  }
0x36: {  	v18 =	vshrl.u32 v3, $0x1;
	v19 =	vmul.f32 $5.000000000e-01, v3;
	v15 =	vmul.f32 v6, v15  }
0x37: {  	v22 =	vmul.f32 v22, v2;
	v20 =	vmul.f32 v16, v17;
	v18 =	vsub.s32 $0x5F3759DF, v18  }
0x38: {  	v12 =	vmul.f32 v13, v37;
	v21 =	vmul.f32 v18, v19;
	v15 =	vsub.f32 $1.500000000e+00, v15  }
0x39: {  	v39 =	vmul.f32 v23, v7;
	v22 =	vsub.f32 $1.500000000e+00, v22;
	v20 =	vmul.f32 v16, v20  }
0x3a: {  	v12 =	vsub.f32 $1.500000000e+00, v12;
	v21 =	vmul.f32 v18, v21;
	v6 =	vmul.f32 v6, v15  }
0x3b: {  	v2 =	vmul.f32 v22, v2;
	v38 =	vsub.f32 $1.500000000e+00, v20;
	v20 =	vsub.f32 $1.500000000e+00, v39  }
0x3c: {  	v12 =	vmul.f32 v13, v12;
	v40 =	vsub.f32 $1.500000000e+00, v21;
	v41 =	vmul.f32 v6, v33  }
0x3d: {  	v15 =	vmul.f32 v16, v38;
	v7 =	vmul.f32 v20, v7  }
0x3e: {  	v42 =	vmul.f32 v12, v35;
	v13 =	vmul.f32 v18, v40  }
0x3f: {  	v43 =	vmul.f32 v41, v6;
	v44 =	vmul.f32 v15, v17  }
0x40: {  	v16 =	vmul.f32 v42, v12;
	v45 =	vmul.f32 v13, v19  }
0x41: {  	v5 =	vmul.f32 v2, v25;
	v21 =	vmul.f32 v44, v15;
	v18 =	vsub.f32 $1.500000000e+00, v43  }
0x42: {  	v8 =	vmul.f32 v7, v27;
	v16 =	vsub.f32 $1.500000000e+00, v16;
	v23 =	vmul.f32 v45, v13  }
0x43: {  	v5 =	vmul.f32 v5, v2;
	v46 =	vsub.f32 $1.500000000e+00, v21;
	v6 =	vmul.f32 v18, v6  }
0x44: {  	v8 =	vmul.f32 v8, v7;
	v12 =	vmul.f32 v16, v12;
	v47 =	vsub.f32 $1.500000000e+00, v23  }
0x45: {  	v15 =	vmul.f32 v46, v15;
	v9 =	vmul.f32 v6, v33  }
0x46: {  	v13 =	vmul.f32 v47, v13;
	v14 =	vmul.f32 v12, v35  }
0x47: {  	v5 =	vsub.f32 $1.500000000e+00, v5;
	v9 =	vmul.f32 v9, v6;
	v48 =	vmul.f32 v15, v17  }
0x48: {  	v8 =	vsub.f32 $1.500000000e+00, v8;
	v14 =	vmul.f32 v14, v12;
	v49 =	vmul.f32 v13, v19  }
0x49: {  	v2 =	vmul.f32 v5, v2;
	v50 =	vsub.f32 $1.500000000e+00, v9;
	v51 =	vmul.f32 v48, v15  }
0x4a: {  	v7 =	vmul.f32 v8, v7;
	v52 =	vsub.f32 $1.500000000e+00, v14;
	v53 =	vmul.f32 v49, v13  }
0x4b: {  	v0 =	vmul.f32 v2, v0;
	v54 =	vmul.f32 v50, v6;
	v55 =	vsub.f32 $1.500000000e+00, v51  }
0x4c: {  	v1 =	vmul.f32 v7, v1;
	v56 =	vmul.f32 v52, v12;
	v57 =	vsub.f32 $1.500000000e+00, v53  }
0x4d: {  	[tilespmem:$0xB468] =	vst v0;
	v58 =	vmul.f32 v54, v10;
	v59 =	vmul.f32 v55, v15  }
0x4e: {  	[tilespmem:$0xB478] =	vst v1;
	v60 =	vmul.f32 v56, v11;
	v61 =	vmul.f32 v57, v13  }
0x4f: {  	[tilespmem:$0xB488] =	vst v58;
	v62 =	vmul.f32 v59, v4  }
0x50: {  	s19 =	sadd.s32 $0x1, s19;
	[tilespmem:$0xB498] =	vst v60;
	v63 =	vmul.f32 v61, v3  }
0x51: {  	s20 =	sshll.u32 s20, $0x1;
	p1 =	sne.s32 s19, $0x5;
	[tilespmem:$0xB4A8] =	vst v62  }
.Ltmp3:
0x52: {  	s20 =	sadd.s32 s8, s20;
	[tilespmem:$0xB4B8] =	vst v63;
	(pc) =	sbr.rel @!p1 .LBB2_11-.Ltmp3, $4  }
0x53: {  	[hbm4b:s20+s15] =	stream.strided.scatter [tilespmem:s17], [sflag:$0x1], $0xC0, s16, s15, $0x38;
	[tilespmem:$0xB4C8] =	vst v63  }
0x54: {  	_ =	swait.ge [sflag:s11], $0xC0  }
0x55: {  	[sflag:s11] =	ssyncset.done $0x0  }
0x56: {  	[sflag:s11] =	ssyncadd.s32 $0xFFFFFF40  }
.LBB2_2:
0x57: {  	s20 =	sshll.u32 s19, $0x5  }
0x58: {  	s20 =	sor.u32 s20, s9  }
0x59: {  	s20 =	sor.u32 s3, s20  }
0x5a: {  	s20 =	smin.u32 s20, $0x8F  }
0x5b: {  	v0 =	vlaneseq.u32;
	v1 =	vimm.f32 $0.0e+00;
	v15 =	vimm.f32 $0.0e+00;
	s22 =	smul.u32 $0x6C0, s20  }
0x5c: {  	v27 =	vimm.f32 $0.0e+00;
	v49 =	vimm.f32 $0.0e+00;
	v58 =	vimm.f32 $0.0e+00;
	s21 =	sshll.u32 s20, $0x4  }
0x5d: {  	v62 =	vimm.f32 $0.0e+00;
	v2 =	vor.u32 s21, v0;
	v4 =	vmov s21;
	s21 =	simm.s32 $0x0;
	s22 =	sadd.s32 s4, s22  }
0x5e: {  	v44 =	vimm.f32 $0.0e+00;
	v38 =	vimm.f32 $0.0e+00;
	v35 =	vimm.f32 $0.0e+00;
	[tilespmem:s14], [sflag:$0x1] =	stream.linear.gather [hbm4b:s22+s21], $0x3600, $0x38;
	[tilespmem:$0xB4C8] =	vst v63  }
0x5f: {  	v39 =	vimm.f32 $0.0e+00;
	v29 =	vimm.f32 $0.0e+00;
	v42 =	vimm.f32 $0.0e+00;
	_ =	swait.ge [sflag:s11], $0x3600  }
0x60: {  	v45 =	vimm.f32 $0.0e+00;
	v43 =	vimm.f32 $0.0e+00;
	v40 =	vimm.f32 $0.0e+00;
	[sflag:s11] =	ssyncset.done $0x0  }
0x61: {  	v31 =	vimm.f32 $0.0e+00;
	v18 =	vimm.f32 $0.0e+00;
	v3 =	vmulhi.u32 $0x2AAAAAAB, v2;
	[sflag:s11] =	ssyncadd.s32 $0xFFFFCA00  }
0x62: {  	v24 =	vimm.f32 $0.0e+00;
	v23 =	vimm.f32 $0.0e+00;
	v20 =	vimm.f32 $0.0e+00;
	v8 =	vld [tilespmem:$0xB348]  }
.Ltmp4:
0x63: {  	vm1 =	vmmov vm0;
	v4 =	vmulhi.u32 $0x2AAAAAAB, v4;
	v3 =	vshrl.u32 v3, $0x3;
	v10 =	vld [tilespmem:$0xB358];
	(pc) =	sbr.rel @p0 .LBB2_5-.Ltmp4, $4  }
0x64: {  	vm2 =	vmmov vm0;
	vm3 =	vmmov vm0;
	v3 =	vmul.u32 $0x30, v3;
	v12 =	vld [tilespmem:$0xB368]  }
0x65: {  	vm4 =	vmmov vm0;
	vm5 =	vmmov vm0;
	v57 =	vshrl.u32 v4, $0x3;
	v14 =	vld [tilespmem:$0xB378]  }
0x66: {  	vm6 =	vmmov vm0;
	v22 =	vimm.f32 $0.0e+00;
	[tilespmem:$0x1FFF0] =	vst v57;
	v56 =	vsub.s32 v2, v3;
	v13 =	vld [tilespmem:$0xB388]  }
0x67: {  	v21 =	vimm.f32 $0.0e+00;
	v19 =	vimm.f32 $0.0e+00;
	v0 =	vimm.f32 $0.0e+00;
	s22 =	simm.s32 $0x6C20;
	v16 =	vld [tilespmem:$0xB398];
	[tilespmem:$0x1FFE0] =	vst v56  }
.LBB2_3:
0x68: {  	v19 =	vld [tilespmem:s22+$0xFFFFFFE0];
	_ =	sdelay $0x4  }
0x69: {  	v36 =	vand.u32 $0xFFF, v19  }
0x6a: {  	v20 =	vmulhi.u32 $0x5555556, v36;
	_ =	sdelay $0x1  }
0x6b: {  	v21 =	vmul.u32 $0xFFD0, v20  }
0x6c: {  	v22 =	vld [tilespmem:s22+$0xFFFFFFF0]  }
0x6d: {  	v21 =	vadd.s32 v36, v21  }
0x6e: {  	v21 =	vand.u32 $0xFFFF, v21  }
0x6f: {  	v53 =	vadd.s32 $0x900, v36;
	v20 =	vsub.s32 v57, v20;
	v21 =	vsub.s32 v56, v21  }
0x70: {  	v25 =	vadd.s32 $0x1200, v36;
	v20 =	vmul.u32 v20, v20;
	v21 =	vmul.u32 v21, v21  }
0x71: {  	v23 =	vshll.u32 v22, $0x8;
	v50 =	vadd.s32 $0x2400, v36  }
0x72: {  	[tilespmem:$0x1FFA0] =	vst v27;
	v24 =	vld [tilespmem:s22+$0x0];
	v27 =	vshrl.u32 v19, $0xC;
	v19 =	vshrl.u32 v19, $0x18;
	v20 =	vadd.s32 v20, v21  }
0x73: {  	v54 =	vshrl.u32 v22, $0x1C;
	v23 =	vand.u32 $0xF00, v23;
	v32 =	vand.u32 $0xFFF, v27;
	v26 =	vld.idx.msk [tilespmem:v36+s2+$0x0], $0xffff  }
0x74: {  	v27 =	vor.u32 v19, v23;
	v19 =	vshrl.u32 v22, $0x4;
	v37 =	vmulhi.u32 $0x5555556, v32;
	v28 =	vld.idx.msk [tilespmem:v53+s2+$0x0], $0xffff  }
0x75: {  	v23 =	vand.u32 $0xFFF, v19;
	v19 =	vshrl.u32 v22, $0x10;
	v60 =	vmulhi.u32 $0x5555556, v27;
	v25 =	vld.idx.msk [tilespmem:v25+s2+$0x0], $0xffff  }
0x76: {  	v34 =	vadd.s32 $0x1B00, v36;
	v22 =	vand.u32 $0xFFF, v19;
	v46 =	vmulhi.u32 $0x5555556, v23;
	v50 =	vld.idx.msk [tilespmem:v50+s2+$0x0], $0xffff  }
0x77: {  	v19 =	vshrl.u32 v24, $0x8;
	v59 =	vmul.u32 $0xFFD0, v37;
	v51 =	vmulhi.u32 $0x5555556, v22;
	v47 =	vld.idx.msk [tilespmem:v20+s13+$0x0], $0xffff  }
0x78: {  	v61 =	vmul.u32 $0xFFD0, v60;
	v36 =	vadd.s32 $0x2D00, v36;
	v63 =	vmul.u32 $0xFFD0, v46  }
0x79: {  	v5 =	vsub.s32 v57, v46;
	v4 =	vmul.u32 $0xFFD0, v51;
	v18 =	vadd.f32 v26, v18  }
0x7a: {  	v51 =	vsub.s32 v57, v51;
	v48 =	vadd.f32 v28, v31;
	v31 =	vadd.f32 v25, v40  }
0x7b: {  	v51 =	vmul.u32 v51, v51;
	v45 =	vadd.f32 v50, v45;
	v33 =	vsub.f32 v8, v18  }
0x7c: {  	v55 =	vsub.f32 v10, v48;
	v20 =	vshll.u32 v24, $0x4;
	v26 =	vmul.f32 v26, v47  }
0x7d: {  	v30 =	vand.u32 $0xFF0, v20;
	v20 =	vand.u32 $0xFFF, v19;
	v28 =	vmul.f32 v28, v47  }
0x7e: {  	v19 =	vshrl.u32 v24, $0x14;
	v17 =	vadd.f32 v26, v0;
	v26 =	vmul.f32 v33, v47  }
0x7f: {  	[tilespmem:$0x1FF90] =	vst v49;
	v24 =	vmulhi.u32 $0xAAAAAAAB, v24;
	v25 =	vmul.f32 v25, v47;
	v49 =	vadd.f32 v28, v29  }
0x80: {  	v28 =	vmul.f32 v55, v47;
	v40 =	vadd.f32 v26, v17;
	v26 =	vsub.f32 v12, v31  }
0x81: {  	vm8 =	vge.f32 v18, v8;
	vm7 =	vge.f32 v48, v10;
	v53 =	vmulhi.u32 $0x5555556, v20  }
0x82: {  	v29 =	vadd.f32 v25, v39;
	v0 =	vadd.f32 v28, v49;
	v25 =	vmul.f32 v26, v47  }
0x83: {  	v21 =	vor.u32 v54, v30;
	v30 =	vmulhi.u32 $0x5555556, v30;
	v28 =	vadd.s32 v32, v59  }
0x84: {  	v41 =	vmulhi.u32 $0x5555556, v21;
	v39 =	vld.idx.msk [tilespmem:v32+s2+$0x0], $0xffff;
	[tilespmem:$0x1FF70] =	vst v0;
	v0 =	vadd.f32 v25, v29;
	v25 =	vand.u32 $0xFFFF, v28  }
0x85: {  	v30 =	vsub.s32 v57, v30;
	v28 =	vsub.s32 v57, v37;
	v25 =	vsub.s32 v56, v25  }
0x86: {  	v46 =	vmul.u32 $0x30, v41;
	v28 =	vmul.u32 v28, v28;
	v25 =	vmul.u32 v25, v25  }
0x87: {  	v30 =	vmul.u32 v30, v30;
	v33 =	vsub.s32 v57, v60;
	v37 =	vadd.s32 v27, v61  }
0x88: {  	v33 =	vmul.u32 v33, v33;
	v25 =	vadd.s32 v28, v25;
	v28 =	vand.u32 $0xFFFF, v37  }
0x89: {  	v52 =	vadd.f32 v39, v18;
	v37 =	vadd.s32 v23, v63;
	v28 =	vsub.s32 v56, v28  }
0x8a: {  	v26 =	vld.idx.msk [tilespmem:v34+s2+$0x0], $0xffff;
	v18 =	vand.u32 $0xFFFF, v37;
	v37 =	vadd.s32 v22, v4;
	v28 =	vmul.u32 v28, v28  }
0x8b: {  	v55 =	vmul.u32 $0xFFD0, v53;
	v18 =	vsub.s32 v56, v18;
	v37 =	vand.u32 $0xFFFF, v37  }
0x8c: {  	v18 =	vmul.u32 v18, v18;
	v28 =	vadd.s32 v33, v28;
	v33 =	vmul.u32 v5, v5  }
0x8d: {  	v46 =	vsub.s32 v46, v21;
	v60 =	vmulhi.u32 $0x5555556, v19;
	v37 =	vsub.s32 v56, v37  }
0x8e: {  	v59 =	vadd.s32 v20, v55;
	v54 =	vmul.u32 v37, v37;
	v37 =	vld.idx.msk [tilespmem:v25+s13+$0x0], $0xffff;
	v18 =	vadd.s32 v33, v18  }
0x8f: {  	v43 =	vadd.f32 v26, v43;
	v34 =	vmul.f32 v26, v47;
	v33 =	vadd.s32 v46, v56  }
0x90: {  	v61 =	vld.idx.msk [tilespmem:v27+s2+$0x0], $0xffff;
	v25 =	vadd.s32 v51, v54;
	v46 =	vand.u32 $0xFFFF, v59;
	v63 =	vmul.u32 v33, v33  }
0x91: {  	v51 =	vmul.u32 $0x30, v60;
	v46 =	vsub.s32 v56, v46;
	v33 =	vld.idx.msk [tilespmem:v28+s13+$0x0], $0xffff;
	v28 =	vsub.s32 v57, v53  }
0x92: {  	v4 =	vld.idx.msk [tilespmem:v23+s2+$0x0], $0xffff;
	v46 =	vmul.u32 v46, v46;
	v55 =	vadd.s32 v30, v63;
	v28 =	vmul.u32 v28, v28  }
0x93: {  	[tilespmem:$0x1FFB0] =	vst v1;
	v39 =	vmul.f32 v39, v37;
	v30 =	vld.idx.msk [tilespmem:v18+s13+$0x0], $0xffff;
	v18 =	vshrl.u32 v24, $0x19;
	v24 =	vsub.s32 v51, v19  }
0x94: {  	v5 =	vld.idx.msk [tilespmem:v22+s2+$0x0], $0xffff;
	v28 =	vadd.s32 v28, v46;
	v24 =	vadd.s32 v24, v56;
	v18 =	vsub.s32 v57, v18  }
0x95: {  	v25 =	vld.idx.msk [tilespmem:v25+s13+$0x0], $0xffff;
	v46 =	vadd.f32 v61, v52;
	v17 =	vadd.f32 v39, v17;
	v24 =	vmul.u32 v24, v24  }
0x96: {  	v36 =	vld.idx.msk [tilespmem:v36+s2+$0x0], $0xffff;
	v18 =	vmul.u32 v18, v18;
	v60 =	vmul.f32 v61, v33;
	v61 =	vsub.f32 v14, v43  }
0x97: {  	v1 =	vadd.s32 $0x1200, v32;
	v41 =	vmovc v58;
	v58 =	vadd.f32 v4, v46;
	v26 =	vld.idx.msk [tilespmem:v55+s13+$0x0], $0xffff;
	v55 =	vadd.f32 v34, v35  }
0x98: {  	v54 =	vld.idx.msk [tilespmem:v21+s2+$0x0], $0xffff;
	vm14 =	vge.f32 v46, v8;
	v18 =	vadd.s32 v18, v24;
	v35 =	vadd.f32 v60, v17  }
0x99: {  	v53 =	vld.idx.msk [tilespmem:v20+s2+$0x0], $0xffff;
	v63 =	vmul.f32 v4, v30;
	v56 =	vmul.f32 v61, v47;
	v4 =	vsub.f32 v8, v52  }
0x9a: {  	v34 =	vmovc v62;
	v59 =	vadd.f32 v5, v58;
	v51 =	vmul.f32 v5, v25;
	v62 =	vsub.f32 v8, v58  }
0x9b: {  	vm13 =	vge.f32 v58, v8;
	v58 =	vadd.s32 $0x2D00, v32;
	v24 =	vld.idx.msk [tilespmem:v28+s13+$0x0], $0xffff;
	v28 =	vsub.f32 v8, v46  }
0x9c: {  	v60 =	vld.idx.msk [tilespmem:v19+s2+$0x0], $0xffff;
	v46 =	vadd.f32 v36, v42;
	v39 =	vadd.f32 v63, v35;
	v57 =	vmul.f32 v4, v37  }
0x9d: {  	[tilespmem:$0x1FF80] =	vst v0;
	v61 =	vadd.f32 v54, v59;
	v0 =	vsub.f32 v8, v59;
	v62 =	vmul.f32 v62, v30  }
0x9e: {  	v5 =	vmul.f32 v28, v33;
	v54 =	vmul.f32 v54, v26;
	v51 =	vadd.f32 v51, v39;
	v28 =	vld.idx.msk [tilespmem:v18+s13+$0x0], $0xffff  }
0x9f: {  	vm12 =	vge.f32 v59, v8;
	v42 =	vadd.f32 v56, v55;
	v63 =	vadd.f32 v53, v61  }
0xa0: {  	v57 =	vadd.f32 v57, v17;
	v54 =	vadd.f32 v54, v51;
	v17 =	vmul.f32 v53, v24  }
0xa1: {  	v39 =	vadd.f32 v62, v39;
	v62 =	vadd.s32 $0x1B00, v32;
	v18 =	vadd.f32 v60, v63  }
0xa2: {  	v0 =	vmul.f32 v0, v25;
	v2 =	vadd.f32 v17, v54;
	v17 =	vsub.f32 v8, v63  }
0xa3: {  	v35 =	vadd.f32 v5, v35;
	v5 =	vsub.f32 v8, v18;
	v60 =	vmul.f32 v60, v28  }
0xa4: {  	v6 =	vsub.f32 v8, v61;
	vm15 =	vge.f32 v61, v8;
	v7 =	vmul.f32 v17, v24  }
0xa5: {  	v53 =	vadd.s32 $0x900, v32;
	v5 =	vmul.f32 v5, v28;
	v3 =	vadd.f32 v60, v2  }
0xa6: {  	v0 =	vadd.f32 v0, v51;
	v6 =	vmul.f32 v6, v26;
	v56 =	vld.idx.msk [tilespmem:v62+s2+$0x0], $0xffff;
	v2 =	vadd.f32 v7, v2  }
0xa7: {  	vm9 =	vge.f32 v63, v8;
	v7 =	vsub.f32 v13, v45;
	v5 =	vadd.f32 v5, v3  }
0xa8: {  	v6 =	vadd.f32 v6, v54;
	vm10 =	vge.f32 v18, v8;
	v54 =	vsub.f32 v16, v46  }
0xa9: {  	v7 =	vmul.f32 v7, v47;
	v2 =	vsel vm9, v2, v5;
	vm9 =	vmor vm9, vm10  }
0xaa: {  	v5 =	vmul.f32 v36, v47;
	v2 =	vsel vm15, v6, v2;
	vm9 =	vmor vm15, vm9  }
0xab: {  	vm15 =	vge.f32 v52, v8;
	v6 =	vmul.f32 v50, v47;
	v50 =	vmul.f32 v56, v37  }
0xac: {  	v0 =	vsel vm12, v0, v2;
	vm9 =	vmor vm12, vm9;
	v5 =	vadd.f32 v5, v44  }
0xad: {  	v0 =	vsel vm13, v39, v0;
	vm9 =	vmor vm13, vm9;
	v6 =	vadd.f32 v6, v38  }
0xae: {  	v1 =	vld.idx.msk [tilespmem:v1+s2+$0x0], $0xffff;
	v38 =	vadd.f32 v56, v43;
	v56 =	vadd.s32 $0x1B00, v27;
	v0 =	vsel vm14, v35, v0  }
0xaf: {  	v2 =	vld.idx.msk [tilespmem:v53+s2+$0x0], $0xffff;
	v50 =	vadd.f32 v50, v55;
	v0 =	vsel vm15, v57, v0;
	v57 =	vadd.s32 $0x900, v27  }
0xb0: {  	vm9 =	vmor vm14, vm9;
	v36 =	vadd.f32 v7, v6;
	v7 =	vadd.s32 $0x2400, v32  }
0xb1: {  	v35 =	vmul.f32 v54, v47;
	v47 =	vadd.s32 $0x1200, v27;
	v54 =	vadd.s32 $0x1200, v23  }
0xb2: {  	vm10 =	vmor vm15, vm9;
	vm9 =	vge.f32 v31, v12;
	v63 =	vsub.f32 v14, v38  }
0xb3: {  	[tilespmem:$0x1FFD0] =	vst v3;
	v3 =	vadd.f32 v35, v5;
	v35 =	vadd.f32 v1, v31;
	v31 =	vadd.s32 $0x900, v23  }
0xb4: {  	v1 =	vmul.f32 v1, v37;
	v0 =	vsel vm8, v40, v0;
	v39 =	vadd.f32 v2, v48;
	v61 =	vld.idx.msk [tilespmem:v57+s2+$0x0], $0xffff  }
0xb5: {  	v2 =	vmul.f32 v2, v37;
	v62 =	vsub.f32 v12, v35;
	v52 =	vld.idx.msk [tilespmem:v7+s2+$0x0], $0xffff;
	v7 =	vadd.s32 $0x900, v22  }
0xb6: {  	vm8 =	vmor vm8, vm10;
	v4 =	vmul.f32 v63, v37;
	v59 =	vsub.f32 v10, v39;
	v57 =	vld.idx.msk [tilespmem:v47+s2+$0x0], $0xffff  }
0xb7: {  	v1 =	vadd.f32 v1, v29;
	v2 =	vadd.f32 v2, v49;
	v49 =	vld.idx.msk [tilespmem:v58+s2+$0x0], $0xffff;
	v29 =	vmul.f32 v62, v37  }
0xb8: {  	v44 =	vadd.f32 v4, v50;
	v47 =	vadd.s32 $0x900, v21;
	v60 =	vmul.f32 v59, v37;
	v31 =	vld.idx.msk [tilespmem:v31+s2+$0x0], $0xffff  }
0xb9: {  	v63 =	vld.idx.msk [tilespmem:v54+s2+$0x0], $0xffff;
	v62 =	vadd.s32 $0x900, v19;
	v59 =	vadd.s32 $0x900, v20;
	v51 =	vadd.f32 v29, v1  }
0xba: {  	v55 =	vadd.f32 v60, v2;
	v58 =	vadd.f32 v61, v39;
	v29 =	vmul.f32 v52, v37;
	v7 =	vld.idx.msk [tilespmem:v7+s2+$0x0], $0xffff  }
0xbb: {  	v60 =	vmul.f32 v61, v33;
	v53 =	vadd.f32 v57, v35;
	v54 =	vmul.f32 v57, v33  }
0xbc: {  	v56 =	vld.idx.msk [tilespmem:v56+s2+$0x0], $0xffff;
	v32 =	vsub.f32 v10, v58;
	v48 =	vadd.f32 v29, v6;
	v6 =	vmul.f32 v49, v37  }
0xbd: {  	v29 =	vld.idx.msk [tilespmem:v47+s2+$0x0], $0xffff;
	v2 =	vadd.f32 v60, v2;
	v61 =	vadd.f32 v31, v58;
	v31 =	vmul.f32 v31, v30  }
0xbe: {  	v32 =	vmul.f32 v32, v33;
	v47 =	vadd.f32 v6, v5;
	v6 =	vsub.f32 v12, v53  }
0xbf: {  	v57 =	vld.idx.msk [tilespmem:v59+s2+$0x0], $0xffff;
	v1 =	vadd.f32 v54, v1;
	v5 =	vmul.f32 v63, v30;
	v60 =	vadd.f32 v7, v61  }
0xc0: {  	v7 =	vmul.f32 v7, v25;
	v59 =	vadd.f32 v32, v2;
	v32 =	vmul.f32 v6, v33  }
0xc1: {  	v62 =	vld.idx.msk [tilespmem:v62+s2+$0x0], $0xffff;
	v6 =	vmul.f32 v56, v33;
	v2 =	vadd.f32 v31, v2;
	v56 =	vadd.f32 v56, v38  }
0xc2: {  	vm15 =	vge.f32 v61, v10;
	v9 =	vadd.f32 v29, v60;
	v54 =	vadd.f32 v32, v1  }
0xc3: {  	vm14 =	vge.f32 v60, v10;
	v50 =	vadd.f32 v6, v50;
	v6 =	vadd.f32 v7, v2  }
0xc4: {  	v7 =	vmul.f32 v29, v26;
	v29 =	vsub.f32 v10, v60;
	v11 =	vadd.f32 v57, v9  }
0xc5: {  	v1 =	vadd.f32 v5, v1;
	v17 =	vsub.f32 v10, v9;
	v57 =	vmul.f32 v57, v24  }
0xc6: {  	v32 =	vmovc v15;
	v15 =	vadd.s32 $0x1200, v22;
	v7 =	vadd.f32 v7, v6;
	v31 =	vadd.f32 v62, v11  }
0xc7: {  	[tilespmem:$0x1FFC0] =	vst v3;
	v29 =	vmul.f32 v29, v25;
	v17 =	vmul.f32 v17, v26;
	v3 =	vsub.f32 v10, v11  }
0xc8: {  	v62 =	vmul.f32 v62, v28;
	v57 =	vadd.f32 v57, v7;
	v4 =	vsub.f32 v10, v31  }
0xc9: {  	v5 =	vadd.f32 v29, v6;
	v3 =	vmul.f32 v3, v24;
	v6 =	vadd.f32 v17, v7  }
0xca: {  	v17 =	vadd.s32 $0x1200, v21;
	v29 =	vadd.f32 v62, v57;
	v4 =	vmul.f32 v4, v28  }
0xcb: {  	vm13 =	vge.f32 v9, v10;
	vm12 =	vge.f32 v11, v10;
	v62 =	vsel vm6, v34, v0  }
0xcc: {  	v0 =	vadd.s32 $0x1200, v20;
	v15 =	vld.idx.msk [tilespmem:v15+s2+$0x0], $0xffff;
	v3 =	vadd.f32 v3, v57;
	v4 =	vadd.f32 v4, v29  }
0xcd: {  	v11 =	vadd.f32 v63, v53;
	v63 =	vadd.s32 $0x1B00, v22;
	v7 =	vsub.f32 v10, v61  }
0xce: {  	vm6 =	vmor vm6, vm8;
	vm8 =	vge.f32 v31, v10;
	v3 =	vsel vm12, v3, v4  }
0xcf: {  	vm8 =	vmor vm12, vm8;
	v17 =	vld.idx.msk [tilespmem:v17+s2+$0x0], $0xffff;
	v3 =	vsel vm13, v6, v3;
	v6 =	vadd.s32 $0x1200, v19  }
0xd0: {  	v34 =	vsub.f32 v12, v11;
	v7 =	vmul.f32 v7, v30;
	vm8 =	vmor vm13, vm8  }
0xd1: {  	vm8 =	vmor vm14, vm8;
	v0 =	vld.idx.msk [tilespmem:v0+s2+$0x0], $0xffff;
	v9 =	vadd.f32 v15, v11;
	v15 =	vmul.f32 v15, v25  }
0xd2: {  	vm8 =	vmor vm15, vm8;
	v4 =	vmul.f32 v34, v30;
	vm12 =	vge.f32 v58, v10  }
0xd3: {  	vm8 =	vmor vm12, vm8;
	vm13 =	vge.f32 v39, v10;
	v60 =	vadd.f32 v15, v1  }
0xd4: {  	v1 =	vadd.f32 v4, v1;
	v4 =	vadd.f32 v17, v9;
	v17 =	vmul.f32 v17, v26;
	v6 =	vld.idx.msk [tilespmem:v6+s2+$0x0], $0xffff  }
0xd5: {  	v2 =	vadd.f32 v7, v2;
	v3 =	vsel vm14, v5, v3;
	vm10 =	vmor vm13, vm8  }
0xd6: {  	v15 =	vadd.s32 $0x1B00, v23;
	v5 =	vadd.f32 v17, v60;
	v17 =	vadd.f32 v0, v4  }
0xd7: {  	vm8 =	vge.f32 v43, v14;
	v57 =	vsub.f32 v12, v9;
	v2 =	vsel vm15, v2, v3  }
0xd8: {  	v3 =	vsub.f32 v12, v4;
	v0 =	vmul.f32 v0, v24;
	v34 =	vsub.f32 v12, v17  }
0xd9: {  	v2 =	vsel vm12, v59, v2;
	v7 =	vmul.f32 v57, v25;
	v57 =	vld.idx.msk [tilespmem:v63+s2+$0x0], $0xffff;
	v40 =	vadd.f32 v6, v17  }
0xda: {  	v63 =	vld [tilespmem:$0x1FF70];
	v3 =	vmul.f32 v3, v26;
	v0 =	vadd.f32 v0, v5;
	v39 =	vmul.f32 v34, v24  }
0xdb: {  	vm12 =	vge.f32 v9, v12;
	v15 =	vld.idx.msk [tilespmem:v15+s2+$0x0], $0xffff;
	v6 =	vmul.f32 v6, v28;
	v61 =	vsub.f32 v12, v40  }
0xdc: {  	v2 =	vsel vm13, v55, v2;
	v3 =	vadd.f32 v3, v5;
	v5 =	vadd.f32 v39, v0  }
0xdd: {  	v39 =	vadd.f32 v6, v0;
	v0 =	vadd.s32 $0x1B00, v21;
	v6 =	vmul.f32 v61, v28  }
0xde: {  	vm13 =	vge.f32 v11, v12;
	vm15 =	vge.f32 v4, v12;
	v7 =	vadd.f32 v7, v60  }
0xdf: {  	v60 =	vmovc v41;
	v41 =	vadd.f32 v52, v45;
	v34 =	vadd.s32 $0x1B00, v20;
	v6 =	vadd.f32 v6, v39  }
0xe0: {  	vm14 =	vge.f32 v17, v12;
	v2 =	vsel vm7, v63, v2;
	v55 =	vadd.f32 v15, v56  }
0xe1: {  	vm7 =	vmor vm7, vm10;
	v5 =	vsel vm14, v5, v6;
	v6 =	vadd.s32 $0x1B00, v19  }
0xe2: {  	v58 =	vsel vm5, v60, v2;
	v15 =	vmul.f32 v15, v30;
	v2 =	vadd.f32 v57, v55;
	v0 =	vld.idx.msk [tilespmem:v0+s2+$0x0], $0xffff  }
0xe3: {  	v11 =	vsub.f32 v13, v41;
	v17 =	vmul.f32 v57, v25;
	vm5 =	vmor vm5, vm7  }
0xe4: {  	vm7 =	vge.f32 v40, v12;
	v15 =	vadd.f32 v15, v50;
	v60 =	vld.idx.msk [tilespmem:v34+s2+$0x0], $0xffff;
	v59 =	vsub.f32 v14, v2  }
0xe5: {  	v11 =	vmul.f32 v11, v37;
	vm7 =	vmor vm14, vm7;
	v3 =	vsel vm15, v3, v5  }
0xe6: {  	v4 =	vmul.f32 v59, v25;
	v3 =	vsel vm12, v7, v3;
	v7 =	vadd.f32 v17, v15;
	v6 =	vld.idx.msk [tilespmem:v6+s2+$0x0], $0xffff  }
0xe7: {  	v34 =	vadd.f32 v49, v46;
	v9 =	vadd.f32 v0, v2;
	v0 =	vmul.f32 v0, v26  }
0xe8: {  	vm7 =	vmor vm15, vm7;
	v52 =	vsub.f32 v14, v55;
	v4 =	vadd.f32 v4, v7  }
0xe9: {  	vm7 =	vmor vm12, vm7;
	v0 =	vadd.f32 v0, v7;
	v7 =	vadd.f32 v60, v9  }
0xea: {  	vm7 =	vmor vm13, vm7;
	vm14 =	vge.f32 v53, v12;
	v53 =	vadd.s32 $0x2400, v22  }
0xeb: {  	v22 =	vadd.s32 $0x2D00, v22;
	v5 =	vmul.f32 v60, v24;
	v43 =	vadd.f32 v6, v7  }
0xec: {  	vm7 =	vmor vm14, vm7;
	vm15 =	vge.f32 v35, v12;
	v1 =	vsel vm13, v1, v3  }
0xed: {  	v3 =	vsub.f32 v14, v9;
	v61 =	vmul.f32 v6, v28;
	v6 =	vsub.f32 v14, v43  }
0xee: {  	vm10 =	vmor vm15, vm7;
	vm7 =	vge.f32 v45, v13;
	v1 =	vsel vm14, v54, v1  }
0xef: {  	v1 =	vsel vm15, v51, v1;
	v3 =	vmul.f32 v3, v26;
	v63 =	vmul.f32 v6, v28;
	v6 =	vld [tilespmem:$0x1FF80]  }
0xf0: {  	vm14 =	vge.f32 v9, v14;
	v9 =	vsub.f32 v14, v56;
	v17 =	vsub.f32 v14, v7  }
0xf1: {  	vm15 =	vge.f32 v2, v14;
	v3 =	vadd.f32 v3, v0;
	v0 =	vadd.f32 v5, v0  }
0xf2: {  	vm12 =	vge.f32 v7, v14;
	v2 =	vmul.f32 v9, v33;
	v7 =	vadd.s32 $0x2D00, v27  }
0xf3: {  	v45 =	vld [tilespmem:$0x1FF90];
	v51 =	vadd.f32 v11, v48;
	v17 =	vmul.f32 v17, v24;
	v35 =	vadd.f32 v61, v0  }
0xf4: {  	v2 =	vadd.f32 v2, v50;
	v1 =	vsel vm9, v6, v1;
	v6 =	vadd.s32 $0x2400, v27  }
0xf5: {  	v11 =	vadd.s32 $0x2D00, v23;
	v0 =	vadd.f32 v17, v0;
	v5 =	vadd.f32 v63, v35  }
0xf6: {  	vm13 =	vge.f32 v43, v14;
	v17 =	vadd.s32 $0x2400, v19;
	v19 =	vadd.s32 $0x2D00, v19  }
0xf7: {  	v7 =	vld.idx.msk [tilespmem:v7+s2+$0x0], $0xffff;
	v0 =	vsel vm12, v0, v5;
	v5 =	vmul.f32 v52, v30;
	vm9 =	vmor vm9, vm10  }
0xf8: {  	v0 =	vsel vm14, v3, v0;
	v49 =	vsel vm4, v45, v1;
	v1 =	vsub.f32 v16, v34  }
0xf9: {  	vm4 =	vmor vm4, vm9;
	vm9 =	vmor vm12, vm13;
	v3 =	vld.idx.msk [tilespmem:v6+s2+$0x0], $0xffff;
	v6 =	vadd.s32 $0x2400, v23  }
0xfa: {  	v5 =	vadd.f32 v5, v15;
	v0 =	vsel vm15, v4, v0;
	vm12 =	vge.f32 v55, v14  }
0xfb: {  	vm13 =	vge.f32 v56, v14;
	v55 =	vadd.s32 $0x2400, v21;
	v15 =	vadd.s32 $0x2400, v20  }
0xfc: {  	v11 =	vld.idx.msk [tilespmem:v11+s2+$0x0], $0xffff;
	v4 =	vadd.f32 v7, v34;
	v7 =	vmul.f32 v7, v33;
	vm9 =	vmor vm14, vm9  }
0xfd: {  	vm14 =	vge.f32 v38, v14;
	vm9 =	vmor vm15, vm9;
	v1 =	vmul.f32 v1, v37  }
0xfe: {  	v0 =	vsel vm12, v5, v0;
	v27 =	vsub.f32 v16, v4;
	vm9 =	vmor vm12, vm9;
	v6 =	vld.idx.msk [tilespmem:v6+s2+$0x0], $0xffff  }
0xff: {  	v7 =	vadd.f32 v7, v47;
	v0 =	vsel vm13, v2, v0;
	vm9 =	vmor vm13, vm9  }
0x100: {  	v2 =	vld.idx.msk [tilespmem:v53+s2+$0x0], $0xffff;
	v23 =	vadd.f32 v1, v47;
	v9 =	vadd.f32 v3, v41;
	v3 =	vmul.f32 v3, v33  }
0x101: {  	vm10 =	vmor vm14, vm9;
	vm9 =	vge.f32 v46, v16;
	v46 =	vadd.f32 v11, v4  }
0x102: {  	v21 =	vadd.s32 $0x2D00, v21;
	v5 =	vld.idx.msk [tilespmem:v55+s2+$0x0], $0xffff;
	v1 =	vadd.f32 v3, v48;
	v3 =	vsub.f32 v13, v9  }
0x103: {  	v0 =	vsel vm14, v44, v0;
	v27 =	vmul.f32 v27, v33;
	v37 =	vadd.f32 v6, v9  }
0x104: {  	v15 =	vld.idx.msk [tilespmem:v15+s2+$0x0], $0xffff;
	v61 =	vsub.f32 v16, v46;
	v3 =	vmul.f32 v3, v33;
	v6 =	vmul.f32 v6, v30  }
0x105: {  	v11 =	vmul.f32 v11, v30;
	v59 =	vsub.f32 v13, v37;
	v44 =	vadd.f32 v2, v37  }
0x106: {  	v17 =	vld.idx.msk [tilespmem:v17+s2+$0x0], $0xffff;
	v3 =	vadd.f32 v3, v1;
	v1 =	vadd.f32 v6, v1;
	v2 =	vmul.f32 v2, v25  }
0x107: {  	v6 =	vadd.f32 v27, v7;
	v27 =	vmul.f32 v59, v30;
	v60 =	vadd.f32 v5, v44  }
0x108: {  	v7 =	vadd.f32 v11, v7;
	v2 =	vadd.f32 v2, v1;
	v5 =	vmul.f32 v5, v26  }
0x109: {  	v0 =	vsel vm8, v42, v0;
	v1 =	vadd.f32 v27, v1;
	v27 =	vadd.f32 v15, v60  }
0x10a: {  	v5 =	vadd.f32 v5, v2;
	v63 =	vsub.f32 v13, v60;
	v15 =	vmul.f32 v15, v24  }
0x10b: {  	v11 =	vmul.f32 v61, v30;
	v52 =	vsub.f32 v13, v27;
	v45 =	vadd.f32 v17, v27  }
0x10c: {  	v15 =	vadd.f32 v15, v5;
	v17 =	vmul.f32 v17, v28;
	vm15 =	vge.f32 v27, v13;
	v27 =	vld [tilespmem:$0x1FFA0]  }
0x10d: {  	vm8 =	vmor vm8, vm10;
	v30 =	vmul.f32 v63, v26;
	v53 =	vmul.f32 v52, v24  }
0x10e: {  	v54 =	vsub.f32 v13, v45;
	v38 =	vadd.f32 v17, v15;
	v17 =	vadd.s32 $0x2D00, v20  }
0x10f: {  	vm14 =	vge.f32 v37, v13;
	v5 =	vadd.f32 v30, v5;
	v30 =	vadd.f32 v53, v15;
	v15 =	vld.idx.msk [tilespmem:v22+s2+$0x0], $0xffff  }
0x110: {  	v55 =	vsub.f32 v13, v44;
	vm12 =	vge.f32 v60, v13;
	v20 =	vmul.f32 v54, v28  }
0x111: {  	v21 =	vld.idx.msk [tilespmem:v21+s2+$0x0], $0xffff;
	v27 =	vsel vm3, v27, v0;
	vm3 =	vmor vm3, vm8;
	vm8 =	vge.f32 v45, v13  }
0x112: {  	v0 =	vadd.f32 v20, v38;
	v20 =	vmul.f32 v55, v25;
	vm8 =	vmor vm15, vm8  }
0x113: {  	vm13 =	vge.f32 v44, v13;
	v11 =	vadd.f32 v11, v7;
	v17 =	vld.idx.msk [tilespmem:v17+s2+$0x0], $0xffff;
	vm8 =	vmor vm12, vm8  }
0x114: {  	v0 =	vsel vm15, v30, v0;
	v2 =	vadd.f32 v20, v2;
	v59 =	vadd.f32 v15, v46  }
0x115: {  	v19 =	vld.idx.msk [tilespmem:v19+s2+$0x0], $0xffff;
	vm8 =	vmor vm13, vm8;
	vm15 =	vge.f32 v9, v13;
	v15 =	vmul.f32 v15, v25  }
0x116: {  	v0 =	vsel vm12, v5, v0;
	vm8 =	vmor vm14, vm8;
	v20 =	vadd.f32 v21, v59  }
0x117: {  	v0 =	vsel vm13, v2, v0;
	v7 =	vadd.f32 v15, v7;
	v15 =	vmul.f32 v21, v26  }
0x118: {  	v2 =	vsub.f32 v16, v59;
	v0 =	vsel vm14, v1, v0;
	v1 =	vadd.f32 v17, v20  }
0x119: {  	v61 =	vsub.f32 v16, v20;
	v15 =	vadd.f32 v15, v7;
	v17 =	vmul.f32 v17, v24  }
0x11a: {  	vm12 =	vge.f32 v41, v13;
	v0 =	vsel vm15, v3, v0;
	v42 =	vadd.f32 v19, v1  }
0x11b: {  	v2 =	vmul.f32 v2, v25;
	v9 =	vmul.f32 v61, v26;
	v17 =	vadd.f32 v17, v15  }
0x11c: {  	v3 =	vsub.f32 v16, v1;
	v19 =	vmul.f32 v19, v28;
	v63 =	vsub.f32 v16, v42  }
0x11d: {  	vm8 =	vmor vm15, vm8;
	v2 =	vadd.f32 v2, v7;
	v7 =	vadd.f32 v9, v15  }
0x11e: {  	v3 =	vmul.f32 v3, v24;
	v44 =	vadd.f32 v19, v17;
	v9 =	vmul.f32 v63, v28  }
0x11f: {  	vm8 =	vmor vm12, vm8;
	v0 =	vsel vm12, v51, v0;
	vm13 =	vge.f32 v20, v16  }
0x120: {  	v0 =	vsel vm7, v36, v0;
	v3 =	vadd.f32 v3, v17;
	v9 =	vadd.f32 v9, v44  }
0x121: {  	vm7 =	vmor vm7, vm8;
	vm8 =	vge.f32 v1, v16;
	v15 =	vsel vm2, v32, v0  }
0x122: {  	vm2 =	vmor vm2, vm7;
	vm7 =	vge.f32 v42, v16;
	v0 =	vsel vm8, v3, v9  }
0x123: {  	vm7 =	vmor vm8, vm7;
	vm8 =	vge.f32 v59, v16;
	v0 =	vsel vm13, v7, v0  }
0x124: {  	vm7 =	vmor vm13, vm7;
	v0 =	vsel vm8, v2, v0;
	v2 =	vld [tilespmem:$0x1FFC0]  }
0x125: {  	vm14 =	vge.f32 v46, v16;
	vm15 =	vge.f32 v34, v16;
	v1 =	vld [tilespmem:$0x1FFB0];
	vm7 =	vmor vm8, vm7  }
0x126: {  	vm8 =	vge.f32 v4, v16;
	vm7 =	vmor vm14, vm7;
	v0 =	vsel vm14, v11, v0  }
0x127: {  	vm7 =	vmor vm8, vm7;
	v0 =	vsel vm8, v6, v0;
	vm8 =	vmand vm6, vm5  }
0x128: {  	vm7 =	vmor vm15, vm7;
	v0 =	vsel vm15, v23, v0;
	vm8 =	vmand vm8, vm4  }
0x129: {  	vm7 =	vmor vm9, vm7;
	vm8 =	vmand vm8, vm3;
	v0 =	vsel vm9, v2, v0  }
0x12a: {  	v1 =	vsel vm1, v1, v0;
	vm1 =	vmor vm1, vm7;
	vm7 =	vmand vm8, vm2  }
0x12b: {  	v60 =	vimm.f32 $0.0e+00;
	vm7 =	vmand vm7, vm1  }
0x12c: {  	v0 =	vsel vm7, $0x3F800000, v60  }
0x12d: {  	(xrf0) =	vmin.scan.msk.f32 $0xffff, v0;
	_ =	sdelay $0x5  }
0x12e: {  	v0, _, _ =	vpop (xrf0)  }
0x12f: {  	(v2sf) =	vpush v0, $0xF;
	_ =	sdelay $0xe  }
0x130: {  	p1 =	sgt.u32 s21, $0x11E;
	s23 =	spop (v2sf)  }
0x131: {  	p2 =	sgt.f32 @!p1 s23, $0.0e+00;
	_ =	sdelay $0x1  }
0x132: {  	p2 =	por p1, p2  }
.Ltmp5:
0x133: {  	_ = 	snop;
	(pc) =	sbr.rel @!p2 .LBB2_3-.Ltmp5, $4  }
0x134: {  	_ = 	snop  }
0x135: {  	v57 =	vld [tilespmem:$0x1FFF0]  }
0x136: {  	v56 =	vld [tilespmem:$0x1FFE0]  }
0x137: {  	s21 =	sadd.s32 $0x1, s21;
	s22 =	sadd.s32 $0x30, s22;
	v0 =	vld [tilespmem:$0x1FFD0]  }
0x138: {  	v24 =	vpsel p1, v62, v62;
	v23 =	vpsel p1, v58, v58;
	v20 =	vpsel p1, v49, v49  }
0x139: {  	v22 =	vpsel p1, v27, v27;
	v21 =	vpsel p1, v15, v15;
	v19 =	vpsel p1, v1, v1  }
.LBB2_5:
0x13a: {  	(erf) = vrcp.f32 v8  }
0x13b: {  	(erf) = vrcp.f32 v10;
	_ =	sdelay $0x7  }
0x13c: {  	v0 =	vpop (erf);
	(erf) = vrcp.f32 v12  }
0x13d: {  	v0 =	vmul.f32 v24, v0;
	v1 =	vpop (erf);
	(erf) = vrcp.f32 v14  }
0x13e: {  	v1 =	vmul.f32 v23, v1;
	(erf) = vrcp.f32 v13  }
0x13f: {  	v2 =	vshrl.u32 v0, $0x1;
	v3 =	vmul.f32 $5.000000000e-01, v0;
	(erf) = vrcp.f32 v16  }
0x140: {  	v2 =	vsub.s32 $0x5F3759DF, v2;
	v4 =	vshrl.u32 v1, $0x1;
	v5 =	vmul.f32 $5.000000000e-01, v1  }
0x141: {  	v6 =	vmul.f32 v2, v3;
	v4 =	vsub.s32 $0x5F3759DF, v4  }
0x142: {  	v7 =	vmul.f32 v4, v5  }
0x143: {  	v6 =	vmul.f32 v2, v6  }
0x144: {  	v7 =	vmul.f32 v4, v7  }
0x145: {  	v6 =	vsub.f32 $1.500000000e+00, v6  }
0x146: {  	v8 =	vpop (erf);
	v7 =	vsub.f32 $1.500000000e+00, v7  }
0x147: {  	v8 =	vmul.f32 v20, v8;
	v9 =	vpop (erf);
	v2 =	vmul.f32 v2, v6  }
0x148: {  	v9 =	vmul.f32 v22, v9;
	v10 =	vpop (erf);
	v4 =	vmul.f32 v4, v7  }
0x149: {  	v6 =	vshrl.u32 v8, $0x1;
	v7 =	vmul.f32 $5.000000000e-01, v8;
	v10 =	vmul.f32 v21, v10;
	v36 =	vpop (erf)  }
0x14a: {  	v6 =	vsub.s32 $0x5F3759DF, v6;
	v35 =	vmul.f32 $5.000000000e-01, v9;
	v13 =	vmul.f32 v19, v36  }
0x14b: {  	v11 =	vshrl.u32 v9, $0x1;
	v41 =	vmul.f32 v2, v3;
	v37 =	vmul.f32 v6, v7  }
0x14c: {  	v11 =	vsub.s32 $0x5F3759DF, v11;
	v38 =	vshrl.u32 v10, $0x1;
	v17 =	vmul.f32 $5.000000000e-01, v10  }
0x14d: {  	v42 =	vmul.f32 v4, v5;
	v15 =	vmul.f32 v11, v35;
	v16 =	vsub.s32 $0x5F3759DF, v38  }
0x14e: {  	v18 =	vshrl.u32 v13, $0x1;
	v19 =	vmul.f32 $5.000000000e-01, v13;
	v14 =	vmul.f32 v6, v37  }
0x14f: {  	v22 =	vmul.f32 v41, v2;
	v39 =	vmul.f32 v16, v17;
	v18 =	vsub.s32 $0x5F3759DF, v18  }
0x150: {  	v15 =	vmul.f32 v11, v15;
	v40 =	vmul.f32 v18, v19;
	v14 =	vsub.f32 $1.500000000e+00, v14  }
0x151: {  	v44 =	vmul.f32 v42, v4;
	v22 =	vsub.f32 $1.500000000e+00, v22;
	v20 =	vmul.f32 v16, v39  }
0x152: {  	v15 =	vsub.f32 $1.500000000e+00, v15;
	v21 =	vmul.f32 v18, v40;
	v6 =	vmul.f32 v6, v14  }
0x153: {  	v2 =	vmul.f32 v22, v2;
	v43 =	vsub.f32 $1.500000000e+00, v20;
	v20 =	vsub.f32 $1.500000000e+00, v44  }
0x154: {  	v11 =	vmul.f32 v11, v15;
	v45 =	vsub.f32 $1.500000000e+00, v21;
	v46 =	vmul.f32 v6, v7  }
0x155: {  	v14 =	vmul.f32 v16, v43;
	v4 =	vmul.f32 v20, v4  }
0x156: {  	v47 =	vmul.f32 v11, v35;
	v15 =	vmul.f32 v18, v45  }
0x157: {  	v48 =	vmul.f32 v46, v6;
	v49 =	vmul.f32 v14, v17  }
0x158: {  	v16 =	vmul.f32 v47, v11;
	v50 =	vmul.f32 v15, v19  }
0x159: {  	v3 =	vmul.f32 v2, v3;
	v21 =	vmul.f32 v49, v14;
	v18 =	vsub.f32 $1.500000000e+00, v48  }
0x15a: {  	v5 =	vmul.f32 v4, v5;
	v16 =	vsub.f32 $1.500000000e+00, v16;
	v23 =	vmul.f32 v50, v15  }
0x15b: {  	v3 =	vmul.f32 v3, v2;
	v51 =	vsub.f32 $1.500000000e+00, v21;
	v6 =	vmul.f32 v18, v6  }
0x15c: {  	v5 =	vmul.f32 v5, v4;
	v11 =	vmul.f32 v16, v11;
	v52 =	vsub.f32 $1.500000000e+00, v23  }
0x15d: {  	v14 =	vmul.f32 v51, v14;
	v7 =	vmul.f32 v6, v7  }
0x15e: {  	v15 =	vmul.f32 v52, v15;
	v12 =	vmul.f32 v11, v35  }
0x15f: {  	v3 =	vsub.f32 $1.500000000e+00, v3;
	v7 =	vmul.f32 v7, v6;
	v53 =	vmul.f32 v14, v17  }
0x160: {  	v5 =	vsub.f32 $1.500000000e+00, v5;
	v12 =	vmul.f32 v12, v11;
	v54 =	vmul.f32 v15, v19  }
0x161: {  	v2 =	vmul.f32 v3, v2;
	v3 =	vsub.f32 $1.500000000e+00, v7;
	v7 =	vmul.f32 v53, v14  }
0x162: {  	v4 =	vmul.f32 v5, v4;
	v5 =	vsub.f32 $1.500000000e+00, v12;
	v55 =	vmul.f32 v54, v15  }
0x163: {  	v0 =	vmul.f32 v2, v0;
	v58 =	vmul.f32 v3, v6;
	v3 =	vsub.f32 $1.500000000e+00, v7  }
0x164: {  	v1 =	vmul.f32 v4, v1;
	v4 =	vmul.f32 v5, v11;
	v6 =	vsub.f32 $1.500000000e+00, v55  }
0x165: {  	[tilespmem:$0xB408] =	vst v0;
	v7 =	vld [tilespmem:$0xB3E8];
	v59 =	vmul.f32 v58, v8;
	v60 =	vmul.f32 v3, v14  }
.Ltmp6:
0x166: {  	[tilespmem:$0xB418] =	vst v1;
	v5 =	vld [tilespmem:$0xB3A8];
	v61 =	vmul.f32 v4, v9;
	v3 =	vmul.f32 v6, v15;
	(pc) =	sbr.rel @p0 .LBB2_6-.Ltmp6, $4  }
0x167: {  	v8 =	vld [tilespmem:$0xB3B8];
	[tilespmem:$0xB428] =	vst v59;
	v62 =	vmul.f32 v60, v10  }
0x168: {  	v9 =	vld [tilespmem:$0xB3C8];
	[tilespmem:$0xB438] =	vst v61;
	v63 =	vmul.f32 v3, v13  }
0x169: {  	v6 =	vld [tilespmem:$0xB3F8];
	[tilespmem:$0xB448] =	vst v62  }
0x16a: {  	v10 =	vld [tilespmem:$0xB3D8];
	[tilespmem:$0xB458] =	vst v63  }
0x16b: {  	v16 =	vimm.f32 $0.0e+00;
	v29 =	vimm.f32 $0.0e+00;
	v51 =	vimm.f32 $0.0e+00  }
0x16c: {  	v58 =	vimm.f32 $0.0e+00;
	v59 =	vimm.f32 $0.0e+00;
	v43 =	vimm.f32 $0.0e+00  }
0x16d: {  	v37 =	vimm.f32 $0.0e+00;
	v35 =	vimm.f32 $0.0e+00;
	v38 =	vimm.f32 $0.0e+00  }
0x16e: {  	v30 =	vimm.f32 $0.0e+00;
	v11 =	vimm.f32 $0.0e+00;
	v41 =	vimm.f32 $0.0e+00  }
0x16f: {  	v44 =	vimm.f32 $0.0e+00;
	v42 =	vimm.f32 $0.0e+00;
	vm1 =	vmmov vm0  }
0x170: {  	vm2 =	vmmov vm0;
	vm3 =	vmmov vm0;
	vm4 =	vmmov vm0  }
0x171: {  	vm5 =	vmmov vm0;
	vm6 =	vmmov vm0;
	v39 =	vimm.f32 $0.0e+00  }
0x172: {  	s22 =	simm.s32 $0x0;
	s21 =	simm.s32 $0x6C20;
	v33 =	vimm.f32 $0.0e+00;
	v12 =	vimm.f32 $0.0e+00;
	v1 =	vimm.f32 $0.0e+00  }
.LBB2_8:
0x173: {  	v0 =	vld [tilespmem:s21+$0xFFFFFFE0];
	_ =	sdelay $0x4  }
0x174: {  	v36 =	vand.u32 $0xFFF, v0  }
0x175: {  	[tilespmem:$0x1FF40] =	vst v1;
	v1 =	vmulhi.u32 $0x5555556, v36;
	_ =	sdelay $0x1  }
0x176: {  	v2 =	vmul.u32 $0xFFD0, v1;
	_ =	sdelay $0x1  }
0x177: {  	v2 =	vadd.s32 v36, v2  }
0x178: {  	[tilespmem:$0x1FF30] =	vst v16;
	v16 =	vshrl.u32 v0, $0xC;
	v2 =	vand.u32 $0xFFFF, v2  }
0x179: {  	v4 =	vld [tilespmem:s21+$0x0];
	v3 =	vadd.s32 $0x3600, v36;
	v1 =	vsub.s32 v57, v1;
	v2 =	vsub.s32 v56, v2  }
0x17a: {  	v20 =	vadd.s32 $0x4800, v36;
	v1 =	vmul.u32 v1, v1;
	v2 =	vmul.u32 v2, v2  }
0x17b: {  	v47 =	vand.u32 $0xFFF, v16  }
0x17c: {  	v23 =	vmulhi.u32 $0x5555556, v47;
	v1 =	vadd.s32 v1, v2;
	_ =	sdelay $0x1  }
0x17d: {  	v16 =	vshll.u32 v4, $0x4;
	v25 =	vmul.u32 $0xFFD0, v23;
	v3 =	vld.idx.msk [tilespmem:v3+s2+$0x0], $0xffff  }
0x17e: {  	v24 =	vand.u32 $0xFF0, v16;
	v16 =	vshrl.u32 v4, $0x14;
	v26 =	vadd.s32 $0x3600, v47;
	v20 =	vld.idx.msk [tilespmem:v20+s2+$0x0], $0xffff  }
0x17f: {  	v62 =	vmulhi.u32 $0x5555556, v16;
	v25 =	vadd.s32 v47, v25;
	v2 =	vld [tilespmem:s21+$0xFFFFFFF0]  }
0x180: {  	v25 =	vand.u32 $0xFFFF, v25;
	v31 =	vld.idx.msk [tilespmem:v1+s13+$0x0], $0xffff;
	v1 =	vadd.s32 $0x3F00, v36  }
0x181: {  	v23 =	vsub.s32 v57, v23;
	v63 =	vmul.u32 $0x30, v62;
	v25 =	vsub.s32 v56, v25  }
0x182: {  	v0 =	vshrl.u32 v0, $0x18;
	v23 =	vmul.u32 v23, v23;
	v25 =	vmul.u32 v25, v25  }
0x183: {  	v60 =	vadd.s32 $0x5A00, v36;
	v52 =	vld.idx.msk [tilespmem:v26+s2+$0x0], $0xffff;
	v26 =	vsub.s32 v63, v16;
	v19 =	vadd.f32 v3, v12  }
0x184: {  	v26 =	vadd.s32 v26, v56;
	v39 =	vadd.f32 v20, v39;
	v23 =	vadd.s32 v23, v25  }
0x185: {  	vm8 =	vge.f32 v19, v5;
	v18 =	vshll.u32 v2, $0x8;
	v21 =	vshrl.u32 v2, $0x10;
	v1 =	vld.idx.msk [tilespmem:v1+s2+$0x0], $0xffff  }
0x186: {  	[tilespmem:$0x1FF20] =	vst v29;
	v29 =	vsub.f32 v9, v39;
	v18 =	vand.u32 $0xF00, v18;
	v21 =	vand.u32 $0xFFF, v21  }
0x187: {  	v22 =	vor.u32 v0, v18;
	v18 =	vsub.f32 v5, v19;
	v55 =	vmulhi.u32 $0x5555556, v21  }
0x188: {  	v0 =	vshrl.u32 v2, $0x4;
	v2 =	vshrl.u32 v2, $0x1C;
	v28 =	vmulhi.u32 $0x5555556, v22  }
0x189: {  	v32 =	vadd.s32 $0x3600, v22;
	v3 =	vmul.f32 v3, v31;
	v17 =	vmul.f32 v18, v31  }
0x18a: {  	v18 =	vor.u32 v2, v24;
	v20 =	vmul.f32 v20, v31;
	v33 =	vadd.f32 v1, v33  }
0x18b: {  	v2 =	vshrl.u32 v4, $0x8;
	v24 =	vmulhi.u32 $0x5555556, v24;
	v1 =	vmul.f32 v1, v31  }
0x18c: {  	v53 =	vmul.u32 $0xFFD0, v28;
	v4 =	vmulhi.u32 $0xAAAAAAAB, v4;
	v27 =	vsub.f32 v8, v33  }
0x18d: {  	v24 =	vsub.s32 v57, v24;
	v48 =	vadd.f32 v1, v30;
	v30 =	vadd.f32 v20, v38  }
0x18e: {  	v1 =	vmul.f32 v27, v31;
	v27 =	vand.u32 $0xFFF, v0;
	v0 =	vmul.f32 v29, v31  }
0x18f: {  	v3 =	vadd.f32 v3, v11;
	v4 =	vshrl.u32 v4, $0x19;
	v24 =	vmul.u32 v24, v24  }
0x190: {  	v4 =	vsub.s32 v57, v4;
	v54 =	vmulhi.u32 $0x5555556, v27;
	v0 =	vadd.f32 v0, v30  }
0x191: {  	v45 =	vadd.f32 v17, v3;
	v40 =	vadd.f32 v1, v48;
	v1 =	vadd.s32 v22, v53  }
0x192: {  	v17 =	vadd.s32 $0x5100, v36;
	[tilespmem:$0x1FF10] =	vst v0;
	v0 =	vand.u32 $0xFFFF, v1;
	v1 =	vmul.u32 $0xFFD0, v54  }
0x193: {  	v38 =	vadd.f32 v52, v19;
	v19 =	vsub.s32 v57, v28;
	v0 =	vsub.s32 v56, v0  }
0x194: {  	v19 =	vmul.u32 v19, v19;
	v1 =	vadd.s32 v27, v1;
	v0 =	vmul.u32 v0, v0  }
0x195: {  	v28 =	vmul.u32 $0xFFD0, v55;
	v20 =	vsub.s32 v57, v54;
	v1 =	vand.u32 $0xFFFF, v1  }
0x196: {  	v20 =	vmul.u32 v20, v20;
	v1 =	vsub.s32 v56, v1;
	v0 =	vadd.s32 v19, v0  }
0x197: {  	v19 =	vadd.s32 v21, v28;
	v28 =	vmulhi.u32 $0x5555556, v18;
	v1 =	vmul.u32 v1, v1  }
0x198: {  	v4 =	vmul.u32 v4, v4;
	v17 =	vld.idx.msk [tilespmem:v17+s2+$0x0], $0xffff;
	v49 =	vadd.s32 $0x3600, v27;
	v19 =	vand.u32 $0xFFFF, v19  }
0x199: {  	v29 =	vld.idx.msk [tilespmem:v23+s13+$0x0], $0xffff;
	v28 =	vmul.u32 $0x30, v28;
	v1 =	vadd.s32 v20, v1;
	v20 =	vand.u32 $0xFFF, v2  }
0x19a: {  	v23 =	vld.idx.msk [tilespmem:v32+s2+$0x0], $0xffff;
	v2 =	vsub.s32 v56, v19;
	v19 =	vsub.s32 v57, v55;
	v61 =	vmulhi.u32 $0x5555556, v20  }
0x19b: {  	v2 =	vmul.u32 v2, v2;
	v19 =	vmul.u32 v19, v19;
	v28 =	vsub.s32 v28, v18  }
0x19c: {  	vm7 =	vge.f32 v33, v8;
	v53 =	vadd.s32 $0x3600, v18;
	v28 =	vadd.s32 v28, v56  }
0x19d: {  	v50 =	vmul.u32 $0xFFD0, v61;
	v2 =	vadd.s32 v19, v2;
	v19 =	vadd.s32 $0x3600, v21  }
0x19e: {  	v42 =	vadd.f32 v17, v42;
	v25 =	vmul.f32 v52, v29;
	v52 =	vld.idx.msk [tilespmem:v60+s2+$0x0], $0xffff;
	v28 =	vmul.u32 v28, v28  }
0x19f: {  	v46 =	vadd.f32 v23, v38;
	v17 =	vmul.f32 v17, v31;
	v32 =	vld.idx.msk [tilespmem:v0+s13+$0x0], $0xffff;
	v50 =	vadd.s32 v20, v50  }
0x1a0: {  	v49 =	vld.idx.msk [tilespmem:v49+s2+$0x0], $0xffff;
	v3 =	vadd.f32 v25, v3;
	v34 =	vadd.s32 v24, v28;
	v50 =	vand.u32 $0xFFFF, v50  }
0x1a1: {  	v0 =	vsub.s32 v57, v61;
	v28 =	vld.idx.msk [tilespmem:v1+s13+$0x0], $0xffff;
	v1 =	vadd.s32 $0x3600, v20;
	v50 =	vsub.s32 v56, v50  }
0x1a2: {  	v63 =	vsub.f32 v10, v42;
	v0 =	vmul.u32 v0, v0;
	v60 =	vmul.u32 v50, v50;
	v19 =	vld.idx.msk [tilespmem:v19+s2+$0x0], $0xffff  }
0x1a3: {  	[tilespmem:$0x1FF00] =	vst v51;
	v61 =	vadd.s32 $0x3600, v16;
	v57 =	vsub.f32 v5, v38;
	v24 =	vld.idx.msk [tilespmem:v2+s13+$0x0], $0xffff;
	v2 =	vmul.u32 v26, v26  }
0x1a4: {  	v62 =	vld.idx.msk [tilespmem:v53+s2+$0x0], $0xffff;
	vm14 =	vge.f32 v46, v5;
	v23 =	vmul.f32 v23, v32;
	v0 =	vadd.s32 v0, v60  }
0x1a5: {  	v54 =	vadd.f32 v49, v46;
	v51 =	vmul.f32 v57, v29;
	v25 =	vld.idx.msk [tilespmem:v34+s13+$0x0], $0xffff;
	v2 =	vadd.s32 v4, v2  }
0x1a6: {  	v4 =	vadd.f32 v17, v35;
	v17 =	vadd.f32 v23, v3;
	v56 =	vmul.f32 v49, v28;
	v1 =	vld.idx.msk [tilespmem:v1+s2+$0x0], $0xffff  }
0x1a7: {  	v44 =	vadd.f32 v52, v44;
	vm13 =	vge.f32 v54, v5;
	v53 =	vadd.f32 v19, v54  }
0x1a8: {  	v55 =	vld.idx.msk [tilespmem:v61+s2+$0x0], $0xffff;
	v3 =	vadd.f32 v51, v3;
	v35 =	vadd.f32 v56, v17;
	v19 =	vmul.f32 v19, v24  }
0x1a9: {  	v49 =	vmul.f32 v63, v31;
	v23 =	vld.idx.msk [tilespmem:v0+s13+$0x0], $0xffff;
	v0 =	vsub.f32 v5, v46;
	v56 =	vadd.f32 v62, v53  }
0x1aa: {  	v51 =	vadd.s32 $0x3F00, v47;
	v57 =	vadd.f32 v19, v35;
	v19 =	vmul.f32 v62, v25;
	v26 =	vld.idx.msk [tilespmem:v2+s13+$0x0], $0xffff  }
0x1ab: {  	v2 =	vadd.s32 $0x6300, v36;
	v0 =	vmul.f32 v0, v32;
	v36 =	vadd.f32 v1, v56  }
0x1ac: {  	v34 =	vmovc v58;
	v58 =	vadd.s32 $0x4800, v47;
	v50 =	vadd.f32 v19, v57;
	v63 =	vsub.f32 v5, v56  }
0x1ad: {  	vm12 =	vge.f32 v53, v5;
	v0 =	vadd.f32 v0, v17;
	v17 =	vsub.f32 v5, v54  }
0x1ae: {  	vm15 =	vge.f32 v56, v5;
	v11 =	vadd.f32 v55, v36;
	v19 =	vmovc v59;
	v59 =	vsub.f32 v5, v53  }
0x1af: {  	v60 =	vsub.f32 v5, v36;
	v1 =	vmul.f32 v1, v23;
	v55 =	vmul.f32 v55, v26  }
0x1b0: {  	vm9 =	vge.f32 v36, v5;
	v62 =	vmul.f32 v17, v28;
	v59 =	vmul.f32 v59, v24  }
0x1b1: {  	v2 =	vld.idx.msk [tilespmem:v2+s2+$0x0], $0xffff;
	v61 =	vsub.f32 v5, v11;
	v60 =	vmul.f32 v60, v23;
	v1 =	vadd.f32 v1, v50  }
0x1b2: {  	vm10 =	vge.f32 v11, v5;
	v35 =	vadd.f32 v62, v35;
	v57 =	vadd.f32 v59, v57  }
0x1b3: {  	v59 =	vmul.f32 v63, v25;
	v63 =	vld.idx.msk [tilespmem:v58+s2+$0x0], $0xffff;
	v58 =	vadd.s32 $0x5A00, v47;
	v12 =	vadd.f32 v55, v1  }
0x1b4: {  	v55 =	vmul.f32 v61, v26;
	v61 =	vadd.s32 $0x5100, v47;
	v1 =	vadd.f32 v60, v1  }
0x1b5: {  	v60 =	vsub.f32 v7, v44;
	v50 =	vadd.f32 v59, v50;
	v59 =	vmul.f32 v52, v31  }
0x1b6: {  	v46 =	vadd.f32 v2, v41;
	v2 =	vmul.f32 v2, v31;
	v55 =	vadd.f32 v55, v12  }
0x1b7: {  	v41 =	vadd.f32 v49, v4;
	v62 =	vmul.f32 v60, v31;
	v60 =	vadd.s32 $0x3F00, v21  }
0x1b8: {  	v56 =	vsub.f32 v6, v46;
	v2 =	vadd.f32 v2, v43;
	v1 =	vsel vm9, v1, v55  }
0x1b9: {  	vm9 =	vmor vm9, vm10;
	v55 =	vadd.s32 $0x4800, v27;
	v1 =	vsel vm15, v50, v1  }
0x1ba: {  	vm9 =	vmor vm15, vm9;
	v31 =	vmul.f32 v56, v31;
	v1 =	vsel vm12, v57, v1  }
0x1bb: {  	v50 =	vld.idx.msk [tilespmem:v61+s2+$0x0], $0xffff;
	vm9 =	vmor vm12, vm9;
	v57 =	vadd.s32 $0x3F00, v22;
	v1 =	vsel vm13, v35, v1  }
0x1bc: {  	vm15 =	vge.f32 v38, v5;
	vm9 =	vmor vm13, vm9;
	v0 =	vsel vm14, v0, v1;
	v1 =	vld.idx.msk [tilespmem:v51+s2+$0x0], $0xffff  }
0x1bd: {  	v56 =	vadd.s32 $0x5100, v22;
	v31 =	vadd.f32 v31, v2;
	vm9 =	vmor vm14, vm9  }
0x1be: {  	v35 =	vadd.f32 v63, v39;
	v0 =	vsel vm15, v3, v0;
	vm10 =	vmor vm15, vm9  }
0x1bf: {  	v3 =	vadd.f32 v59, v37;
	v59 =	vadd.s32 $0x6300, v47;
	v47 =	vadd.s32 $0x4800, v22  }
0x1c0: {  	vm9 =	vge.f32 v39, v9;
	v39 =	vadd.s32 $0x3F00, v27;
	v37 =	vadd.f32 v50, v42;
	v53 =	vld.idx.msk [tilespmem:v57+s2+$0x0], $0xffff  }
0x1c1: {  	v36 =	vadd.f32 v62, v3;
	v62 =	vmul.f32 v63, v29;
	v38 =	vadd.f32 v1, v33  }
0x1c2: {  	v52 =	vld.idx.msk [tilespmem:v58+s2+$0x0], $0xffff;
	v50 =	vmul.f32 v50, v29;
	v63 =	vsub.f32 v9, v35;
	v1 =	vmul.f32 v1, v29  }
0x1c3: {  	v55 =	vld.idx.msk [tilespmem:v55+s2+$0x0], $0xffff;
	v0 =	vsel vm8, v45, v0;
	v30 =	vadd.f32 v62, v30;
	v61 =	vsub.f32 v8, v38  }
0x1c4: {  	v62 =	vmul.f32 v63, v29;
	v54 =	vld.idx.msk [tilespmem:v47+s2+$0x0], $0xffff;
	v47 =	vadd.s32 $0x3F00, v18;
	v1 =	vadd.f32 v1, v48  }
0x1c5: {  	v39 =	vld.idx.msk [tilespmem:v39+s2+$0x0], $0xffff;
	v58 =	vadd.f32 v53, v38;
	v48 =	vmul.f32 v61, v29;
	v61 =	vsub.f32 v10, v37  }
0x1c6: {  	v4 =	vadd.f32 v50, v4;
	v49 =	vld.idx.msk [tilespmem:v59+s2+$0x0], $0xffff;
	v59 =	vadd.s32 $0x3F00, v20;
	v51 =	vadd.f32 v62, v30  }
0x1c7: {  	v33 =	vld.idx.msk [tilespmem:v60+s2+$0x0], $0xffff;
	v50 =	vmul.f32 v53, v32;
	v60 =	vsub.f32 v8, v58;
	v63 =	vmul.f32 v61, v29  }
0x1c8: {  	v57 =	vadd.f32 v48, v1;
	v48 =	vmul.f32 v52, v29;
	v61 =	vadd.s32 $0x3F00, v16  }
0x1c9: {  	v53 =	vadd.f32 v54, v35;
	v62 =	vld.idx.msk [tilespmem:v47+s2+$0x0], $0xffff;
	v1 =	vadd.f32 v50, v1;
	v50 =	vmul.f32 v60, v32  }
0x1ca: {  	v56 =	vld.idx.msk [tilespmem:v56+s2+$0x0], $0xffff;
	v60 =	vadd.f32 v39, v58;
	v39 =	vmul.f32 v39, v28;
	v43 =	vadd.f32 v63, v4  }
0x1cb: {  	v48 =	vadd.f32 v48, v3;
	v3 =	vmul.f32 v49, v29;
	v45 =	vadd.f32 v55, v53  }
0x1cc: {  	[tilespmem:$0x1FF60] =	vst v11;
	v59 =	vld.idx.msk [tilespmem:v59+s2+$0x0], $0xffff;
	v63 =	vadd.f32 v50, v1;
	v11 =	vadd.f32 v33, v60  }
0x1cd: {  	v1 =	vadd.f32 v39, v1;
	v47 =	vadd.f32 v3, v2;
	v2 =	vmul.f32 v54, v32  }
0x1ce: {  	v13 =	vadd.s32 $0x4800, v21;
	v3 =	vsub.f32 v9, v53;
	v61 =	vld.idx.msk [tilespmem:v61+s2+$0x0], $0xffff;
	v39 =	vadd.f32 v62, v11  }
0x1cf: {  	v33 =	vmul.f32 v33, v24;
	v2 =	vadd.f32 v2, v30;
	v30 =	vmul.f32 v56, v32  }
0x1d0: {  	[tilespmem:$0x1FF50] =	vst v12;
	v12 =	vsub.f32 v8, v11;
	v3 =	vmul.f32 v3, v32;
	v14 =	vsub.f32 v8, v39  }
0x1d1: {  	v50 =	vadd.f32 v30, v4;
	v30 =	vmul.f32 v62, v25;
	v62 =	vadd.f32 v59, v39  }
0x1d2: {  	v12 =	vmul.f32 v12, v24;
	v54 =	vadd.f32 v3, v2;
	v4 =	vadd.f32 v33, v1  }
0x1d3: {  	v3 =	vmul.f32 v55, v28;
	v59 =	vmul.f32 v59, v23;
	v33 =	vadd.f32 v61, v62  }
0x1d4: {  	v13 =	vld.idx.msk [tilespmem:v13+s2+$0x0], $0xffff;
	v14 =	vmul.f32 v14, v25;
	v30 =	vadd.f32 v30, v4;
	v15 =	vsub.f32 v8, v62  }
0x1d5: {  	v61 =	vmul.f32 v61, v26;
	v2 =	vadd.f32 v3, v2;
	v17 =	vsub.f32 v8, v33  }
0x1d6: {  	v3 =	vadd.f32 v12, v4;
	v59 =	vadd.f32 v59, v30;
	v4 =	vmul.f32 v15, v23  }
0x1d7: {  	v12 =	vadd.f32 v14, v30;
	v14 =	vmul.f32 v17, v26;
	v17 =	vadd.s32 $0x4800, v18  }
0x1d8: {  	vm8 =	vmor vm8, vm10;
	vm15 =	vge.f32 v60, v8;
	v30 =	vadd.f32 v61, v59  }
0x1d9: {  	vm14 =	vge.f32 v11, v8;
	v55 =	vadd.f32 v13, v45;
	v4 =	vadd.f32 v4, v59  }
0x1da: {  	v59 =	vsel vm6, v19, v0;
	v0 =	vadd.s32 $0x4800, v20;
	v14 =	vadd.f32 v14, v30  }
0x1db: {  	v11 =	vmul.f32 v13, v24;
	vm13 =	vge.f32 v39, v8;
	vm12 =	vge.f32 v62, v8  }
0x1dc: {  	v13 =	vsub.f32 v9, v55;
	v15 =	vsub.f32 v8, v60;
	v4 =	vsel vm12, v4, v14;
	v17 =	vld.idx.msk [tilespmem:v17+s2+$0x0], $0xffff  }
0x1dd: {  	v14 =	vsub.f32 v9, v45;
	v4 =	vsel vm13, v12, v4;
	v12 =	vadd.s32 $0x4800, v16  }
0x1de: {  	v11 =	vadd.f32 v11, v2;
	v15 =	vmul.f32 v15, v28;
	vm6 =	vmor vm6, vm8  }
0x1df: {  	vm8 =	vge.f32 v33, v8;
	v0 =	vld.idx.msk [tilespmem:v0+s2+$0x0], $0xffff;
	v3 =	vsel vm14, v3, v4;
	v4 =	vmul.f32 v14, v28  }
0x1e0: {  	v13 =	vmul.f32 v13, v24;
	vm8 =	vmor vm12, vm8;
	v1 =	vadd.f32 v15, v1  }
0x1e1: {  	vm8 =	vmor vm13, vm8;
	v2 =	vadd.f32 v4, v2;
	v4 =	vadd.f32 v17, v55  }
0x1e2: {  	v13 =	vadd.f32 v13, v11;
	vm8 =	vmor vm14, vm8;
	v15 =	vmul.f32 v17, v25;
	v12 =	vld.idx.msk [tilespmem:v12+s2+$0x0], $0xffff  }
0x1e3: {  	v14 =	vadd.s32 $0x5100, v27;
	v1 =	vsel vm15, v1, v3;
	v3 =	vsub.f32 v9, v4  }
0x1e4: {  	vm8 =	vmor vm15, vm8;
	v11 =	vadd.f32 v15, v11;
	v15 =	vadd.f32 v0, v4  }
0x1e5: {  	vm12 =	vge.f32 v58, v8;
	v17 =	vadd.s32 $0x5100, v21;
	v0 =	vmul.f32 v0, v23  }
0x1e6: {  	vm8 =	vmor vm12, vm8;
	v3 =	vmul.f32 v3, v25;
	v60 =	vsub.f32 v9, v15  }
0x1e7: {  	vm13 =	vge.f32 v38, v8;
	v0 =	vadd.f32 v0, v11;
	v39 =	vadd.f32 v12, v15  }
0x1e8: {  	v14 =	vld.idx.msk [tilespmem:v14+s2+$0x0], $0xffff;
	v12 =	vmul.f32 v12, v26;
	v3 =	vadd.f32 v3, v11;
	v11 =	vmul.f32 v60, v23  }
0x1e9: {  	v56 =	vadd.f32 v56, v37;
	vm10 =	vmor vm13, vm8;
	v61 =	vsub.f32 v9, v39  }
0x1ea: {  	v17 =	vld.idx.msk [tilespmem:v17+s2+$0x0], $0xffff;
	v38 =	vadd.f32 v12, v0;
	v11 =	vadd.f32 v11, v0;
	v0 =	vadd.s32 $0x5100, v18  }
0x1eb: {  	vm8 =	vge.f32 v42, v10;
	v1 =	vsel vm12, v63, v1;
	v12 =	vmul.f32 v61, v26  }
0x1ec: {  	v63 =	vadd.s32 $0x5100, v20;
	vm12 =	vge.f32 v55, v9;
	v1 =	vsel vm13, v57, v1  }
0x1ed: {  	v1 =	vsel vm7, v40, v1;
	v62 =	vadd.f32 v14, v56;
	v12 =	vadd.f32 v12, v38  }
0x1ee: {  	vm7 =	vmor vm7, vm10;
	v58 =	vsel vm5, v34, v1;
	vm14 =	vge.f32 v15, v9  }
0x1ef: {  	v1 =	vadd.f32 v17, v62;
	v0 =	vld.idx.msk [tilespmem:v0+s2+$0x0], $0xffff;
	v11 =	vsel vm14, v11, v12;
	v12 =	vadd.s32 $0x5100, v16  }
0x1f0: {  	vm13 =	vge.f32 v45, v9;
	vm5 =	vmor vm5, vm7;
	v14 =	vmul.f32 v14, v28  }
0x1f1: {  	vm15 =	vge.f32 v4, v9;
	vm7 =	vge.f32 v39, v9;
	v4 =	vsub.f32 v10, v1  }
0x1f2: {  	v14 =	vadd.f32 v14, v50;
	v15 =	vmul.f32 v17, v24;
	v3 =	vsel vm15, v3, v11;
	v11 =	vld.idx.msk [tilespmem:v63+s2+$0x0], $0xffff  }
0x1f3: {  	v40 =	vadd.f32 v52, v44;
	vm7 =	vmor vm14, vm7;
	v4 =	vmul.f32 v4, v24  }
0x1f4: {  	v3 =	vsel vm12, v13, v3;
	v13 =	vadd.f32 v15, v14;
	v15 =	vadd.f32 v0, v1;
	v12 =	vld.idx.msk [tilespmem:v12+s2+$0x0], $0xffff  }
0x1f5: {  	v34 =	vadd.f32 v49, v46;
	vm7 =	vmor vm15, vm7;
	v0 =	vmul.f32 v0, v25  }
0x1f6: {  	v2 =	vsel vm13, v2, v3;
	v4 =	vadd.f32 v4, v13;
	v3 =	vsub.f32 v10, v15  }
0x1f7: {  	vm7 =	vmor vm12, vm7;
	v0 =	vadd.f32 v0, v13;
	v13 =	vadd.f32 v11, v15  }
0x1f8: {  	v17 =	vsub.f32 v7, v40;
	vm7 =	vmor vm13, vm7;
	v3 =	vmul.f32 v3, v25  }
0x1f9: {  	vm14 =	vge.f32 v53, v9;
	v11 =	vmul.f32 v11, v23;
	v42 =	vadd.f32 v12, v13  }
0x1fa: {  	vm7 =	vmor vm14, vm7;
	vm15 =	vge.f32 v35, v9;
	v3 =	vadd.f32 v3, v0  }
0x1fb: {  	v0 =	vadd.f32 v11, v0;
	v11 =	vmul.f32 v12, v26;
	v12 =	vsub.f32 v10, v42  }
0x1fc: {  	v17 =	vmul.f32 v17, v29;
	vm10 =	vmor vm15, vm7;
	vm7 =	vge.f32 v44, v7  }
0x1fd: {  	v45 =	vsub.f32 v10, v13;
	v35 =	vadd.f32 v11, v0;
	v11 =	vmul.f32 v12, v26;
	v12 =	vld [tilespmem:$0x1FF10]  }
0x1fe: {  	v2 =	vsel vm14, v54, v2;
	vm14 =	vge.f32 v15, v10;
	v15 =	vsub.f32 v10, v56  }
0x1ff: {  	v2 =	vsel vm15, v51, v2;
	vm15 =	vge.f32 v1, v10;
	v55 =	vmul.f32 v45, v23  }
0x200: {  	v54 =	vld [tilespmem:$0x1FF00];
	vm12 =	vge.f32 v13, v10;
	v1 =	vmul.f32 v15, v32;
	v15 =	vadd.s32 $0x6300, v27  }
0x201: {  	v13 =	vadd.s32 $0x6300, v22;
	v45 =	vadd.f32 v17, v48;
	v0 =	vadd.f32 v55, v0  }
0x202: {  	v11 =	vadd.f32 v11, v35;
	v2 =	vsel vm9, v12, v2;
	v12 =	vadd.s32 $0x5A00, v22  }
0x203: {  	v1 =	vadd.f32 v1, v50;
	v17 =	vadd.s32 $0x5A00, v20;
	v20 =	vadd.s32 $0x6300, v20  }
0x204: {  	vm13 =	vge.f32 v42, v10;
	v0 =	vsel vm12, v0, v11;
	v11 =	vsub.f32 v10, v62  }
0x205: {  	vm9 =	vmor vm9, vm10;
	v0 =	vsel vm14, v3, v0;
	v51 =	vsel vm4, v54, v2  }
0x206: {  	v2 =	vsub.f32 v6, v34;
	vm4 =	vmor vm4, vm9;
	vm9 =	vmor vm12, vm13  }
0x207: {  	v11 =	vmul.f32 v11, v28;
	v0 =	vsel vm15, v4, v0;
	v3 =	vld.idx.msk [tilespmem:v12+s2+$0x0], $0xffff;
	v12 =	vadd.s32 $0x5A00, v27  }
0x208: {  	v13 =	vld.idx.msk [tilespmem:v13+s2+$0x0], $0xffff;
	vm12 =	vge.f32 v62, v10;
	v4 =	vadd.s32 $0x5A00, v21;
	vm13 =	vge.f32 v56, v10  }
0x209: {  	v21 =	vadd.s32 $0x6300, v21;
	vm9 =	vmor vm14, vm9;
	v11 =	vadd.f32 v11, v14  }
0x20a: {  	v15 =	vld.idx.msk [tilespmem:v15+s2+$0x0], $0xffff;
	vm14 =	vge.f32 v37, v10;
	vm9 =	vmor vm15, vm9;
	v2 =	vmul.f32 v2, v29  }
0x20b: {  	vm9 =	vmor vm12, vm9;
	v0 =	vsel vm12, v11, v0;
	v11 =	vadd.s32 $0x5A00, v18  }
0x20c: {  	vm9 =	vmor vm13, vm9;
	v22 =	vadd.f32 v2, v47;
	v27 =	vadd.s32 $0x5A00, v16;
	v12 =	vld.idx.msk [tilespmem:v12+s2+$0x0], $0xffff  }
0x20d: {  	v0 =	vsel vm13, v1, v0;
	v2 =	vld.idx.msk [tilespmem:v4+s2+$0x0], $0xffff;
	v4 =	vadd.f32 v13, v34;
	v13 =	vmul.f32 v13, v32  }
0x20e: {  	vm10 =	vmor vm14, vm9;
	v14 =	vadd.f32 v3, v40;
	v3 =	vmul.f32 v3, v32  }
0x20f: {  	vm9 =	vge.f32 v46, v6;
	v13 =	vadd.f32 v13, v47;
	v47 =	vadd.f32 v15, v4  }
0x210: {  	v0 =	vsel vm14, v43, v0;
	v11 =	vld.idx.msk [tilespmem:v11+s2+$0x0], $0xffff;
	v1 =	vadd.f32 v3, v48;
	v3 =	vsub.f32 v7, v14  }
0x211: {  	v29 =	vsub.f32 v6, v4;
	v15 =	vmul.f32 v15, v28;
	v43 =	vadd.f32 v12, v14  }
0x212: {  	v17 =	vld.idx.msk [tilespmem:v17+s2+$0x0], $0xffff;
	v62 =	vsub.f32 v6, v47;
	v3 =	vmul.f32 v3, v32;
	v12 =	vmul.f32 v12, v28  }
0x213: {  	v29 =	vmul.f32 v29, v32;
	v60 =	vsub.f32 v7, v43;
	v46 =	vadd.f32 v2, v43  }
0x214: {  	v27 =	vld.idx.msk [tilespmem:v27+s2+$0x0], $0xffff;
	v3 =	vadd.f32 v3, v1;
	v1 =	vadd.f32 v12, v1;
	v2 =	vmul.f32 v2, v24  }
0x215: {  	v12 =	vadd.f32 v29, v13;
	v29 =	vmul.f32 v60, v28;
	v61 =	vadd.f32 v11, v46  }
0x216: {  	v13 =	vadd.f32 v15, v13;
	v2 =	vadd.f32 v2, v1;
	v11 =	vmul.f32 v11, v25  }
0x217: {  	v18 =	vadd.s32 $0x6300, v18;
	v1 =	vadd.f32 v29, v1;
	v29 =	vadd.f32 v17, v61  }
0x218: {  	v11 =	vadd.f32 v11, v2;
	v63 =	vsub.f32 v7, v61;
	v17 =	vmul.f32 v17, v23  }
0x219: {  	v15 =	vmul.f32 v62, v28;
	v52 =	vsub.f32 v7, v29;
	v44 =	vadd.f32 v27, v29  }
0x21a: {  	v28 =	vmul.f32 v63, v25;
	v17 =	vadd.f32 v17, v11;
	vm15 =	vge.f32 v29, v7;
	v29 =	vld [tilespmem:$0x1FF20]  }
0x21b: {  	v27 =	vmul.f32 v27, v26;
	v53 =	vmul.f32 v52, v23;
	v54 =	vsub.f32 v7, v44  }
0x21c: {  	v16 =	vadd.s32 $0x6300, v16;
	v0 =	vsel vm8, v41, v0;
	v11 =	vadd.f32 v28, v11  }
0x21d: {  	v37 =	vadd.f32 v27, v17;
	v28 =	vadd.f32 v53, v17;
	v17 =	vld.idx.msk [tilespmem:v21+s2+$0x0], $0xffff;
	v55 =	vmul.f32 v54, v26  }
0x21e: {  	vm8 =	vmor vm8, vm10;
	vm14 =	vge.f32 v43, v7;
	v27 =	vsub.f32 v7, v46  }
0x21f: {  	v18 =	vld.idx.msk [tilespmem:v18+s2+$0x0], $0xffff;
	vm13 =	vge.f32 v46, v7;
	v29 =	vsel vm3, v29, v0;
	v0 =	vadd.f32 v55, v37  }
0x220: {  	v15 =	vadd.f32 v15, v13;
	vm12 =	vge.f32 v61, v7;
	v60 =	vmul.f32 v27, v24  }
0x221: {  	vm3 =	vmor vm3, vm8;
	vm8 =	vge.f32 v44, v7;
	v0 =	vsel vm15, v28, v0  }
0x222: {  	v20 =	vld.idx.msk [tilespmem:v20+s2+$0x0], $0xffff;
	vm8 =	vmor vm15, vm8;
	v0 =	vsel vm12, v11, v0;
	v11 =	vadd.f32 v17, v47  }
0x223: {  	v2 =	vadd.f32 v60, v2;
	vm8 =	vmor vm12, vm8;
	v17 =	vmul.f32 v17, v24  }
0x224: {  	v16 =	vld.idx.msk [tilespmem:v16+s2+$0x0], $0xffff;
	vm8 =	vmor vm13, vm8;
	vm15 =	vge.f32 v14, v7;
	v61 =	vadd.f32 v18, v11  }
0x225: {  	v0 =	vsel vm13, v2, v0;
	v13 =	vadd.f32 v17, v13;
	v17 =	vmul.f32 v18, v25  }
0x226: {  	vm8 =	vmor vm14, vm8;
	v0 =	vsel vm14, v1, v0;
	v18 =	vsub.f32 v6, v61  }
0x227: {  	v1 =	vadd.f32 v20, v61;
	v17 =	vadd.f32 v17, v13;
	v20 =	vmul.f32 v20, v23  }
0x228: {  	vm12 =	vge.f32 v40, v7;
	v2 =	vsub.f32 v6, v11;
	v14 =	vmul.f32 v18, v25  }
0x229: {  	v41 =	vadd.f32 v16, v1;
	v18 =	vadd.f32 v20, v17;
	v16 =	vmul.f32 v16, v26  }
0x22a: {  	v0 =	vsel vm15, v3, v0;
	v2 =	vmul.f32 v2, v24;
	v3 =	vsub.f32 v6, v1  }
0x22b: {  	vm8 =	vmor vm15, vm8;
	v63 =	vsub.f32 v6, v41;
	v43 =	vadd.f32 v16, v18;
	v16 =	vld [tilespmem:$0x1FF30]  }
0x22c: {  	vm8 =	vmor vm12, vm8;
	v0 =	vsel vm12, v45, v0;
	v2 =	vadd.f32 v2, v13  }
0x22d: {  	v13 =	vadd.f32 v14, v17;
	v3 =	vmul.f32 v3, v23;
	v14 =	vmul.f32 v63, v26  }
0x22e: {  	vm14 =	vge.f32 v47, v6;
	v0 =	vsel vm7, v36, v0;
	vm7 =	vmor vm7, vm8  }
0x22f: {  	vm8 =	vge.f32 v1, v6;
	v3 =	vadd.f32 v3, v18;
	v14 =	vadd.f32 v14, v43  }
0x230: {  	v16 =	vsel vm2, v16, v0;
	vm2 =	vmor vm2, vm7;
	vm7 =	vge.f32 v41, v6  }
0x231: {  	vm13 =	vge.f32 v61, v6;
	v0 =	vsel vm8, v3, v14;
	vm7 =	vmor vm8, vm7  }
0x232: {  	vm8 =	vge.f32 v11, v6;
	v0 =	vsel vm13, v13, v0;
	vm7 =	vmor vm13, vm7  }
0x233: {  	vm15 =	vge.f32 v34, v6;
	v1 =	vld [tilespmem:$0x1FF40];
	v0 =	vsel vm8, v2, v0;
	vm7 =	vmor vm8, vm7  }
0x234: {  	vm8 =	vge.f32 v4, v6;
	v0 =	vsel vm14, v15, v0;
	vm7 =	vmor vm14, vm7  }
0x235: {  	v0 =	vsel vm8, v12, v0;
	vm7 =	vmor vm8, vm7;
	vm8 =	vmand vm6, vm5  }
0x236: {  	v0 =	vsel vm15, v22, v0;
	vm7 =	vmor vm15, vm7;
	vm8 =	vmand vm8, vm4  }
0x237: {  	v0 =	vsel vm9, v31, v0;
	vm7 =	vmor vm9, vm7;
	vm8 =	vmand vm8, vm3  }
0x238: {  	v1 =	vsel vm1, v1, v0;
	vm1 =	vmor vm1, vm7;
	vm7 =	vmand vm8, vm2  }
0x239: {  	v62 =	vimm.f32 $0.0e+00;
	vm7 =	vmand vm7, vm1  }
0x23a: {  	v0 =	vsel vm7, $0x3F800000, v62  }
0x23b: {  	(xrf0) =	vmin.scan.msk.f32 $0xffff, v0;
	_ =	sdelay $0x5  }
0x23c: {  	v0, _, _ =	vpop (xrf0)  }
0x23d: {  	(v2sf) =	vpush v0, $0xF;
	_ =	sdelay $0xe  }
0x23e: {  	p1 =	sgt.u32 s22, $0x11E;
	s23 =	spop (v2sf)  }
0x23f: {  	p2 =	sgt.f32 @!p1 s23, $0.0e+00;
	_ =	sdelay $0x1  }
0x240: {  	p2 =	por p1, p2  }
.Ltmp7:
0x241: {  	_ = 	snop;
	(pc) =	sbr.rel @!p2 .LBB2_8-.Ltmp7, $4  }
0x242: {  	v57 =	vld [tilespmem:$0x1FFF0]  }
0x243: {  	v56 =	vld [tilespmem:$0x1FFE0]  }
0x244: {  	v11 =	vld [tilespmem:$0x1FF50]  }
0x245: {  	s22 =	sadd.s32 $0x1, s22;
	s21 =	sadd.s32 $0x30, s21;
	v12 =	vld [tilespmem:$0x1FF60]  }
.Ltmp8:
0x246: {  	(pc) =	sbr.rel .LBB2_10-.Ltmp8, $3  }
0x247: {  	_ =	sdelay $0x1  }
0x248: {  	v0 =	vpsel p1, v59, v59;
	v14 =	vpsel p1, v58, v58;
	v3 =	vpsel p1, v1, v1  }
0x249: {  	v13 =	vpsel p1, v51, v51;
	v12 =	vpsel p1, v29, v29;
	v4 =	vpsel p1, v16, v16;
	v1 =	vmovc v0  }
.LBB2_12:
0x24a: {  	_ =	sfence.sel $0x180000  }
0x24b: {  	[bflag:$0x0] =	sbarrier.arrive $0xFFFF  }
0x24c: {  	p0 =	sne.s32 s5, $0x0;
	_ =	strace $0x90000047  }
0x24d: {  	s0 =	sadd.s32 @!p0 $0x100000, s0;
	[bflag:$0x2] =	sbarrier.arrive $0xFFFF  }
0x24e: {  	[sflag:s0] =	ssyncadd.tile.s32 @!p0 $0x1;
	_ =	shalt  }
.Lfunc_end2:
_tile_overlayer_lowered:
.L_overlay_start_2:
0x24f: {  	(tag) =	ssettag $0x2  }
0x250: {  	s0 =	rddreg [dreg:$0x0];
	s2 =	stileid.u32  }
0x251: {  	s1 =	rddreg [dreg:$0x1];
	p0 =	sne.s32 s2, $0x0  }
0x252: {  	s3 =	rddreg [dreg:$0x2];
	[bflag:$0x3] =	sbarrier.arrive $0xFFFF;
	s2 =	simm.s32 @!p0 $0x1C01  }
0x253: {  	[timem:s3], [sflag:s2] =	dma.local @!p0 [hbm:s0], s1  }
0x254: {  	s0 =	simm.s32 @!p0 $0x1  }
0x255: {  	_ =	swait.ge @!p0 [sflag:s0], s1  }
0x256: {  	s1 =	ssub.s32 @!p0 $0x0, s1;
	[sflag:s0] =	ssyncset.done @!p0 $0x0  }
0x257: {  	[sflag:s0] =	ssyncadd.s32 @!p0 s1  }
0x258: {  	[bflag:$0x3] =	sbarrier.arrive $0xFFFF  }
0x259: {  	_ =	shalt  }

</sc_bundles>
